<compile_context>
chip_gen: v7x
topology: tpu7x:2x2x1
jax: 0.10.2.dev20260603
libtpu: 0.0.44.dev20260713+nightly
codegen_flags: <defaults>
</compile_context>

<pallas_src>
import functools

import jax
import jax.numpy as jnp
from jax import lax
from jax.experimental import pallas as pl
from jax.experimental.pallas import tpu as pltpu
from jax.experimental.pallas import tpu_sc as plsc

_B, _C, _HW = 32, 16, 128 * 128
_K = 500
_KP = 512
_NCHUNK = _KP // 16
_NROW = _C * _KP // 128


def _sc_body(out_hbm, idx_hbm, mask_hbm, tgt_hbm, part_hbm,
             idx_v, mask_v, tgt_v, ck_v, cvi_v, idxg_v, pred_v, out_v, sem0, sem1):
    b = lax.axis_index("s") * 2 + lax.axis_index("c")

    pltpu.sync_copy(idx_hbm.at[pl.ds(b * _KP, _KP)], idx_v)
    pltpu.sync_copy(mask_hbm.at[pl.ds(b * _KP, _KP)], mask_v)
    pltpu.sync_copy(tgt_hbm.at[b], tgt_v)

    lane = lax.iota(jnp.int32, 16)

    def compact(j, cnt):
        mb = mask_v[pl.ds(j * 16, 16)] > 0.5
        plsc.store_compressed(ck_v.at[pl.ds(cnt, 16)], lane + j * 16, mask=mb)
        plsc.store_compressed(cvi_v.at[pl.ds(cnt, 16)], idx_v[pl.ds(j * 16, 16)], mask=mb)
        pc = plsc.all_reduce_population_count(mb)
        return cnt + lax.reduce_max(pc, (0,))

    cnt = lax.fori_loop(0, _NCHUNK, compact, jnp.int32(0))
    ck_v[pl.ds(cnt, 16)] = jnp.full((16,), _KP - 1, jnp.int32)
    cvi_v[pl.ds(cnt, 16)] = jnp.zeros((16,), jnp.int32)
    cnt_pad = ((cnt + 15) // 16) * 16
    nch = cnt_pad // 16

    sems = (sem0, sem1)
    half_words = 8 * cnt_pad

    def issue(d, _, h=0):
        base = h * half_words
        pltpu.async_copy(out_hbm.at[idxg_v.at[pl.ds(base + d * 128, 128)]],
                         pred_v.at[pl.ds(base + d * 128, 128)], sems[h])
        return 0

    def drain(d, _, h=0):
        pltpu.make_async_copy(out_hbm.at[pl.ds(0, 128)],
                              pred_v.at[pl.ds(0, 128)], sems[h]).wait()
        return 0

    for h in range(2):
        for c in range(h * 8, (h + 1) * 8):
            base = (b * _C + c) * _HW

            def bld(jj, _, c=c, base=base):
                idxg_v[pl.ds(c * cnt_pad + jj * 16, 16)] = (
                    cvi_v[pl.ds(jj * 16, 16)] + base)
                return 0

            lax.fori_loop(0, nch, bld, 0)
        lax.fori_loop(0, nch, functools.partial(issue, h=h), 0)

    msum = lax.fori_loop(
        0, _NCHUNK,
        lambda j, a: a + mask_v[pl.ds(j * 16, 16)],
        jnp.zeros((16,), jnp.float32))

    acc = jnp.zeros((16,), jnp.float32)
    for h in range(2):
        lax.fori_loop(0, nch, functools.partial(drain, h=h), 0)
        for c in range(h * 8, (h + 1) * 8):
            def chunk(jj, a, c=c):
                p = pred_v[pl.ds(c * cnt_pad + jj * 16, 16)]
                ck = ck_v[pl.ds(jj * 16, 16)]
                m = plsc.load_gather(mask_v, [ck])
                t = plsc.load_gather(tgt_v, [c * 4 + (ck >> 7), ck & 127])
                return a + jnp.abs(m * p - t)

            acc = lax.fori_loop(0, nch, chunk, acc)

    out_v[pl.ds(0, 16)] = acc
    out_v[pl.ds(16, 16)] = msum
    pltpu.sync_copy(out_v, part_hbm.at[b])


_launch = functools.partial(
    pl.kernel,
    mesh=plsc.VectorSubcoreMesh(core_axis_name="c", subcore_axis_name="s"),
    out_type=jax.ShapeDtypeStruct((_B, 32), jnp.float32),
    scratch_types=[
        pltpu.VMEM((_KP,), jnp.int32),
        pltpu.VMEM((_KP,), jnp.float32),
        pltpu.VMEM((_NROW, 128), jnp.float32),
        pltpu.VMEM((_KP + 16,), jnp.int32),
        pltpu.VMEM((_KP + 16,), jnp.int32),
        pltpu.VMEM((_C * _KP,), jnp.int32),
        pltpu.VMEM((_C * _KP,), jnp.float32),
        pltpu.VMEM((32,), jnp.float32),
        pltpu.SemaphoreType.DMA,
        pltpu.SemaphoreType.DMA,
    ],
    compiler_params=pltpu.CompilerParams(needs_layout_passes=False),
)(_sc_body)


@jax.jit
def kernel(output, mask, index, target):
    pad = _KP - _K
    out_flat = output.reshape(-1)
    idx_p = jnp.pad(index.astype(jnp.int32), ((0, 0), (0, pad))).reshape(-1)
    mask_f = mask.astype(jnp.float32)
    mask_p = jnp.pad(mask_f, ((0, 0), (0, pad))).reshape(-1)
    tgt_t = jnp.transpose(target * mask_f[:, :, None], (0, 2, 1))
    tgt_p = jnp.pad(tgt_t, ((0, 0), (0, 0), (0, pad))).reshape(_B, _NROW, 128)
    parts = _launch(out_flat, idx_p, mask_p, tgt_p)
    s = jnp.sum(parts[:, :16])
    m = jnp.sum(parts[:, 16:])
    return s / (_C * m + 0.0001)

# --- scband reference (transcript-rebuilt; emitter-appended) ---
"""Pipeline reference for scband-reg-l1-loss-58935541236377 (READ-ONLY COPY).

The authoritative reference and input builder live on the scoring server;
editing this copy changes nothing except your own understanding.
"""

import jax, jax.numpy as jnp
import numpy as np


def setup_inputs(seed: int = 0) -> dict:
    key = jax.random.key(seed)
    k1, k2, k3, k4 = jax.random.split(key, 4)
    output = jax.random.normal(k1, (32, 16, 128, 128), dtype=jnp.float32)
    mask = jax.random.randint(k2, (32, 500), 0, 2)
    index = jax.random.randint(k3, (32, 500), 0, 128 * 128)
    target = jax.random.normal(k4, (32, 500, 16), dtype=jnp.float32)
    return {"output": output, "mask": mask, "index": index, "target": target}


def _transpose_and_gather_feature(feat, ind):
    # feat: [B, C, H, W] -> [B, H*W, C]; gather along token dim with ind [B, K]
    B, C, H, W = feat.shape
    feat = jnp.transpose(feat, (0, 2, 3, 1)).reshape(B, H * W, C)
    pred = jnp.take_along_axis(feat, ind[:, :, None], axis=1)  # [B, K, C]
    return pred


def reference(output, mask, index, target):
    pred = _transpose_and_gather_feature(output, index)  # [B, K, C]
    mask_e = jnp.broadcast_to(mask[:, :, None], pred.shape).astype(jnp.float32)
    loss = jnp.sum(jnp.abs(pred * mask_e - target * mask_e))
    loss = loss / (jnp.sum(mask_e) + 0.0001)
    return loss

if __name__ == "__main__":
    import jax
    _d = setup_inputs()
    print(jax.jit(kernel)(*tuple(_d.values())))

</pallas_src>

<mosaic_0001>
#map = affine_map<(d0, d1) -> (0)>
#map1 = affine_map<(d0, d1) -> (0, 0, 0)>
#map2 = affine_map<(d0, d1) -> (0, 0)>
module attributes {stable_mosaic.version = 14 : i64} {
  func.func @_sc_body(%arg0: i32, %arg1: i32, %arg2: memref<8388608xf32, #tpu.memory_space<hbm>>, %arg3: memref<16384xi32, #tpu.memory_space<hbm>>, %arg4: memref<16384xf32, #tpu.memory_space<hbm>>, %arg5: memref<32x64x128xf32, #tpu.memory_space<hbm>>, %arg6: memref<32x32xf32, #tpu.memory_space<hbm>>, %arg7: memref<512xi32, #tpu.memory_space<vmem>>, %arg8: memref<512xf32, #tpu.memory_space<vmem>>, %arg9: memref<64x128xf32, #tpu.memory_space<vmem>>, %arg10: memref<528xi32, #tpu.memory_space<vmem>>, %arg11: memref<528xi32, #tpu.memory_space<vmem>>, %arg12: memref<8192xi32, #tpu.memory_space<vmem>>, %arg13: memref<8192xf32, #tpu.memory_space<vmem>>, %arg14: memref<32xf32, #tpu.memory_space<vmem>>, %arg15: memref<!tpu.dma_semaphore, #tpu.memory_space<semaphore_mem>>, %arg16: memref<!tpu.dma_semaphore, #tpu.memory_space<semaphore_mem>>) attributes {dimension_semantics = [#tpu.dimension_semantics<core_parallel>, #tpu.dimension_semantics<subcore_parallel>], iteration_bounds = array<i64: 2, 16>, scalar_prefetch = 0 : i64, scratch_operands = 10 : i64, tpu.core_type = #tpu.core_type<sc_vector_subcore>, window_params = [{transform_indices = #map}, {transform_indices = #map}, {transform_indices = #map}, {transform_indices = #map1}, {transform_indices = #map2}]} {
    %mul3A = arith.constant 2 : i32
    %mul3A_0 = arith.muli %arg1, %mul3A : i32
    %add3A = arith.addi %mul3A_0, %arg0 : i32
    %mul3A_1 = arith.constant 512 : i32
    %mul3A_2 = arith.muli %add3A, %mul3A_1 : i32
    "tpu.region"() ({
      %run_scoped3A = tpu.sem_alloc : memref<!tpu.dma_semaphore, #tpu.memory_space<semaphore_mem>>
      %dma_start3A = tpu.memref_slice %arg3[%mul3A_2] : memref<16384xi32, #tpu.memory_space<hbm>> -> memref<512xi32, #tpu.memory_space<hbm>>
      %dma_start3A_588 = tpu.memref_slice %arg3[%mul3A_2] : memref<16384xi32, #tpu.memory_space<hbm>> -> memref<512xi32, #tpu.memory_space<hbm>>
      tpu.enqueue_dma source(%dma_start3A_588 : memref<512xi32, #tpu.memory_space<hbm>>) target(%arg7 : memref<512xi32, #tpu.memory_space<vmem>>) target_semaphore(%run_scoped3A : memref<!tpu.dma_semaphore, #tpu.memory_space<semaphore_mem>>)
      %dma_wait3A = tpu.memref_slice %arg3[%mul3A_2] : memref<16384xi32, #tpu.memory_space<hbm>> -> memref<512xi32, #tpu.memory_space<hbm>>
      %dma_wait3A_589 = tpu.memref_slice %arg3[%mul3A_2] : memref<16384xi32, #tpu.memory_space<hbm>> -> memref<512xi32, #tpu.memory_space<hbm>>
      tpu.wait_dma2 semaphore(%run_scoped3A : memref<!tpu.dma_semaphore, #tpu.memory_space<semaphore_mem>>) src(%dma_wait3A_589 : memref<512xi32, #tpu.memory_space<hbm>>) dst(%arg7 : memref<512xi32, #tpu.memory_space<vmem>>)
      tpu.yield
    }) : () -> ()
    %mul3A_3 = arith.constant 512 : i32
    %mul3A_4 = arith.muli %add3A, %mul3A_3 : i32
    "tpu.region"() ({
      %run_scoped3A = tpu.sem_alloc : memref<!tpu.dma_semaphore, #tpu.memory_space<semaphore_mem>>
      %dma_start3A = tpu.memref_slice %arg4[%mul3A_4] : memref<16384xf32, #tpu.memory_space<hbm>> -> memref<512xf32, #tpu.memory_space<hbm>>
      %dma_start3A_588 = tpu.memref_slice %arg4[%mul3A_4] : memref<16384xf32, #tpu.memory_space<hbm>> -> memref<512xf32, #tpu.memory_space<hbm>>
      tpu.enqueue_dma source(%dma_start3A_588 : memref<512xf32, #tpu.memory_space<hbm>>) target(%arg8 : memref<512xf32, #tpu.memory_space<vmem>>) target_semaphore(%run_scoped3A : memref<!tpu.dma_semaphore, #tpu.memory_space<semaphore_mem>>)
      %dma_wait3A = tpu.memref_slice %arg4[%mul3A_4] : memref<16384xf32, #tpu.memory_space<hbm>> -> memref<512xf32, #tpu.memory_space<hbm>>
      %dma_wait3A_589 = tpu.memref_slice %arg4[%mul3A_4] : memref<16384xf32, #tpu.memory_space<hbm>> -> memref<512xf32, #tpu.memory_space<hbm>>
      tpu.wait_dma2 semaphore(%run_scoped3A : memref<!tpu.dma_semaphore, #tpu.memory_space<semaphore_mem>>) src(%dma_wait3A_589 : memref<512xf32, #tpu.memory_space<hbm>>) dst(%arg8 : memref<512xf32, #tpu.memory_space<vmem>>)
      tpu.yield
    }) : () -> ()
    "tpu.region"() ({
      %run_scoped3A = tpu.sem_alloc : memref<!tpu.dma_semaphore, #tpu.memory_space<semaphore_mem>>
      %dma_start3A = arith.constant 0 : i32
      %dma_start3A_588 = arith.constant 0 : i32
      %dma_start3A_589 = tpu.memref_slice %arg5[%add3A, %dma_start3A, %dma_start3A_588] : memref<32x64x128xf32, #tpu.memory_space<hbm>> -> memref<1x64x128xf32, #tpu.memory_space<hbm>>
      %dma_start3A_590 = tpu.memref_squeeze %dma_start3A_589 : memref<1x64x128xf32, #tpu.memory_space<hbm>> -> memref<64x128xf32, #tpu.memory_space<hbm>>
      %dma_start3A_591 = arith.constant 0 : i32
      %dma_start3A_592 = arith.constant 0 : i32
      %dma_start3A_593 = tpu.memref_slice %arg5[%add3A, %dma_start3A_591, %dma_start3A_592] : memref<32x64x128xf32, #tpu.memory_space<hbm>> -> memref<1x64x128xf32, #tpu.memory_space<hbm>>
      %dma_start3A_594 = tpu.memref_squeeze %dma_start3A_593 : memref<1x64x128xf32, #tpu.memory_space<hbm>> -> memref<64x128xf32, #tpu.memory_space<hbm>>
      tpu.enqueue_dma source(%dma_start3A_594 : memref<64x128xf32, #tpu.memory_space<hbm>>) target(%arg9 : memref<64x128xf32, #tpu.memory_space<vmem>>) target_semaphore(%run_scoped3A : memref<!tpu.dma_semaphore, #tpu.memory_space<semaphore_mem>>)
      %dma_wait3A = arith.constant 0 : i32
      %dma_wait3A_595 = arith.constant 0 : i32
      %dma_wait3A_596 = tpu.memref_slice %arg5[%add3A, %dma_wait3A, %dma_wait3A_595] : memref<32x64x128xf32, #tpu.memory_space<hbm>> -> memref<1x64x128xf32, #tpu.memory_space<hbm>>
      %dma_wait3A_597 = tpu.memref_squeeze %dma_wait3A_596 : memref<1x64x128xf32, #tpu.memory_space<hbm>> -> memref<64x128xf32, #tpu.memory_space<hbm>>
      %dma_wait3A_598 = arith.constant 0 : i32
      %dma_wait3A_599 = arith.constant 0 : i32
      %dma_wait3A_600 = tpu.memref_slice %arg5[%add3A, %dma_wait3A_598, %dma_wait3A_599] : memref<32x64x128xf32, #tpu.memory_space<hbm>> -> memref<1x64x128xf32, #tpu.memory_space<hbm>>
      %dma_wait3A_601 = tpu.memref_squeeze %dma_wait3A_600 : memref<1x64x128xf32, #tpu.memory_space<hbm>> -> memref<64x128xf32, #tpu.memory_space<hbm>>
      tpu.wait_dma2 semaphore(%run_scoped3A : memref<!tpu.dma_semaphore, #tpu.memory_space<semaphore_mem>>) src(%dma_wait3A_601 : memref<64x128xf32, #tpu.memory_space<hbm>>) dst(%arg9 : memref<64x128xf32, #tpu.memory_space<vmem>>)
      tpu.yield
    }) : () -> ()
    %iota3A = tpu.iota {dimensions = array<i32: 0>} : vector<16xi32>
    %scan3A = arith.constant 0 : i32
    %scan3A_5 = arith.constant 0 : i32
    %scan3A_6 = arith.constant 32 : i32
    %scan3A_7 = arith.addi %scan3A_5, %scan3A_6 : i32
    %scan3A_8 = arith.constant 1 : i32
    %scan3A_9 = scf.for %scan3A_588 = %scan3A_5 to %scan3A_7 step %scan3A_8 iter_args(%scan3A_589 = %scan3A) -> (i32)  : i32 {
      %mul3A_590 = arith.constant 16 : i32
      %mul3A_591 = arith.muli %scan3A_588, %mul3A_590 : i32
      %get3A = arith.index_cast %mul3A_591 : i32 to index
      %get3A_592 = tpu.vector_load %arg8[%get3A] {strides = array<i32>} : memref<512xf32, #tpu.memory_space<vmem>>, vector<16xf32>,
      %gt3A = arith.constant 5.000000e-01 : f32
      %gt3A_593 = vector.broadcast %gt3A : f32 to vector<16xf32>
      %gt3A_594 = arith.cmpf ogt, %get3A_592, %gt3A_593 : vector<16xf32>
      %mul3A_595 = arith.constant 16 : i32
      %mul3A_596 = arith.muli %scan3A_588, %mul3A_595 : i32
      %add3A_597 = vector.broadcast %mul3A_596 : i32 to vector<16xi32>
      %add3A_598 = arith.addi %iota3A, %add3A_597 : vector<16xi32>
      %swap3A_599 = arith.index_cast %scan3A_589 : i32 to index
      %swap3A_600 = tpu.vector_load %arg10[%swap3A_599] masked %gt3A_594 {strides = array<i32>} : memref<528xi32, #tpu.memory_space<vmem>>, vector<16xi32>, vector<16xi1>
      tpu.vector_store %arg10[%swap3A_599], %add3A_598 masked %gt3A_594 {strides = array<i32>} : memref<528xi32, #tpu.memory_space<vmem>>, vector<16xi32>, vector<16xi1>
      %mul3A_601 = arith.constant 16 : i32
      %mul3A_602 = arith.muli %scan3A_588, %mul3A_601 : i32
      %get3A_603 = arith.index_cast %mul3A_602 : i32 to index
      %get3A_604 = tpu.vector_load %arg7[%get3A_603] {strides = array<i32>} : memref<512xi32, #tpu.memory_space<vmem>>, vector<16xi32>,
      %swap3A_605 = arith.index_cast %scan3A_589 : i32 to index
      %swap3A_606 = tpu.vector_load %arg11[%swap3A_605] masked %gt3A_594 {strides = array<i32>} : memref<528xi32, #tpu.memory_space<vmem>>, vector<16xi32>, vector<16xi1>
      tpu.vector_store %arg11[%swap3A_605], %get3A_604 masked %gt3A_594 {strides = array<i32>} : memref<528xi32, #tpu.memory_space<vmem>>, vector<16xi32>, vector<16xi1>
      %all_reduce_population_count3A = tpu.all_reduce %gt3A_594 {dim = 0 : i64, kind = #tpu.reduction_kind<sum>} : vector<16xi1> -> vector<16xi32>
      %reduce_max3A = arith.constant true
      %reduce_max3A_607 = vector.broadcast %reduce_max3A : i1 to vector<16xi1>
      %reduce_max3A_608 = arith.constant -2147483648 : i32
      %reduce_max3A_609 = vector.broadcast %reduce_max3A_608 : i32 to vector<16xi32>
      %reduce_max3A_610 = arith.xori %all_reduce_population_count3A, %reduce_max3A_609 : vector<16xi32>
      %reduce_max3A_611 = tpu.scan <max>, %reduce_max3A_610 masked %reduce_max3A_607 : vector<16xi32>, vector<16xi1> -> vector<16xi32>
      %reduce_max3A_612 = arith.xori %reduce_max3A_611, %reduce_max3A_609 : vector<16xi32>
      %reduce_max3A_613 = vector.extract %reduce_max3A_612[15] : i32 from vector<16xi32>
      %add3A_614 = arith.addi %scan3A_589, %reduce_max3A_613 : i32
      scf.yield %add3A_614 : i32
    }
    %scan3A_10 = arith.constant 32 : i32
    %broadcast_in_dim3A = arith.constant 511 : i32
    %broadcast_in_dim3A_11 = vector.broadcast %broadcast_in_dim3A : i32 to vector<16xi32>
    %swap3A = arith.index_cast %scan3A_9 : i32 to index
    %swap3A_12 = tpu.vector_load %arg10[%swap3A] {strides = array<i32>} : memref<528xi32, #tpu.memory_space<vmem>>, vector<16xi32>,
    tpu.vector_store %arg10[%swap3A], %broadcast_in_dim3A_11 {strides = array<i32>} : memref<528xi32, #tpu.memory_space<vmem>>, vector<16xi32>,
    %broadcast_in_dim3A_13 = arith.constant 0 : i32
    %broadcast_in_dim3A_14 = vector.broadcast %broadcast_in_dim3A_13 : i32 to vector<16xi32>
    %swap3A_15 = arith.index_cast %scan3A_9 : i32 to index
    %swap3A_16 = tpu.vector_load %arg11[%swap3A_15] {strides = array<i32>} : memref<528xi32, #tpu.memory_space<vmem>>, vector<16xi32>,
    tpu.vector_store %arg11[%swap3A_15], %broadcast_in_dim3A_14 {strides = array<i32>} : memref<528xi32, #tpu.memory_space<vmem>>, vector<16xi32>,
    %add3A_17 = arith.constant 15 : i32
    %add3A_18 = arith.addi %scan3A_9, %add3A_17 : i32
    %jit3A = arith.constant 16 : i32
    %div3A = arith.divsi %add3A_18, %jit3A : i32
    %sign3A = arith.constant 0 : i32
    %sign3A_19 = arith.cmpi sgt, %add3A_18, %sign3A : i32
    %sign3A_20 = arith.extui %sign3A_19 : i1 to i32
    %sign3A_21 = arith.constant 0 : i32
    %sign3A_22 = arith.cmpi slt, %add3A_18, %sign3A_21 : i32
    %sign3A_23 = arith.extui %sign3A_22 : i1 to i32
    %sign3A_24 = arith.subi %sign3A_20, %sign3A_23 : i32
    %sign3A_25 = arith.constant 0 : i32
    %sign3A_26 = arith.cmpi sgt, %jit3A, %sign3A_25 : i32
    %sign3A_27 = arith.extui %sign3A_26 : i1 to i32
    %sign3A_28 = arith.constant 0 : i32
    %sign3A_29 = arith.cmpi slt, %jit3A, %sign3A_28 : i32
    %sign3A_30 = arith.extui %sign3A_29 : i1 to i32
    %sign3A_31 = arith.subi %sign3A_27, %sign3A_30 : i32
    %ne3A = arith.cmpi ne, %sign3A_24, %sign3A_31 : i32
    %rem3A = arith.remsi %add3A_18, %jit3A : i32
    %ne3A_32 = arith.constant 0 : i32
    %ne3A_33 = arith.cmpi ne, %rem3A, %ne3A_32 : i32
    %and3A = arith.andi %ne3A, %ne3A_33 : i1
    %sub3A = arith.constant 1 : i32
    %sub3A_34 = arith.subi %div3A, %sub3A : i32
    %select_n3A = arith.select %and3A, %sub3A_34, %div3A : i32
    %mul3A_35 = arith.constant 16 : i32
    %mul3A_36 = arith.muli %select_n3A, %mul3A_35 : i32
    %jit3A_37 = arith.constant 16 : i32
    %div3A_38 = arith.divsi %mul3A_36, %jit3A_37 : i32
    %sign3A_39 = arith.constant 0 : i32
    %sign3A_40 = arith.cmpi sgt, %mul3A_36, %sign3A_39 : i32
    %sign3A_41 = arith.extui %sign3A_40 : i1 to i32
    %sign3A_42 = arith.constant 0 : i32
    %sign3A_43 = arith.cmpi slt, %mul3A_36, %sign3A_42 : i32
    %sign3A_44 = arith.extui %sign3A_43 : i1 to i32
    %sign3A_45 = arith.subi %sign3A_41, %sign3A_44 : i32
    %sign3A_46 = arith.constant 0 : i32
    %sign3A_47 = arith.cmpi sgt, %jit3A_37, %sign3A_46 : i32
    %sign3A_48 = arith.extui %sign3A_47 : i1 to i32
    %sign3A_49 = arith.constant 0 : i32
    %sign3A_50 = arith.cmpi slt, %jit3A_37, %sign3A_49 : i32
    %sign3A_51 = arith.extui %sign3A_50 : i1 to i32
    %sign3A_52 = arith.subi %sign3A_48, %sign3A_51 : i32
    %ne3A_53 = arith.cmpi ne, %sign3A_45, %sign3A_52 : i32
    %rem3A_54 = arith.remsi %mul3A_36, %jit3A_37 : i32
    %ne3A_55 = arith.constant 0 : i32
    %ne3A_56 = arith.cmpi ne, %rem3A_54, %ne3A_55 : i32
    %and3A_57 = arith.andi %ne3A_53, %ne3A_56 : i1
    %sub3A_58 = arith.constant 1 : i32
    %sub3A_59 = arith.subi %div3A_38, %sub3A_58 : i32
    %select_n3A_60 = arith.select %and3A_57, %sub3A_59, %div3A_38 : i32
    %mul3A_61 = arith.constant 8 : i32
    %mul3A_62 = arith.muli %mul3A_61, %mul3A_36 : i32
    %mul3A_63 = arith.constant 16 : i32
    %mul3A_64 = arith.muli %add3A, %mul3A_63 : i32
    %add3A_65 = arith.constant 0 : i32
    %add3A_66 = arith.addi %mul3A_64, %add3A_65 : i32
    %mul3A_67 = arith.constant 16384 : i32
    %mul3A_68 = arith.muli %add3A_66, %mul3A_67 : i32
    %while3A = arith.constant 0 : i32
    %while3A_69 = arith.constant 0 : i32
    %while3A_70 = arith.subi %select_n3A_60, %while3A : i32
    %while3A_71 = arith.addi %while3A, %while3A_70 : i32
    %while3A_72 = arith.constant 1 : i32
    %while3A_73 = arith.divsi %while3A_70, %while3A_72 : i32
    %while3A_74 = arith.muli %while3A_73, %while3A_72 : i32
    %while3A_75 = arith.addi %while3A, %while3A_74 : i32
    %while3A_76 = arith.constant 1 : i32
    %while3A_77 = scf.for %while3A_588 = %while3A to %while3A_75 step %while3A_76 iter_args(%while3A_589 = %while3A_69) -> (i32)  : i32 {
      %mul3A_590 = arith.constant 16 : i32
      %mul3A_591 = arith.muli %while3A_588, %mul3A_590 : i32
      %get3A = arith.index_cast %mul3A_591 : i32 to index
      %get3A_592 = tpu.vector_load %arg11[%get3A] {strides = array<i32>} : memref<528xi32, #tpu.memory_space<vmem>>, vector<16xi32>,
      %add3A_593 = vector.broadcast %mul3A_68 : i32 to vector<16xi32>
      %add3A_594 = arith.addi %get3A_592, %add3A_593 : vector<16xi32>
      %mul3A_595 = arith.constant 0 : i32
      %mul3A_596 = arith.muli %mul3A_595, %mul3A_36 : i32
      %mul3A_597 = arith.constant 16 : i32
      %mul3A_598 = arith.muli %while3A_588, %mul3A_597 : i32
      %add3A_599 = arith.addi %mul3A_596, %mul3A_598 : i32
      %swap3A_600 = arith.index_cast %add3A_599 : i32 to index
      %swap3A_601 = tpu.vector_load %arg12[%swap3A_600] {strides = array<i32>} : memref<8192xi32, #tpu.memory_space<vmem>>, vector<16xi32>,
      tpu.vector_store %arg12[%swap3A_600], %add3A_594 {strides = array<i32>} : memref<8192xi32, #tpu.memory_space<vmem>>, vector<16xi32>,
      %while3A_602 = arith.constant 0 : i32
      scf.yield %while3A_602 : i32
    }
    %while3A_78 = arith.constant 1 : i32
    %while3A_79 = scf.for %while3A_588 = %while3A_75 to %while3A_71 step %while3A_78 iter_args(%while3A_589 = %while3A_77) -> (i32)  : i32 {
      %mul3A_590 = arith.constant 16 : i32
      %mul3A_591 = arith.muli %while3A_588, %mul3A_590 : i32
      %get3A = arith.index_cast %mul3A_591 : i32 to index
      %get3A_592 = tpu.vector_load %arg11[%get3A] {strides = array<i32>} : memref<528xi32, #tpu.memory_space<vmem>>, vector<16xi32>,
      %add3A_593 = vector.broadcast %mul3A_68 : i32 to vector<16xi32>
      %add3A_594 = arith.addi %get3A_592, %add3A_593 : vector<16xi32>
      %mul3A_595 = arith.constant 0 : i32
      %mul3A_596 = arith.muli %mul3A_595, %mul3A_36 : i32
      %mul3A_597 = arith.constant 16 : i32
      %mul3A_598 = arith.muli %while3A_588, %mul3A_597 : i32
      %add3A_599 = arith.addi %mul3A_596, %mul3A_598 : i32
      %swap3A_600 = arith.index_cast %add3A_599 : i32 to index
      %swap3A_601 = tpu.vector_load %arg12[%swap3A_600] {strides = array<i32>} : memref<8192xi32, #tpu.memory_space<vmem>>, vector<16xi32>,
      tpu.vector_store %arg12[%swap3A_600], %add3A_594 {strides = array<i32>} : memref<8192xi32, #tpu.memory_space<vmem>>, vector<16xi32>,
      %while3A_602 = arith.constant 0 : i32
      scf.yield %while3A_602 : i32
    }
    %mul3A_80 = arith.constant 16 : i32
    %mul3A_81 = arith.muli %add3A, %mul3A_80 : i32
    %add3A_82 = arith.constant 1 : i32
    %add3A_83 = arith.addi %mul3A_81, %add3A_82 : i32
    %mul3A_84 = arith.constant 16384 : i32
    %mul3A_85 = arith.muli %add3A_83, %mul3A_84 : i32
    %while3A_86 = arith.constant 0 : i32
    %while3A_87 = arith.constant 0 : i32
    %while3A_88 = arith.subi %select_n3A_60, %while3A_86 : i32
    %while3A_89 = arith.addi %while3A_86, %while3A_88 : i32
    %while3A_90 = arith.constant 1 : i32
    %while3A_91 = arith.divsi %while3A_88, %while3A_90 : i32
    %while3A_92 = arith.muli %while3A_91, %while3A_90 : i32
    %while3A_93 = arith.addi %while3A_86, %while3A_92 : i32
    %while3A_94 = arith.constant 1 : i32
    %while3A_95 = scf.for %while3A_588 = %while3A_86 to %while3A_93 step %while3A_94 iter_args(%while3A_589 = %while3A_87) -> (i32)  : i32 {
      %mul3A_590 = arith.constant 16 : i32
      %mul3A_591 = arith.muli %while3A_588, %mul3A_590 : i32
      %get3A = arith.index_cast %mul3A_591 : i32 to index
      %get3A_592 = tpu.vector_load %arg11[%get3A] {strides = array<i32>} : memref<528xi32, #tpu.memory_space<vmem>>, vector<16xi32>,
      %add3A_593 = vector.broadcast %mul3A_85 : i32 to vector<16xi32>
      %add3A_594 = arith.addi %get3A_592, %add3A_593 : vector<16xi32>
      %mul3A_595 = arith.constant 1 : i32
      %mul3A_596 = arith.muli %mul3A_595, %mul3A_36 : i32
      %mul3A_597 = arith.constant 16 : i32
      %mul3A_598 = arith.muli %while3A_588, %mul3A_597 : i32
      %add3A_599 = arith.addi %mul3A_596, %mul3A_598 : i32
      %swap3A_600 = arith.index_cast %add3A_599 : i32 to index
      %swap3A_601 = tpu.vector_load %arg12[%swap3A_600] {strides = array<i32>} : memref<8192xi32, #tpu.memory_space<vmem>>, vector<16xi32>,
      tpu.vector_store %arg12[%swap3A_600], %add3A_594 {strides = array<i32>} : memref<8192xi32, #tpu.memory_space<vmem>>, vector<16xi32>,
      %while3A_602 = arith.constant 0 : i32
      scf.yield %while3A_602 : i32
    }
    %while3A_96 = arith.constant 1 : i32
    %while3A_97 = scf.for %while3A_588 = %while3A_93 to %while3A_89 step %while3A_96 iter_args(%while3A_589 = %while3A_95) -> (i32)  : i32 {
      %mul3A_590 = arith.constant 16 : i32
      %mul3A_591 = arith.muli %while3A_588, %mul3A_590 : i32
      %get3A = arith.index_cast %mul3A_591 : i32 to index
      %get3A_592 = tpu.vector_load %arg11[%get3A] {strides = array<i32>} : memref<528xi32, #tpu.memory_space<vmem>>, vector<16xi32>,
      %add3A_593 = vector.broadcast %mul3A_85 : i32 to vector<16xi32>
      %add3A_594 = arith.addi %get3A_592, %add3A_593 : vector<16xi32>
      %mul3A_595 = arith.constant 1 : i32
      %mul3A_596 = arith.muli %mul3A_595, %mul3A_36 : i32
      %mul3A_597 = arith.constant 16 : i32
      %mul3A_598 = arith.muli %while3A_588, %mul3A_597 : i32
      %add3A_599 = arith.addi %mul3A_596, %mul3A_598 : i32
      %swap3A_600 = arith.index_cast %add3A_599 : i32 to index
      %swap3A_601 = tpu.vector_load %arg12[%swap3A_600] {strides = array<i32>} : memref<8192xi32, #tpu.memory_space<vmem>>, vector<16xi32>,
      tpu.vector_store %arg12[%swap3A_600], %add3A_594 {strides = array<i32>} : memref<8192xi32, #tpu.memory_space<vmem>>, vector<16xi32>,
      %while3A_602 = arith.constant 0 : i32
      scf.yield %while3A_602 : i32
    }
    %mul3A_98 = arith.constant 16 : i32
    %mul3A_99 = arith.muli %add3A, %mul3A_98 : i32
    %add3A_100 = arith.constant 2 : i32
    %add3A_101 = arith.addi %mul3A_99, %add3A_100 : i32
    %mul3A_102 = arith.constant 16384 : i32
    %mul3A_103 = arith.muli %add3A_101, %mul3A_102 : i32
    %while3A_104 = arith.constant 0 : i32
    %while3A_105 = arith.constant 0 : i32
    %while3A_106 = arith.subi %select_n3A_60, %while3A_104 : i32
    %while3A_107 = arith.addi %while3A_104, %while3A_106 : i32
    %while3A_108 = arith.constant 1 : i32
    %while3A_109 = arith.divsi %while3A_106, %while3A_108 : i32
    %while3A_110 = arith.muli %while3A_109, %while3A_108 : i32
    %while3A_111 = arith.addi %while3A_104, %while3A_110 : i32
    %while3A_112 = arith.constant 1 : i32
    %while3A_113 = scf.for %while3A_588 = %while3A_104 to %while3A_111 step %while3A_112 iter_args(%while3A_589 = %while3A_105) -> (i32)  : i32 {
      %mul3A_590 = arith.constant 16 : i32
      %mul3A_591 = arith.muli %while3A_588, %mul3A_590 : i32
      %get3A = arith.index_cast %mul3A_591 : i32 to index
      %get3A_592 = tpu.vector_load %arg11[%get3A] {strides = array<i32>} : memref<528xi32, #tpu.memory_space<vmem>>, vector<16xi32>,
      %add3A_593 = vector.broadcast %mul3A_103 : i32 to vector<16xi32>
      %add3A_594 = arith.addi %get3A_592, %add3A_593 : vector<16xi32>
      %mul3A_595 = arith.constant 2 : i32
      %mul3A_596 = arith.muli %mul3A_595, %mul3A_36 : i32
      %mul3A_597 = arith.constant 16 : i32
      %mul3A_598 = arith.muli %while3A_588, %mul3A_597 : i32
      %add3A_599 = arith.addi %mul3A_596, %mul3A_598 : i32
      %swap3A_600 = arith.index_cast %add3A_599 : i32 to index
      %swap3A_601 = tpu.vector_load %arg12[%swap3A_600] {strides = array<i32>} : memref<8192xi32, #tpu.memory_space<vmem>>, vector<16xi32>,
      tpu.vector_store %arg12[%swap3A_600], %add3A_594 {strides = array<i32>} : memref<8192xi32, #tpu.memory_space<vmem>>, vector<16xi32>,
      %while3A_602 = arith.constant 0 : i32
      scf.yield %while3A_602 : i32
    }
    %while3A_114 = arith.constant 1 : i32
    %while3A_115 = scf.for %while3A_588 = %while3A_111 to %while3A_107 step %while3A_114 iter_args(%while3A_589 = %while3A_113) -> (i32)  : i32 {
      %mul3A_590 = arith.constant 16 : i32
      %mul3A_591 = arith.muli %while3A_588, %mul3A_590 : i32
      %get3A = arith.index_cast %mul3A_591 : i32 to index
      %get3A_592 = tpu.vector_load %arg11[%get3A] {strides = array<i32>} : memref<528xi32, #tpu.memory_space<vmem>>, vector<16xi32>,
      %add3A_593 = vector.broadcast %mul3A_103 : i32 to vector<16xi32>
      %add3A_594 = arith.addi %get3A_592, %add3A_593 : vector<16xi32>
      %mul3A_595 = arith.constant 2 : i32
      %mul3A_596 = arith.muli %mul3A_595, %mul3A_36 : i32
      %mul3A_597 = arith.constant 16 : i32
      %mul3A_598 = arith.muli %while3A_588, %mul3A_597 : i32
      %add3A_599 = arith.addi %mul3A_596, %mul3A_598 : i32
      %swap3A_600 = arith.index_cast %add3A_599 : i32 to index
      %swap3A_601 = tpu.vector_load %arg12[%swap3A_600] {strides = array<i32>} : memref<8192xi32, #tpu.memory_space<vmem>>, vector<16xi32>,
      tpu.vector_store %arg12[%swap3A_600], %add3A_594 {strides = array<i32>} : memref<8192xi32, #tpu.memory_space<vmem>>, vector<16xi32>,
      %while3A_602 = arith.constant 0 : i32
      scf.yield %while3A_602 : i32
    }
    %mul3A_116 = arith.constant 16 : i32
    %mul3A_117 = arith.muli %add3A, %mul3A_116 : i32
    %add3A_118 = arith.constant 3 : i32
    %add3A_119 = arith.addi %mul3A_117, %add3A_118 : i32
    %mul3A_120 = arith.constant 16384 : i32
    %mul3A_121 = arith.muli %add3A_119, %mul3A_120 : i32
    %while3A_122 = arith.constant 0 : i32
    %while3A_123 = arith.constant 0 : i32
    %while3A_124 = arith.subi %select_n3A_60, %while3A_122 : i32
    %while3A_125 = arith.addi %while3A_122, %while3A_124 : i32
    %while3A_126 = arith.constant 1 : i32
    %while3A_127 = arith.divsi %while3A_124, %while3A_126 : i32
    %while3A_128 = arith.muli %while3A_127, %while3A_126 : i32
    %while3A_129 = arith.addi %while3A_122, %while3A_128 : i32
    %while3A_130 = arith.constant 1 : i32
    %while3A_131 = scf.for %while3A_588 = %while3A_122 to %while3A_129 step %while3A_130 iter_args(%while3A_589 = %while3A_123) -> (i32)  : i32 {
      %mul3A_590 = arith.constant 16 : i32
      %mul3A_591 = arith.muli %while3A_588, %mul3A_590 : i32
      %get3A = arith.index_cast %mul3A_591 : i32 to index
      %get3A_592 = tpu.vector_load %arg11[%get3A] {strides = array<i32>} : memref<528xi32, #tpu.memory_space<vmem>>, vector<16xi32>,
      %add3A_593 = vector.broadcast %mul3A_121 : i32 to vector<16xi32>
      %add3A_594 = arith.addi %get3A_592, %add3A_593 : vector<16xi32>
      %mul3A_595 = arith.constant 3 : i32
      %mul3A_596 = arith.muli %mul3A_595, %mul3A_36 : i32
      %mul3A_597 = arith.constant 16 : i32
      %mul3A_598 = arith.muli %while3A_588, %mul3A_597 : i32
      %add3A_599 = arith.addi %mul3A_596, %mul3A_598 : i32
      %swap3A_600 = arith.index_cast %add3A_599 : i32 to index
      %swap3A_601 = tpu.vector_load %arg12[%swap3A_600] {strides = array<i32>} : memref<8192xi32, #tpu.memory_space<vmem>>, vector<16xi32>,
      tpu.vector_store %arg12[%swap3A_600], %add3A_594 {strides = array<i32>} : memref<8192xi32, #tpu.memory_space<vmem>>, vector<16xi32>,
      %while3A_602 = arith.constant 0 : i32
      scf.yield %while3A_602 : i32
    }
    %while3A_132 = arith.constant 1 : i32
    %while3A_133 = scf.for %while3A_588 = %while3A_129 to %while3A_125 step %while3A_132 iter_args(%while3A_589 = %while3A_131) -> (i32)  : i32 {
      %mul3A_590 = arith.constant 16 : i32
      %mul3A_591 = arith.muli %while3A_588, %mul3A_590 : i32
      %get3A = arith.index_cast %mul3A_591 : i32 to index
      %get3A_592 = tpu.vector_load %arg11[%get3A] {strides = array<i32>} : memref<528xi32, #tpu.memory_space<vmem>>, vector<16xi32>,
      %add3A_593 = vector.broadcast %mul3A_121 : i32 to vector<16xi32>
      %add3A_594 = arith.addi %get3A_592, %add3A_593 : vector<16xi32>
      %mul3A_595 = arith.constant 3 : i32
      %mul3A_596 = arith.muli %mul3A_595, %mul3A_36 : i32
      %mul3A_597 = arith.constant 16 : i32
      %mul3A_598 = arith.muli %while3A_588, %mul3A_597 : i32
      %add3A_599 = arith.addi %mul3A_596, %mul3A_598 : i32
      %swap3A_600 = arith.index_cast %add3A_599 : i32 to index
      %swap3A_601 = tpu.vector_load %arg12[%swap3A_600] {strides = array<i32>} : memref<8192xi32, #tpu.memory_space<vmem>>, vector<16xi32>,
      tpu.vector_store %arg12[%swap3A_600], %add3A_594 {strides = array<i32>} : memref<8192xi32, #tpu.memory_space<vmem>>, vector<16xi32>,
      %while3A_602 = arith.constant 0 : i32
      scf.yield %while3A_602 : i32
    }
    %mul3A_134 = arith.constant 16 : i32
    %mul3A_135 = arith.muli %add3A, %mul3A_134 : i32
    %add3A_136 = arith.constant 4 : i32
    %add3A_137 = arith.addi %mul3A_135, %add3A_136 : i32
    %mul3A_138 = arith.constant 16384 : i32
    %mul3A_139 = arith.muli %add3A_137, %mul3A_138 : i32
    %while3A_140 = arith.constant 0 : i32
    %while3A_141 = arith.constant 0 : i32
    %while3A_142 = arith.subi %select_n3A_60, %while3A_140 : i32
    %while3A_143 = arith.addi %while3A_140, %while3A_142 : i32
    %while3A_144 = arith.constant 1 : i32
    %while3A_145 = arith.divsi %while3A_142, %while3A_144 : i32
    %while3A_146 = arith.muli %while3A_145, %while3A_144 : i32
    %while3A_147 = arith.addi %while3A_140, %while3A_146 : i32
    %while3A_148 = arith.constant 1 : i32
    %while3A_149 = scf.for %while3A_588 = %while3A_140 to %while3A_147 step %while3A_148 iter_args(%while3A_589 = %while3A_141) -> (i32)  : i32 {
      %mul3A_590 = arith.constant 16 : i32
      %mul3A_591 = arith.muli %while3A_588, %mul3A_590 : i32
      %get3A = arith.index_cast %mul3A_591 : i32 to index
      %get3A_592 = tpu.vector_load %arg11[%get3A] {strides = array<i32>} : memref<528xi32, #tpu.memory_space<vmem>>, vector<16xi32>,
      %add3A_593 = vector.broadcast %mul3A_139 : i32 to vector<16xi32>
      %add3A_594 = arith.addi %get3A_592, %add3A_593 : vector<16xi32>
      %mul3A_595 = arith.constant 4 : i32
      %mul3A_596 = arith.muli %mul3A_595, %mul3A_36 : i32
      %mul3A_597 = arith.constant 16 : i32
      %mul3A_598 = arith.muli %while3A_588, %mul3A_597 : i32
      %add3A_599 = arith.addi %mul3A_596, %mul3A_598 : i32
      %swap3A_600 = arith.index_cast %add3A_599 : i32 to index
      %swap3A_601 = tpu.vector_load %arg12[%swap3A_600] {strides = array<i32>} : memref<8192xi32, #tpu.memory_space<vmem>>, vector<16xi32>,
      tpu.vector_store %arg12[%swap3A_600], %add3A_594 {strides = array<i32>} : memref<8192xi32, #tpu.memory_space<vmem>>, vector<16xi32>,
      %while3A_602 = arith.constant 0 : i32
      scf.yield %while3A_602 : i32
    }
    %while3A_150 = arith.constant 1 : i32
    %while3A_151 = scf.for %while3A_588 = %while3A_147 to %while3A_143 step %while3A_150 iter_args(%while3A_589 = %while3A_149) -> (i32)  : i32 {
      %mul3A_590 = arith.constant 16 : i32
      %mul3A_591 = arith.muli %while3A_588, %mul3A_590 : i32
      %get3A = arith.index_cast %mul3A_591 : i32 to index
      %get3A_592 = tpu.vector_load %arg11[%get3A] {strides = array<i32>} : memref<528xi32, #tpu.memory_space<vmem>>, vector<16xi32>,
      %add3A_593 = vector.broadcast %mul3A_139 : i32 to vector<16xi32>
      %add3A_594 = arith.addi %get3A_592, %add3A_593 : vector<16xi32>
      %mul3A_595 = arith.constant 4 : i32
      %mul3A_596 = arith.muli %mul3A_595, %mul3A_36 : i32
      %mul3A_597 = arith.constant 16 : i32
      %mul3A_598 = arith.muli %while3A_588, %mul3A_597 : i32
      %add3A_599 = arith.addi %mul3A_596, %mul3A_598 : i32
      %swap3A_600 = arith.index_cast %add3A_599 : i32 to index
      %swap3A_601 = tpu.vector_load %arg12[%swap3A_600] {strides = array<i32>} : memref<8192xi32, #tpu.memory_space<vmem>>, vector<16xi32>,
      tpu.vector_store %arg12[%swap3A_600], %add3A_594 {strides = array<i32>} : memref<8192xi32, #tpu.memory_space<vmem>>, vector<16xi32>,
      %while3A_602 = arith.constant 0 : i32
      scf.yield %while3A_602 : i32
    }
    %mul3A_152 = arith.constant 16 : i32
    %mul3A_153 = arith.muli %add3A, %mul3A_152 : i32
    %add3A_154 = arith.constant 5 : i32
    %add3A_155 = arith.addi %mul3A_153, %add3A_154 : i32
    %mul3A_156 = arith.constant 16384 : i32
    %mul3A_157 = arith.muli %add3A_155, %mul3A_156 : i32
    %while3A_158 = arith.constant 0 : i32
    %while3A_159 = arith.constant 0 : i32
    %while3A_160 = arith.subi %select_n3A_60, %while3A_158 : i32
    %while3A_161 = arith.addi %while3A_158, %while3A_160 : i32
    %while3A_162 = arith.constant 1 : i32
    %while3A_163 = arith.divsi %while3A_160, %while3A_162 : i32
    %while3A_164 = arith.muli %while3A_163, %while3A_162 : i32
    %while3A_165 = arith.addi %while3A_158, %while3A_164 : i32
    %while3A_166 = arith.constant 1 : i32
    %while3A_167 = scf.for %while3A_588 = %while3A_158 to %while3A_165 step %while3A_166 iter_args(%while3A_589 = %while3A_159) -> (i32)  : i32 {
      %mul3A_590 = arith.constant 16 : i32
      %mul3A_591 = arith.muli %while3A_588, %mul3A_590 : i32
      %get3A = arith.index_cast %mul3A_591 : i32 to index
      %get3A_592 = tpu.vector_load %arg11[%get3A] {strides = array<i32>} : memref<528xi32, #tpu.memory_space<vmem>>, vector<16xi32>,
      %add3A_593 = vector.broadcast %mul3A_157 : i32 to vector<16xi32>
      %add3A_594 = arith.addi %get3A_592, %add3A_593 : vector<16xi32>
      %mul3A_595 = arith.constant 5 : i32
      %mul3A_596 = arith.muli %mul3A_595, %mul3A_36 : i32
      %mul3A_597 = arith.constant 16 : i32
      %mul3A_598 = arith.muli %while3A_588, %mul3A_597 : i32
      %add3A_599 = arith.addi %mul3A_596, %mul3A_598 : i32
      %swap3A_600 = arith.index_cast %add3A_599 : i32 to index
      %swap3A_601 = tpu.vector_load %arg12[%swap3A_600] {strides = array<i32>} : memref<8192xi32, #tpu.memory_space<vmem>>, vector<16xi32>,
      tpu.vector_store %arg12[%swap3A_600], %add3A_594 {strides = array<i32>} : memref<8192xi32, #tpu.memory_space<vmem>>, vector<16xi32>,
      %while3A_602 = arith.constant 0 : i32
      scf.yield %while3A_602 : i32
    }
    %while3A_168 = arith.constant 1 : i32
    %while3A_169 = scf.for %while3A_588 = %while3A_165 to %while3A_161 step %while3A_168 iter_args(%while3A_589 = %while3A_167) -> (i32)  : i32 {
      %mul3A_590 = arith.constant 16 : i32
      %mul3A_591 = arith.muli %while3A_588, %mul3A_590 : i32
      %get3A = arith.index_cast %mul3A_591 : i32 to index
      %get3A_592 = tpu.vector_load %arg11[%get3A] {strides = array<i32>} : memref<528xi32, #tpu.memory_space<vmem>>, vector<16xi32>,
      %add3A_593 = vector.broadcast %mul3A_157 : i32 to vector<16xi32>
      %add3A_594 = arith.addi %get3A_592, %add3A_593 : vector<16xi32>
      %mul3A_595 = arith.constant 5 : i32
      %mul3A_596 = arith.muli %mul3A_595, %mul3A_36 : i32
      %mul3A_597 = arith.constant 16 : i32
      %mul3A_598 = arith.muli %while3A_588, %mul3A_597 : i32
      %add3A_599 = arith.addi %mul3A_596, %mul3A_598 : i32
      %swap3A_600 = arith.index_cast %add3A_599 : i32 to index
      %swap3A_601 = tpu.vector_load %arg12[%swap3A_600] {strides = array<i32>} : memref<8192xi32, #tpu.memory_space<vmem>>, vector<16xi32>,
      tpu.vector_store %arg12[%swap3A_600], %add3A_594 {strides = array<i32>} : memref<8192xi32, #tpu.memory_space<vmem>>, vector<16xi32>,
      %while3A_602 = arith.constant 0 : i32
      scf.yield %while3A_602 : i32
    }
    %mul3A_170 = arith.constant 16 : i32
    %mul3A_171 = arith.muli %add3A, %mul3A_170 : i32
    %add3A_172 = arith.constant 6 : i32
    %add3A_173 = arith.addi %mul3A_171, %add3A_172 : i32
    %mul3A_174 = arith.constant 16384 : i32
    %mul3A_175 = arith.muli %add3A_173, %mul3A_174 : i32
    %while3A_176 = arith.constant 0 : i32
    %while3A_177 = arith.constant 0 : i32
    %while3A_178 = arith.subi %select_n3A_60, %while3A_176 : i32
    %while3A_179 = arith.addi %while3A_176, %while3A_178 : i32
    %while3A_180 = arith.constant 1 : i32
    %while3A_181 = arith.divsi %while3A_178, %while3A_180 : i32
    %while3A_182 = arith.muli %while3A_181, %while3A_180 : i32
    %while3A_183 = arith.addi %while3A_176, %while3A_182 : i32
    %while3A_184 = arith.constant 1 : i32
    %while3A_185 = scf.for %while3A_588 = %while3A_176 to %while3A_183 step %while3A_184 iter_args(%while3A_589 = %while3A_177) -> (i32)  : i32 {
      %mul3A_590 = arith.constant 16 : i32
      %mul3A_591 = arith.muli %while3A_588, %mul3A_590 : i32
      %get3A = arith.index_cast %mul3A_591 : i32 to index
      %get3A_592 = tpu.vector_load %arg11[%get3A] {strides = array<i32>} : memref<528xi32, #tpu.memory_space<vmem>>, vector<16xi32>,
      %add3A_593 = vector.broadcast %mul3A_175 : i32 to vector<16xi32>
      %add3A_594 = arith.addi %get3A_592, %add3A_593 : vector<16xi32>
      %mul3A_595 = arith.constant 6 : i32
      %mul3A_596 = arith.muli %mul3A_595, %mul3A_36 : i32
      %mul3A_597 = arith.constant 16 : i32
      %mul3A_598 = arith.muli %while3A_588, %mul3A_597 : i32
      %add3A_599 = arith.addi %mul3A_596, %mul3A_598 : i32
      %swap3A_600 = arith.index_cast %add3A_599 : i32 to index
      %swap3A_601 = tpu.vector_load %arg12[%swap3A_600] {strides = array<i32>} : memref<8192xi32, #tpu.memory_space<vmem>>, vector<16xi32>,
      tpu.vector_store %arg12[%swap3A_600], %add3A_594 {strides = array<i32>} : memref<8192xi32, #tpu.memory_space<vmem>>, vector<16xi32>,
      %while3A_602 = arith.constant 0 : i32
      scf.yield %while3A_602 : i32
    }
    %while3A_186 = arith.constant 1 : i32
    %while3A_187 = scf.for %while3A_588 = %while3A_183 to %while3A_179 step %while3A_186 iter_args(%while3A_589 = %while3A_185) -> (i32)  : i32 {
      %mul3A_590 = arith.constant 16 : i32
      %mul3A_591 = arith.muli %while3A_588, %mul3A_590 : i32
      %get3A = arith.index_cast %mul3A_591 : i32 to index
      %get3A_592 = tpu.vector_load %arg11[%get3A] {strides = array<i32>} : memref<528xi32, #tpu.memory_space<vmem>>, vector<16xi32>,
      %add3A_593 = vector.broadcast %mul3A_175 : i32 to vector<16xi32>
      %add3A_594 = arith.addi %get3A_592, %add3A_593 : vector<16xi32>
      %mul3A_595 = arith.constant 6 : i32
      %mul3A_596 = arith.muli %mul3A_595, %mul3A_36 : i32
      %mul3A_597 = arith.constant 16 : i32
      %mul3A_598 = arith.muli %while3A_588, %mul3A_597 : i32
      %add3A_599 = arith.addi %mul3A_596, %mul3A_598 : i32
      %swap3A_600 = arith.index_cast %add3A_599 : i32 to index
      %swap3A_601 = tpu.vector_load %arg12[%swap3A_600] {strides = array<i32>} : memref<8192xi32, #tpu.memory_space<vmem>>, vector<16xi32>,
      tpu.vector_store %arg12[%swap3A_600], %add3A_594 {strides = array<i32>} : memref<8192xi32, #tpu.memory_space<vmem>>, vector<16xi32>,
      %while3A_602 = arith.constant 0 : i32
      scf.yield %while3A_602 : i32
    }
    %mul3A_188 = arith.constant 16 : i32
    %mul3A_189 = arith.muli %add3A, %mul3A_188 : i32
    %add3A_190 = arith.constant 7 : i32
    %add3A_191 = arith.addi %mul3A_189, %add3A_190 : i32
    %mul3A_192 = arith.constant 16384 : i32
    %mul3A_193 = arith.muli %add3A_191, %mul3A_192 : i32
    %while3A_194 = arith.constant 0 : i32
    %while3A_195 = arith.constant 0 : i32
    %while3A_196 = arith.subi %select_n3A_60, %while3A_194 : i32
    %while3A_197 = arith.addi %while3A_194, %while3A_196 : i32
    %while3A_198 = arith.constant 1 : i32
    %while3A_199 = arith.divsi %while3A_196, %while3A_198 : i32
    %while3A_200 = arith.muli %while3A_199, %while3A_198 : i32
    %while3A_201 = arith.addi %while3A_194, %while3A_200 : i32
    %while3A_202 = arith.constant 1 : i32
    %while3A_203 = scf.for %while3A_588 = %while3A_194 to %while3A_201 step %while3A_202 iter_args(%while3A_589 = %while3A_195) -> (i32)  : i32 {
      %mul3A_590 = arith.constant 16 : i32
      %mul3A_591 = arith.muli %while3A_588, %mul3A_590 : i32
      %get3A = arith.index_cast %mul3A_591 : i32 to index
      %get3A_592 = tpu.vector_load %arg11[%get3A] {strides = array<i32>} : memref<528xi32, #tpu.memory_space<vmem>>, vector<16xi32>,
      %add3A_593 = vector.broadcast %mul3A_193 : i32 to vector<16xi32>
      %add3A_594 = arith.addi %get3A_592, %add3A_593 : vector<16xi32>
      %mul3A_595 = arith.constant 7 : i32
      %mul3A_596 = arith.muli %mul3A_595, %mul3A_36 : i32
      %mul3A_597 = arith.constant 16 : i32
      %mul3A_598 = arith.muli %while3A_588, %mul3A_597 : i32
      %add3A_599 = arith.addi %mul3A_596, %mul3A_598 : i32
      %swap3A_600 = arith.index_cast %add3A_599 : i32 to index
      %swap3A_601 = tpu.vector_load %arg12[%swap3A_600] {strides = array<i32>} : memref<8192xi32, #tpu.memory_space<vmem>>, vector<16xi32>,
      tpu.vector_store %arg12[%swap3A_600], %add3A_594 {strides = array<i32>} : memref<8192xi32, #tpu.memory_space<vmem>>, vector<16xi32>,
      %while3A_602 = arith.constant 0 : i32
      scf.yield %while3A_602 : i32
    }
    %while3A_204 = arith.constant 1 : i32
    %while3A_205 = scf.for %while3A_588 = %while3A_201 to %while3A_197 step %while3A_204 iter_args(%while3A_589 = %while3A_203) -> (i32)  : i32 {
      %mul3A_590 = arith.constant 16 : i32
      %mul3A_591 = arith.muli %while3A_588, %mul3A_590 : i32
      %get3A = arith.index_cast %mul3A_591 : i32 to index
      %get3A_592 = tpu.vector_load %arg11[%get3A] {strides = array<i32>} : memref<528xi32, #tpu.memory_space<vmem>>, vector<16xi32>,
      %add3A_593 = vector.broadcast %mul3A_193 : i32 to vector<16xi32>
      %add3A_594 = arith.addi %get3A_592, %add3A_593 : vector<16xi32>
      %mul3A_595 = arith.constant 7 : i32
      %mul3A_596 = arith.muli %mul3A_595, %mul3A_36 : i32
      %mul3A_597 = arith.constant 16 : i32
      %mul3A_598 = arith.muli %while3A_588, %mul3A_597 : i32
      %add3A_599 = arith.addi %mul3A_596, %mul3A_598 : i32
      %swap3A_600 = arith.index_cast %add3A_599 : i32 to index
      %swap3A_601 = tpu.vector_load %arg12[%swap3A_600] {strides = array<i32>} : memref<8192xi32, #tpu.memory_space<vmem>>, vector<16xi32>,
      tpu.vector_store %arg12[%swap3A_600], %add3A_594 {strides = array<i32>} : memref<8192xi32, #tpu.memory_space<vmem>>, vector<16xi32>,
      %while3A_602 = arith.constant 0 : i32
      scf.yield %while3A_602 : i32
    }
    %while3A_206 = arith.constant 0 : i32
    %while3A_207 = arith.constant 0 : i32
    %while3A_208 = arith.subi %select_n3A_60, %while3A_206 : i32
    %while3A_209 = arith.addi %while3A_206, %while3A_208 : i32
    %while3A_210 = arith.constant 1 : i32
    %while3A_211 = arith.divsi %while3A_208, %while3A_210 : i32
    %while3A_212 = arith.muli %while3A_211, %while3A_210 : i32
    %while3A_213 = arith.addi %while3A_206, %while3A_212 : i32
    %while3A_214 = arith.constant 1 : i32
    %while3A_215 = scf.for %while3A_588 = %while3A_206 to %while3A_213 step %while3A_214 iter_args(%while3A_589 = %while3A_207) -> (i32)  : i32 {
      %mul3A_590 = arith.constant 0 : i32
      %mul3A_591 = arith.muli %mul3A_590, %mul3A_62 : i32
      %mul3A_592 = arith.constant 128 : i32
      %mul3A_593 = arith.muli %while3A_588, %mul3A_592 : i32
      %add3A_594 = arith.addi %mul3A_591, %mul3A_593 : i32
      %mul3A_595 = arith.constant 128 : i32
      %mul3A_596 = arith.muli %while3A_588, %mul3A_595 : i32
      %add3A_597 = arith.addi %mul3A_591, %mul3A_596 : i32
      %dma_start3A = tpu.memref_slice %arg13[%add3A_597] : memref<8192xf32, #tpu.memory_space<vmem>> -> memref<128xf32, #tpu.memory_space<vmem>>
      %dma_start3A_598 = tpu.memref_slice %arg12[%add3A_594] : memref<8192xi32, #tpu.memory_space<vmem>> -> memref<128xi32, #tpu.memory_space<vmem>>
      %dma_start3A_599 = arith.constant 0 : i32
      %dma_start3A_600 = tpu.memref_slice %arg2[%dma_start3A_599] : memref<8388608xf32, #tpu.memory_space<hbm>> -> memref<8388608xf32, #tpu.memory_space<hbm>>
      tpu.enqueue_indirect_dma source(%dma_start3A_600 : memref<8388608xf32, #tpu.memory_space<hbm>>) target(%dma_start3A : memref<128xf32, #tpu.memory_space<vmem>>) offsets(%dma_start3A_598 : memref<128xi32, #tpu.memory_space<vmem>>) semaphore(%arg15 : memref<!tpu.dma_semaphore, #tpu.memory_space<semaphore_mem>>)
      %while3A_601 = arith.constant 0 : i32
      scf.yield %while3A_601 : i32
    }
    %while3A_216 = arith.constant 1 : i32
    %while3A_217 = scf.for %while3A_588 = %while3A_213 to %while3A_209 step %while3A_216 iter_args(%while3A_589 = %while3A_215) -> (i32)  : i32 {
      %mul3A_590 = arith.constant 0 : i32
      %mul3A_591 = arith.muli %mul3A_590, %mul3A_62 : i32
      %mul3A_592 = arith.constant 128 : i32
      %mul3A_593 = arith.muli %while3A_588, %mul3A_592 : i32
      %add3A_594 = arith.addi %mul3A_591, %mul3A_593 : i32
      %mul3A_595 = arith.constant 128 : i32
      %mul3A_596 = arith.muli %while3A_588, %mul3A_595 : i32
      %add3A_597 = arith.addi %mul3A_591, %mul3A_596 : i32
      %dma_start3A = tpu.memref_slice %arg13[%add3A_597] : memref<8192xf32, #tpu.memory_space<vmem>> -> memref<128xf32, #tpu.memory_space<vmem>>
      %dma_start3A_598 = tpu.memref_slice %arg12[%add3A_594] : memref<8192xi32, #tpu.memory_space<vmem>> -> memref<128xi32, #tpu.memory_space<vmem>>
      %dma_start3A_599 = arith.constant 0 : i32
      %dma_start3A_600 = tpu.memref_slice %arg2[%dma_start3A_599] : memref<8388608xf32, #tpu.memory_space<hbm>> -> memref<8388608xf32, #tpu.memory_space<hbm>>
      tpu.enqueue_indirect_dma source(%dma_start3A_600 : memref<8388608xf32, #tpu.memory_space<hbm>>) target(%dma_start3A : memref<128xf32, #tpu.memory_space<vmem>>) offsets(%dma_start3A_598 : memref<128xi32, #tpu.memory_space<vmem>>) semaphore(%arg15 : memref<!tpu.dma_semaphore, #tpu.memory_space<semaphore_mem>>)
      %while3A_601 = arith.constant 0 : i32
      scf.yield %while3A_601 : i32
    }
    %mul3A_218 = arith.constant 16 : i32
    %mul3A_219 = arith.muli %add3A, %mul3A_218 : i32
    %add3A_220 = arith.constant 8 : i32
    %add3A_221 = arith.addi %mul3A_219, %add3A_220 : i32
    %mul3A_222 = arith.constant 16384 : i32
    %mul3A_223 = arith.muli %add3A_221, %mul3A_222 : i32
    %while3A_224 = arith.constant 0 : i32
    %while3A_225 = arith.constant 0 : i32
    %while3A_226 = arith.subi %select_n3A_60, %while3A_224 : i32
    %while3A_227 = arith.addi %while3A_224, %while3A_226 : i32
    %while3A_228 = arith.constant 1 : i32
    %while3A_229 = arith.divsi %while3A_226, %while3A_228 : i32
    %while3A_230 = arith.muli %while3A_229, %while3A_228 : i32
    %while3A_231 = arith.addi %while3A_224, %while3A_230 : i32
    %while3A_232 = arith.constant 1 : i32
    %while3A_233 = scf.for %while3A_588 = %while3A_224 to %while3A_231 step %while3A_232 iter_args(%while3A_589 = %while3A_225) -> (i32)  : i32 {
      %mul3A_590 = arith.constant 16 : i32
      %mul3A_591 = arith.muli %while3A_588, %mul3A_590 : i32
      %get3A = arith.index_cast %mul3A_591 : i32 to index
      %get3A_592 = tpu.vector_load %arg11[%get3A] {strides = array<i32>} : memref<528xi32, #tpu.memory_space<vmem>>, vector<16xi32>,
      %add3A_593 = vector.broadcast %mul3A_223 : i32 to vector<16xi32>
      %add3A_594 = arith.addi %get3A_592, %add3A_593 : vector<16xi32>
      %mul3A_595 = arith.constant 8 : i32
      %mul3A_596 = arith.muli %mul3A_595, %mul3A_36 : i32
      %mul3A_597 = arith.constant 16 : i32
      %mul3A_598 = arith.muli %while3A_588, %mul3A_597 : i32
      %add3A_599 = arith.addi %mul3A_596, %mul3A_598 : i32
      %swap3A_600 = arith.index_cast %add3A_599 : i32 to index
      %swap3A_601 = tpu.vector_load %arg12[%swap3A_600] {strides = array<i32>} : memref<8192xi32, #tpu.memory_space<vmem>>, vector<16xi32>,
      tpu.vector_store %arg12[%swap3A_600], %add3A_594 {strides = array<i32>} : memref<8192xi32, #tpu.memory_space<vmem>>, vector<16xi32>,
      %while3A_602 = arith.constant 0 : i32
      scf.yield %while3A_602 : i32
    }
    %while3A_234 = arith.constant 1 : i32
    %while3A_235 = scf.for %while3A_588 = %while3A_231 to %while3A_227 step %while3A_234 iter_args(%while3A_589 = %while3A_233) -> (i32)  : i32 {
      %mul3A_590 = arith.constant 16 : i32
      %mul3A_591 = arith.muli %while3A_588, %mul3A_590 : i32
      %get3A = arith.index_cast %mul3A_591 : i32 to index
      %get3A_592 = tpu.vector_load %arg11[%get3A] {strides = array<i32>} : memref<528xi32, #tpu.memory_space<vmem>>, vector<16xi32>,
      %add3A_593 = vector.broadcast %mul3A_223 : i32 to vector<16xi32>
      %add3A_594 = arith.addi %get3A_592, %add3A_593 : vector<16xi32>
      %mul3A_595 = arith.constant 8 : i32
      %mul3A_596 = arith.muli %mul3A_595, %mul3A_36 : i32
      %mul3A_597 = arith.constant 16 : i32
      %mul3A_598 = arith.muli %while3A_588, %mul3A_597 : i32
      %add3A_599 = arith.addi %mul3A_596, %mul3A_598 : i32
      %swap3A_600 = arith.index_cast %add3A_599 : i32 to index
      %swap3A_601 = tpu.vector_load %arg12[%swap3A_600] {strides = array<i32>} : memref<8192xi32, #tpu.memory_space<vmem>>, vector<16xi32>,
      tpu.vector_store %arg12[%swap3A_600], %add3A_594 {strides = array<i32>} : memref<8192xi32, #tpu.memory_space<vmem>>, vector<16xi32>,
      %while3A_602 = arith.constant 0 : i32
      scf.yield %while3A_602 : i32
    }
    %mul3A_236 = arith.constant 16 : i32
    %mul3A_237 = arith.muli %add3A, %mul3A_236 : i32
    %add3A_238 = arith.constant 9 : i32
    %add3A_239 = arith.addi %mul3A_237, %add3A_238 : i32
    %mul3A_240 = arith.constant 16384 : i32
    %mul3A_241 = arith.muli %add3A_239, %mul3A_240 : i32
    %while3A_242 = arith.constant 0 : i32
    %while3A_243 = arith.constant 0 : i32
    %while3A_244 = arith.subi %select_n3A_60, %while3A_242 : i32
    %while3A_245 = arith.addi %while3A_242, %while3A_244 : i32
    %while3A_246 = arith.constant 1 : i32
    %while3A_247 = arith.divsi %while3A_244, %while3A_246 : i32
    %while3A_248 = arith.muli %while3A_247, %while3A_246 : i32
    %while3A_249 = arith.addi %while3A_242, %while3A_248 : i32
    %while3A_250 = arith.constant 1 : i32
    %while3A_251 = scf.for %while3A_588 = %while3A_242 to %while3A_249 step %while3A_250 iter_args(%while3A_589 = %while3A_243) -> (i32)  : i32 {
      %mul3A_590 = arith.constant 16 : i32
      %mul3A_591 = arith.muli %while3A_588, %mul3A_590 : i32
      %get3A = arith.index_cast %mul3A_591 : i32 to index
      %get3A_592 = tpu.vector_load %arg11[%get3A] {strides = array<i32>} : memref<528xi32, #tpu.memory_space<vmem>>, vector<16xi32>,
      %add3A_593 = vector.broadcast %mul3A_241 : i32 to vector<16xi32>
      %add3A_594 = arith.addi %get3A_592, %add3A_593 : vector<16xi32>
      %mul3A_595 = arith.constant 9 : i32
      %mul3A_596 = arith.muli %mul3A_595, %mul3A_36 : i32
      %mul3A_597 = arith.constant 16 : i32
      %mul3A_598 = arith.muli %while3A_588, %mul3A_597 : i32
      %add3A_599 = arith.addi %mul3A_596, %mul3A_598 : i32
      %swap3A_600 = arith.index_cast %add3A_599 : i32 to index
      %swap3A_601 = tpu.vector_load %arg12[%swap3A_600] {strides = array<i32>} : memref<8192xi32, #tpu.memory_space<vmem>>, vector<16xi32>,
      tpu.vector_store %arg12[%swap3A_600], %add3A_594 {strides = array<i32>} : memref<8192xi32, #tpu.memory_space<vmem>>, vector<16xi32>,
      %while3A_602 = arith.constant 0 : i32
      scf.yield %while3A_602 : i32
    }
    %while3A_252 = arith.constant 1 : i32
    %while3A_253 = scf.for %while3A_588 = %while3A_249 to %while3A_245 step %while3A_252 iter_args(%while3A_589 = %while3A_251) -> (i32)  : i32 {
      %mul3A_590 = arith.constant 16 : i32
      %mul3A_591 = arith.muli %while3A_588, %mul3A_590 : i32
      %get3A = arith.index_cast %mul3A_591 : i32 to index
      %get3A_592 = tpu.vector_load %arg11[%get3A] {strides = array<i32>} : memref<528xi32, #tpu.memory_space<vmem>>, vector<16xi32>,
      %add3A_593 = vector.broadcast %mul3A_241 : i32 to vector<16xi32>
      %add3A_594 = arith.addi %get3A_592, %add3A_593 : vector<16xi32>
      %mul3A_595 = arith.constant 9 : i32
      %mul3A_596 = arith.muli %mul3A_595, %mul3A_36 : i32
      %mul3A_597 = arith.constant 16 : i32
      %mul3A_598 = arith.muli %while3A_588, %mul3A_597 : i32
      %add3A_599 = arith.addi %mul3A_596, %mul3A_598 : i32
      %swap3A_600 = arith.index_cast %add3A_599 : i32 to index
      %swap3A_601 = tpu.vector_load %arg12[%swap3A_600] {strides = array<i32>} : memref<8192xi32, #tpu.memory_space<vmem>>, vector<16xi32>,
      tpu.vector_store %arg12[%swap3A_600], %add3A_594 {strides = array<i32>} : memref<8192xi32, #tpu.memory_space<vmem>>, vector<16xi32>,
      %while3A_602 = arith.constant 0 : i32
      scf.yield %while3A_602 : i32
    }
    %mul3A_254 = arith.constant 16 : i32
    %mul3A_255 = arith.muli %add3A, %mul3A_254 : i32
    %add3A_256 = arith.constant 10 : i32
    %add3A_257 = arith.addi %mul3A_255, %add3A_256 : i32
    %mul3A_258 = arith.constant 16384 : i32
    %mul3A_259 = arith.muli %add3A_257, %mul3A_258 : i32
    %while3A_260 = arith.constant 0 : i32
    %while3A_261 = arith.constant 0 : i32
    %while3A_262 = arith.subi %select_n3A_60, %while3A_260 : i32
    %while3A_263 = arith.addi %while3A_260, %while3A_262 : i32
    %while3A_264 = arith.constant 1 : i32
    %while3A_265 = arith.divsi %while3A_262, %while3A_264 : i32
    %while3A_266 = arith.muli %while3A_265, %while3A_264 : i32
    %while3A_267 = arith.addi %while3A_260, %while3A_266 : i32
    %while3A_268 = arith.constant 1 : i32
    %while3A_269 = scf.for %while3A_588 = %while3A_260 to %while3A_267 step %while3A_268 iter_args(%while3A_589 = %while3A_261) -> (i32)  : i32 {
      %mul3A_590 = arith.constant 16 : i32
      %mul3A_591 = arith.muli %while3A_588, %mul3A_590 : i32
      %get3A = arith.index_cast %mul3A_591 : i32 to index
      %get3A_592 = tpu.vector_load %arg11[%get3A] {strides = array<i32>} : memref<528xi32, #tpu.memory_space<vmem>>, vector<16xi32>,
      %add3A_593 = vector.broadcast %mul3A_259 : i32 to vector<16xi32>
      %add3A_594 = arith.addi %get3A_592, %add3A_593 : vector<16xi32>
      %mul3A_595 = arith.constant 10 : i32
      %mul3A_596 = arith.muli %mul3A_595, %mul3A_36 : i32
      %mul3A_597 = arith.constant 16 : i32
      %mul3A_598 = arith.muli %while3A_588, %mul3A_597 : i32
      %add3A_599 = arith.addi %mul3A_596, %mul3A_598 : i32
      %swap3A_600 = arith.index_cast %add3A_599 : i32 to index
      %swap3A_601 = tpu.vector_load %arg12[%swap3A_600] {strides = array<i32>} : memref<8192xi32, #tpu.memory_space<vmem>>, vector<16xi32>,
      tpu.vector_store %arg12[%swap3A_600], %add3A_594 {strides = array<i32>} : memref<8192xi32, #tpu.memory_space<vmem>>, vector<16xi32>,
      %while3A_602 = arith.constant 0 : i32
      scf.yield %while3A_602 : i32
    }
    %while3A_270 = arith.constant 1 : i32
    %while3A_271 = scf.for %while3A_588 = %while3A_267 to %while3A_263 step %while3A_270 iter_args(%while3A_589 = %while3A_269) -> (i32)  : i32 {
      %mul3A_590 = arith.constant 16 : i32
      %mul3A_591 = arith.muli %while3A_588, %mul3A_590 : i32
      %get3A = arith.index_cast %mul3A_591 : i32 to index
      %get3A_592 = tpu.vector_load %arg11[%get3A] {strides = array<i32>} : memref<528xi32, #tpu.memory_space<vmem>>, vector<16xi32>,
      %add3A_593 = vector.broadcast %mul3A_259 : i32 to vector<16xi32>
      %add3A_594 = arith.addi %get3A_592, %add3A_593 : vector<16xi32>
      %mul3A_595 = arith.constant 10 : i32
      %mul3A_596 = arith.muli %mul3A_595, %mul3A_36 : i32
      %mul3A_597 = arith.constant 16 : i32
      %mul3A_598 = arith.muli %while3A_588, %mul3A_597 : i32
      %add3A_599 = arith.addi %mul3A_596, %mul3A_598 : i32
      %swap3A_600 = arith.index_cast %add3A_599 : i32 to index
      %swap3A_601 = tpu.vector_load %arg12[%swap3A_600] {strides = array<i32>} : memref<8192xi32, #tpu.memory_space<vmem>>, vector<16xi32>,
      tpu.vector_store %arg12[%swap3A_600], %add3A_594 {strides = array<i32>} : memref<8192xi32, #tpu.memory_space<vmem>>, vector<16xi32>,
      %while3A_602 = arith.constant 0 : i32
      scf.yield %while3A_602 : i32
    }
    %mul3A_272 = arith.constant 16 : i32
    %mul3A_273 = arith.muli %add3A, %mul3A_272 : i32
    %add3A_274 = arith.constant 11 : i32
    %add3A_275 = arith.addi %mul3A_273, %add3A_274 : i32
    %mul3A_276 = arith.constant 16384 : i32
    %mul3A_277 = arith.muli %add3A_275, %mul3A_276 : i32
    %while3A_278 = arith.constant 0 : i32
    %while3A_279 = arith.constant 0 : i32
    %while3A_280 = arith.subi %select_n3A_60, %while3A_278 : i32
    %while3A_281 = arith.addi %while3A_278, %while3A_280 : i32
    %while3A_282 = arith.constant 1 : i32
    %while3A_283 = arith.divsi %while3A_280, %while3A_282 : i32
    %while3A_284 = arith.muli %while3A_283, %while3A_282 : i32
    %while3A_285 = arith.addi %while3A_278, %while3A_284 : i32
    %while3A_286 = arith.constant 1 : i32
    %while3A_287 = scf.for %while3A_588 = %while3A_278 to %while3A_285 step %while3A_286 iter_args(%while3A_589 = %while3A_279) -> (i32)  : i32 {
      %mul3A_590 = arith.constant 16 : i32
      %mul3A_591 = arith.muli %while3A_588, %mul3A_590 : i32
      %get3A = arith.index_cast %mul3A_591 : i32 to index
      %get3A_592 = tpu.vector_load %arg11[%get3A] {strides = array<i32>} : memref<528xi32, #tpu.memory_space<vmem>>, vector<16xi32>,
      %add3A_593 = vector.broadcast %mul3A_277 : i32 to vector<16xi32>
      %add3A_594 = arith.addi %get3A_592, %add3A_593 : vector<16xi32>
      %mul3A_595 = arith.constant 11 : i32
      %mul3A_596 = arith.muli %mul3A_595, %mul3A_36 : i32
      %mul3A_597 = arith.constant 16 : i32
      %mul3A_598 = arith.muli %while3A_588, %mul3A_597 : i32
      %add3A_599 = arith.addi %mul3A_596, %mul3A_598 : i32
      %swap3A_600 = arith.index_cast %add3A_599 : i32 to index
      %swap3A_601 = tpu.vector_load %arg12[%swap3A_600] {strides = array<i32>} : memref<8192xi32, #tpu.memory_space<vmem>>, vector<16xi32>,
      tpu.vector_store %arg12[%swap3A_600], %add3A_594 {strides = array<i32>} : memref<8192xi32, #tpu.memory_space<vmem>>, vector<16xi32>,
      %while3A_602 = arith.constant 0 : i32
      scf.yield %while3A_602 : i32
    }
    %while3A_288 = arith.constant 1 : i32
    %while3A_289 = scf.for %while3A_588 = %while3A_285 to %while3A_281 step %while3A_288 iter_args(%while3A_589 = %while3A_287) -> (i32)  : i32 {
      %mul3A_590 = arith.constant 16 : i32
      %mul3A_591 = arith.muli %while3A_588, %mul3A_590 : i32
      %get3A = arith.index_cast %mul3A_591 : i32 to index
      %get3A_592 = tpu.vector_load %arg11[%get3A] {strides = array<i32>} : memref<528xi32, #tpu.memory_space<vmem>>, vector<16xi32>,
      %add3A_593 = vector.broadcast %mul3A_277 : i32 to vector<16xi32>
      %add3A_594 = arith.addi %get3A_592, %add3A_593 : vector<16xi32>
      %mul3A_595 = arith.constant 11 : i32
      %mul3A_596 = arith.muli %mul3A_595, %mul3A_36 : i32
      %mul3A_597 = arith.constant 16 : i32
      %mul3A_598 = arith.muli %while3A_588, %mul3A_597 : i32
      %add3A_599 = arith.addi %mul3A_596, %mul3A_598 : i32
      %swap3A_600 = arith.index_cast %add3A_599 : i32 to index
      %swap3A_601 = tpu.vector_load %arg12[%swap3A_600] {strides = array<i32>} : memref<8192xi32, #tpu.memory_space<vmem>>, vector<16xi32>,
      tpu.vector_store %arg12[%swap3A_600], %add3A_594 {strides = array<i32>} : memref<8192xi32, #tpu.memory_space<vmem>>, vector<16xi32>,
      %while3A_602 = arith.constant 0 : i32
      scf.yield %while3A_602 : i32
    }
    %mul3A_290 = arith.constant 16 : i32
    %mul3A_291 = arith.muli %add3A, %mul3A_290 : i32
    %add3A_292 = arith.constant 12 : i32
    %add3A_293 = arith.addi %mul3A_291, %add3A_292 : i32
    %mul3A_294 = arith.constant 16384 : i32
    %mul3A_295 = arith.muli %add3A_293, %mul3A_294 : i32
    %while3A_296 = arith.constant 0 : i32
    %while3A_297 = arith.constant 0 : i32
    %while3A_298 = arith.subi %select_n3A_60, %while3A_296 : i32
    %while3A_299 = arith.addi %while3A_296, %while3A_298 : i32
    %while3A_300 = arith.constant 1 : i32
    %while3A_301 = arith.divsi %while3A_298, %while3A_300 : i32
    %while3A_302 = arith.muli %while3A_301, %while3A_300 : i32
    %while3A_303 = arith.addi %while3A_296, %while3A_302 : i32
    %while3A_304 = arith.constant 1 : i32
    %while3A_305 = scf.for %while3A_588 = %while3A_296 to %while3A_303 step %while3A_304 iter_args(%while3A_589 = %while3A_297) -> (i32)  : i32 {
      %mul3A_590 = arith.constant 16 : i32
      %mul3A_591 = arith.muli %while3A_588, %mul3A_590 : i32
      %get3A = arith.index_cast %mul3A_591 : i32 to index
      %get3A_592 = tpu.vector_load %arg11[%get3A] {strides = array<i32>} : memref<528xi32, #tpu.memory_space<vmem>>, vector<16xi32>,
      %add3A_593 = vector.broadcast %mul3A_295 : i32 to vector<16xi32>
      %add3A_594 = arith.addi %get3A_592, %add3A_593 : vector<16xi32>
      %mul3A_595 = arith.constant 12 : i32
      %mul3A_596 = arith.muli %mul3A_595, %mul3A_36 : i32
      %mul3A_597 = arith.constant 16 : i32
      %mul3A_598 = arith.muli %while3A_588, %mul3A_597 : i32
      %add3A_599 = arith.addi %mul3A_596, %mul3A_598 : i32
      %swap3A_600 = arith.index_cast %add3A_599 : i32 to index
      %swap3A_601 = tpu.vector_load %arg12[%swap3A_600] {strides = array<i32>} : memref<8192xi32, #tpu.memory_space<vmem>>, vector<16xi32>,
      tpu.vector_store %arg12[%swap3A_600], %add3A_594 {strides = array<i32>} : memref<8192xi32, #tpu.memory_space<vmem>>, vector<16xi32>,
      %while3A_602 = arith.constant 0 : i32
      scf.yield %while3A_602 : i32
    }
    %while3A_306 = arith.constant 1 : i32
    %while3A_307 = scf.for %while3A_588 = %while3A_303 to %while3A_299 step %while3A_306 iter_args(%while3A_589 = %while3A_305) -> (i32)  : i32 {
      %mul3A_590 = arith.constant 16 : i32
      %mul3A_591 = arith.muli %while3A_588, %mul3A_590 : i32
      %get3A = arith.index_cast %mul3A_591 : i32 to index
      %get3A_592 = tpu.vector_load %arg11[%get3A] {strides = array<i32>} : memref<528xi32, #tpu.memory_space<vmem>>, vector<16xi32>,
      %add3A_593 = vector.broadcast %mul3A_295 : i32 to vector<16xi32>
      %add3A_594 = arith.addi %get3A_592, %add3A_593 : vector<16xi32>
      %mul3A_595 = arith.constant 12 : i32
      %mul3A_596 = arith.muli %mul3A_595, %mul3A_36 : i32
      %mul3A_597 = arith.constant 16 : i32
      %mul3A_598 = arith.muli %while3A_588, %mul3A_597 : i32
      %add3A_599 = arith.addi %mul3A_596, %mul3A_598 : i32
      %swap3A_600 = arith.index_cast %add3A_599 : i32 to index
      %swap3A_601 = tpu.vector_load %arg12[%swap3A_600] {strides = array<i32>} : memref<8192xi32, #tpu.memory_space<vmem>>, vector<16xi32>,
      tpu.vector_store %arg12[%swap3A_600], %add3A_594 {strides = array<i32>} : memref<8192xi32, #tpu.memory_space<vmem>>, vector<16xi32>,
      %while3A_602 = arith.constant 0 : i32
      scf.yield %while3A_602 : i32
    }
    %mul3A_308 = arith.constant 16 : i32
    %mul3A_309 = arith.muli %add3A, %mul3A_308 : i32
    %add3A_310 = arith.constant 13 : i32
    %add3A_311 = arith.addi %mul3A_309, %add3A_310 : i32
    %mul3A_312 = arith.constant 16384 : i32
    %mul3A_313 = arith.muli %add3A_311, %mul3A_312 : i32
    %while3A_314 = arith.constant 0 : i32
    %while3A_315 = arith.constant 0 : i32
    %while3A_316 = arith.subi %select_n3A_60, %while3A_314 : i32
    %while3A_317 = arith.addi %while3A_314, %while3A_316 : i32
    %while3A_318 = arith.constant 1 : i32
    %while3A_319 = arith.divsi %while3A_316, %while3A_318 : i32
    %while3A_320 = arith.muli %while3A_319, %while3A_318 : i32
    %while3A_321 = arith.addi %while3A_314, %while3A_320 : i32
    %while3A_322 = arith.constant 1 : i32
    %while3A_323 = scf.for %while3A_588 = %while3A_314 to %while3A_321 step %while3A_322 iter_args(%while3A_589 = %while3A_315) -> (i32)  : i32 {
      %mul3A_590 = arith.constant 16 : i32
      %mul3A_591 = arith.muli %while3A_588, %mul3A_590 : i32
      %get3A = arith.index_cast %mul3A_591 : i32 to index
      %get3A_592 = tpu.vector_load %arg11[%get3A] {strides = array<i32>} : memref<528xi32, #tpu.memory_space<vmem>>, vector<16xi32>,
      %add3A_593 = vector.broadcast %mul3A_313 : i32 to vector<16xi32>
      %add3A_594 = arith.addi %get3A_592, %add3A_593 : vector<16xi32>
      %mul3A_595 = arith.constant 13 : i32
      %mul3A_596 = arith.muli %mul3A_595, %mul3A_36 : i32
      %mul3A_597 = arith.constant 16 : i32
      %mul3A_598 = arith.muli %while3A_588, %mul3A_597 : i32
      %add3A_599 = arith.addi %mul3A_596, %mul3A_598 : i32
      %swap3A_600 = arith.index_cast %add3A_599 : i32 to index
      %swap3A_601 = tpu.vector_load %arg12[%swap3A_600] {strides = array<i32>} : memref<8192xi32, #tpu.memory_space<vmem>>, vector<16xi32>,
      tpu.vector_store %arg12[%swap3A_600], %add3A_594 {strides = array<i32>} : memref<8192xi32, #tpu.memory_space<vmem>>, vector<16xi32>,
      %while3A_602 = arith.constant 0 : i32
      scf.yield %while3A_602 : i32
    }
    %while3A_324 = arith.constant 1 : i32
    %while3A_325 = scf.for %while3A_588 = %while3A_321 to %while3A_317 step %while3A_324 iter_args(%while3A_589 = %while3A_323) -> (i32)  : i32 {
      %mul3A_590 = arith.constant 16 : i32
      %mul3A_591 = arith.muli %while3A_588, %mul3A_590 : i32
      %get3A = arith.index_cast %mul3A_591 : i32 to index
      %get3A_592 = tpu.vector_load %arg11[%get3A] {strides = array<i32>} : memref<528xi32, #tpu.memory_space<vmem>>, vector<16xi32>,
      %add3A_593 = vector.broadcast %mul3A_313 : i32 to vector<16xi32>
      %add3A_594 = arith.addi %get3A_592, %add3A_593 : vector<16xi32>
      %mul3A_595 = arith.constant 13 : i32
      %mul3A_596 = arith.muli %mul3A_595, %mul3A_36 : i32
      %mul3A_597 = arith.constant 16 : i32
      %mul3A_598 = arith.muli %while3A_588, %mul3A_597 : i32
      %add3A_599 = arith.addi %mul3A_596, %mul3A_598 : i32
      %swap3A_600 = arith.index_cast %add3A_599 : i32 to index
      %swap3A_601 = tpu.vector_load %arg12[%swap3A_600] {strides = array<i32>} : memref<8192xi32, #tpu.memory_space<vmem>>, vector<16xi32>,
      tpu.vector_store %arg12[%swap3A_600], %add3A_594 {strides = array<i32>} : memref<8192xi32, #tpu.memory_space<vmem>>, vector<16xi32>,
      %while3A_602 = arith.constant 0 : i32
      scf.yield %while3A_602 : i32
    }
    %mul3A_326 = arith.constant 16 : i32
    %mul3A_327 = arith.muli %add3A, %mul3A_326 : i32
    %add3A_328 = arith.constant 14 : i32
    %add3A_329 = arith.addi %mul3A_327, %add3A_328 : i32
    %mul3A_330 = arith.constant 16384 : i32
    %mul3A_331 = arith.muli %add3A_329, %mul3A_330 : i32
    %while3A_332 = arith.constant 0 : i32
    %while3A_333 = arith.constant 0 : i32
    %while3A_334 = arith.subi %select_n3A_60, %while3A_332 : i32
    %while3A_335 = arith.addi %while3A_332, %while3A_334 : i32
    %while3A_336 = arith.constant 1 : i32
    %while3A_337 = arith.divsi %while3A_334, %while3A_336 : i32
    %while3A_338 = arith.muli %while3A_337, %while3A_336 : i32
    %while3A_339 = arith.addi %while3A_332, %while3A_338 : i32
    %while3A_340 = arith.constant 1 : i32
    %while3A_341 = scf.for %while3A_588 = %while3A_332 to %while3A_339 step %while3A_340 iter_args(%while3A_589 = %while3A_333) -> (i32)  : i32 {
      %mul3A_590 = arith.constant 16 : i32
      %mul3A_591 = arith.muli %while3A_588, %mul3A_590 : i32
      %get3A = arith.index_cast %mul3A_591 : i32 to index
      %get3A_592 = tpu.vector_load %arg11[%get3A] {strides = array<i32>} : memref<528xi32, #tpu.memory_space<vmem>>, vector<16xi32>,
      %add3A_593 = vector.broadcast %mul3A_331 : i32 to vector<16xi32>
      %add3A_594 = arith.addi %get3A_592, %add3A_593 : vector<16xi32>
      %mul3A_595 = arith.constant 14 : i32
      %mul3A_596 = arith.muli %mul3A_595, %mul3A_36 : i32
      %mul3A_597 = arith.constant 16 : i32
      %mul3A_598 = arith.muli %while3A_588, %mul3A_597 : i32
      %add3A_599 = arith.addi %mul3A_596, %mul3A_598 : i32
      %swap3A_600 = arith.index_cast %add3A_599 : i32 to index
      %swap3A_601 = tpu.vector_load %arg12[%swap3A_600] {strides = array<i32>} : memref<8192xi32, #tpu.memory_space<vmem>>, vector<16xi32>,
      tpu.vector_store %arg12[%swap3A_600], %add3A_594 {strides = array<i32>} : memref<8192xi32, #tpu.memory_space<vmem>>, vector<16xi32>,
      %while3A_602 = arith.constant 0 : i32
      scf.yield %while3A_602 : i32
    }
    %while3A_342 = arith.constant 1 : i32
    %while3A_343 = scf.for %while3A_588 = %while3A_339 to %while3A_335 step %while3A_342 iter_args(%while3A_589 = %while3A_341) -> (i32)  : i32 {
      %mul3A_590 = arith.constant 16 : i32
      %mul3A_591 = arith.muli %while3A_588, %mul3A_590 : i32
      %get3A = arith.index_cast %mul3A_591 : i32 to index
      %get3A_592 = tpu.vector_load %arg11[%get3A] {strides = array<i32>} : memref<528xi32, #tpu.memory_space<vmem>>, vector<16xi32>,
      %add3A_593 = vector.broadcast %mul3A_331 : i32 to vector<16xi32>
      %add3A_594 = arith.addi %get3A_592, %add3A_593 : vector<16xi32>
      %mul3A_595 = arith.constant 14 : i32
      %mul3A_596 = arith.muli %mul3A_595, %mul3A_36 : i32
      %mul3A_597 = arith.constant 16 : i32
      %mul3A_598 = arith.muli %while3A_588, %mul3A_597 : i32
      %add3A_599 = arith.addi %mul3A_596, %mul3A_598 : i32
      %swap3A_600 = arith.index_cast %add3A_599 : i32 to index
      %swap3A_601 = tpu.vector_load %arg12[%swap3A_600] {strides = array<i32>} : memref<8192xi32, #tpu.memory_space<vmem>>, vector<16xi32>,
      tpu.vector_store %arg12[%swap3A_600], %add3A_594 {strides = array<i32>} : memref<8192xi32, #tpu.memory_space<vmem>>, vector<16xi32>,
      %while3A_602 = arith.constant 0 : i32
      scf.yield %while3A_602 : i32
    }
    %mul3A_344 = arith.constant 16 : i32
    %mul3A_345 = arith.muli %add3A, %mul3A_344 : i32
    %add3A_346 = arith.constant 15 : i32
    %add3A_347 = arith.addi %mul3A_345, %add3A_346 : i32
    %mul3A_348 = arith.constant 16384 : i32
    %mul3A_349 = arith.muli %add3A_347, %mul3A_348 : i32
    %while3A_350 = arith.constant 0 : i32
    %while3A_351 = arith.constant 0 : i32
    %while3A_352 = arith.subi %select_n3A_60, %while3A_350 : i32
    %while3A_353 = arith.addi %while3A_350, %while3A_352 : i32
    %while3A_354 = arith.constant 1 : i32
    %while3A_355 = arith.divsi %while3A_352, %while3A_354 : i32
    %while3A_356 = arith.muli %while3A_355, %while3A_354 : i32
    %while3A_357 = arith.addi %while3A_350, %while3A_356 : i32
    %while3A_358 = arith.constant 1 : i32
    %while3A_359 = scf.for %while3A_588 = %while3A_350 to %while3A_357 step %while3A_358 iter_args(%while3A_589 = %while3A_351) -> (i32)  : i32 {
      %mul3A_590 = arith.constant 16 : i32
      %mul3A_591 = arith.muli %while3A_588, %mul3A_590 : i32
      %get3A = arith.index_cast %mul3A_591 : i32 to index
      %get3A_592 = tpu.vector_load %arg11[%get3A] {strides = array<i32>} : memref<528xi32, #tpu.memory_space<vmem>>, vector<16xi32>,
      %add3A_593 = vector.broadcast %mul3A_349 : i32 to vector<16xi32>
      %add3A_594 = arith.addi %get3A_592, %add3A_593 : vector<16xi32>
      %mul3A_595 = arith.constant 15 : i32
      %mul3A_596 = arith.muli %mul3A_595, %mul3A_36 : i32
      %mul3A_597 = arith.constant 16 : i32
      %mul3A_598 = arith.muli %while3A_588, %mul3A_597 : i32
      %add3A_599 = arith.addi %mul3A_596, %mul3A_598 : i32
      %swap3A_600 = arith.index_cast %add3A_599 : i32 to index
      %swap3A_601 = tpu.vector_load %arg12[%swap3A_600] {strides = array<i32>} : memref<8192xi32, #tpu.memory_space<vmem>>, vector<16xi32>,
      tpu.vector_store %arg12[%swap3A_600], %add3A_594 {strides = array<i32>} : memref<8192xi32, #tpu.memory_space<vmem>>, vector<16xi32>,
      %while3A_602 = arith.constant 0 : i32
      scf.yield %while3A_602 : i32
    }
    %while3A_360 = arith.constant 1 : i32
    %while3A_361 = scf.for %while3A_588 = %while3A_357 to %while3A_353 step %while3A_360 iter_args(%while3A_589 = %while3A_359) -> (i32)  : i32 {
      %mul3A_590 = arith.constant 16 : i32
      %mul3A_591 = arith.muli %while3A_588, %mul3A_590 : i32
      %get3A = arith.index_cast %mul3A_591 : i32 to index
      %get3A_592 = tpu.vector_load %arg11[%get3A] {strides = array<i32>} : memref<528xi32, #tpu.memory_space<vmem>>, vector<16xi32>,
      %add3A_593 = vector.broadcast %mul3A_349 : i32 to vector<16xi32>
      %add3A_594 = arith.addi %get3A_592, %add3A_593 : vector<16xi32>
      %mul3A_595 = arith.constant 15 : i32
      %mul3A_596 = arith.muli %mul3A_595, %mul3A_36 : i32
      %mul3A_597 = arith.constant 16 : i32
      %mul3A_598 = arith.muli %while3A_588, %mul3A_597 : i32
      %add3A_599 = arith.addi %mul3A_596, %mul3A_598 : i32
      %swap3A_600 = arith.index_cast %add3A_599 : i32 to index
      %swap3A_601 = tpu.vector_load %arg12[%swap3A_600] {strides = array<i32>} : memref<8192xi32, #tpu.memory_space<vmem>>, vector<16xi32>,
      tpu.vector_store %arg12[%swap3A_600], %add3A_594 {strides = array<i32>} : memref<8192xi32, #tpu.memory_space<vmem>>, vector<16xi32>,
      %while3A_602 = arith.constant 0 : i32
      scf.yield %while3A_602 : i32
    }
    %while3A_362 = arith.constant 0 : i32
    %while3A_363 = arith.constant 0 : i32
    %while3A_364 = arith.subi %select_n3A_60, %while3A_362 : i32
    %while3A_365 = arith.addi %while3A_362, %while3A_364 : i32
    %while3A_366 = arith.constant 1 : i32
    %while3A_367 = arith.divsi %while3A_364, %while3A_366 : i32
    %while3A_368 = arith.muli %while3A_367, %while3A_366 : i32
    %while3A_369 = arith.addi %while3A_362, %while3A_368 : i32
    %while3A_370 = arith.constant 1 : i32
    %while3A_371 = scf.for %while3A_588 = %while3A_362 to %while3A_369 step %while3A_370 iter_args(%while3A_589 = %while3A_363) -> (i32)  : i32 {
      %mul3A_590 = arith.constant 1 : i32
      %mul3A_591 = arith.muli %mul3A_590, %mul3A_62 : i32
      %mul3A_592 = arith.constant 128 : i32
      %mul3A_593 = arith.muli %while3A_588, %mul3A_592 : i32
      %add3A_594 = arith.addi %mul3A_591, %mul3A_593 : i32
      %mul3A_595 = arith.constant 128 : i32
      %mul3A_596 = arith.muli %while3A_588, %mul3A_595 : i32
      %add3A_597 = arith.addi %mul3A_591, %mul3A_596 : i32
      %dma_start3A = tpu.memref_slice %arg13[%add3A_597] : memref<8192xf32, #tpu.memory_space<vmem>> -> memref<128xf32, #tpu.memory_space<vmem>>
      %dma_start3A_598 = tpu.memref_slice %arg12[%add3A_594] : memref<8192xi32, #tpu.memory_space<vmem>> -> memref<128xi32, #tpu.memory_space<vmem>>
      %dma_start3A_599 = arith.constant 0 : i32
      %dma_start3A_600 = tpu.memref_slice %arg2[%dma_start3A_599] : memref<8388608xf32, #tpu.memory_space<hbm>> -> memref<8388608xf32, #tpu.memory_space<hbm>>
      tpu.enqueue_indirect_dma source(%dma_start3A_600 : memref<8388608xf32, #tpu.memory_space<hbm>>) target(%dma_start3A : memref<128xf32, #tpu.memory_space<vmem>>) offsets(%dma_start3A_598 : memref<128xi32, #tpu.memory_space<vmem>>) semaphore(%arg16 : memref<!tpu.dma_semaphore, #tpu.memory_space<semaphore_mem>>)
      %while3A_601 = arith.constant 0 : i32
      scf.yield %while3A_601 : i32
    }
    %while3A_372 = arith.constant 1 : i32
    %while3A_373 = scf.for %while3A_588 = %while3A_369 to %while3A_365 step %while3A_372 iter_args(%while3A_589 = %while3A_371) -> (i32)  : i32 {
      %mul3A_590 = arith.constant 1 : i32
      %mul3A_591 = arith.muli %mul3A_590, %mul3A_62 : i32
      %mul3A_592 = arith.constant 128 : i32
      %mul3A_593 = arith.muli %while3A_588, %mul3A_592 : i32
      %add3A_594 = arith.addi %mul3A_591, %mul3A_593 : i32
      %mul3A_595 = arith.constant 128 : i32
      %mul3A_596 = arith.muli %while3A_588, %mul3A_595 : i32
      %add3A_597 = arith.addi %mul3A_591, %mul3A_596 : i32
      %dma_start3A = tpu.memref_slice %arg13[%add3A_597] : memref<8192xf32, #tpu.memory_space<vmem>> -> memref<128xf32, #tpu.memory_space<vmem>>
      %dma_start3A_598 = tpu.memref_slice %arg12[%add3A_594] : memref<8192xi32, #tpu.memory_space<vmem>> -> memref<128xi32, #tpu.memory_space<vmem>>
      %dma_start3A_599 = arith.constant 0 : i32
      %dma_start3A_600 = tpu.memref_slice %arg2[%dma_start3A_599] : memref<8388608xf32, #tpu.memory_space<hbm>> -> memref<8388608xf32, #tpu.memory_space<hbm>>
      tpu.enqueue_indirect_dma source(%dma_start3A_600 : memref<8388608xf32, #tpu.memory_space<hbm>>) target(%dma_start3A : memref<128xf32, #tpu.memory_space<vmem>>) offsets(%dma_start3A_598 : memref<128xi32, #tpu.memory_space<vmem>>) semaphore(%arg16 : memref<!tpu.dma_semaphore, #tpu.memory_space<semaphore_mem>>)
      %while3A_601 = arith.constant 0 : i32
      scf.yield %while3A_601 : i32
    }
    %broadcast_in_dim3A_374 = arith.constant 0.000000e+00 : f32
    %broadcast_in_dim3A_375 = vector.broadcast %broadcast_in_dim3A_374 : f32 to vector<16xf32>
    %scan3A_376 = arith.constant 0 : i32
    %scan3A_377 = arith.constant 32 : i32
    %scan3A_378 = arith.addi %scan3A_376, %scan3A_377 : i32
    %scan3A_379 = arith.constant 1 : i32
    %scan3A_380 = scf.for %scan3A_588 = %scan3A_376 to %scan3A_378 step %scan3A_379 iter_args(%scan3A_589 = %broadcast_in_dim3A_375) -> (vector<16xf32>)  : i32 {
      %mul3A_590 = arith.constant 16 : i32
      %mul3A_591 = arith.muli %scan3A_588, %mul3A_590 : i32
      %get3A = arith.index_cast %mul3A_591 : i32 to index
      %get3A_592 = tpu.vector_load %arg8[%get3A] {strides = array<i32>} : memref<512xf32, #tpu.memory_space<vmem>>, vector<16xf32>,
      %add3A_593 = arith.addf %scan3A_589, %get3A_592 : vector<16xf32>
      scf.yield %add3A_593 : vector<16xf32>
    }
    %scan3A_381 = arith.constant 32 : i32
    %broadcast_in_dim3A_382 = arith.constant 0.000000e+00 : f32
    %broadcast_in_dim3A_383 = vector.broadcast %broadcast_in_dim3A_382 : f32 to vector<16xf32>
    %while3A_384 = arith.constant 0 : i32
    %while3A_385 = arith.constant 0 : i32
    %while3A_386 = arith.subi %select_n3A_60, %while3A_384 : i32
    %while3A_387 = arith.addi %while3A_384, %while3A_386 : i32
    %while3A_388 = arith.constant 1 : i32
    %while3A_389 = arith.divsi %while3A_386, %while3A_388 : i32
    %while3A_390 = arith.muli %while3A_389, %while3A_388 : i32
    %while3A_391 = arith.addi %while3A_384, %while3A_390 : i32
    %while3A_392 = arith.constant 1 : i32
    %while3A_393 = scf.for %while3A_588 = %while3A_384 to %while3A_391 step %while3A_392 iter_args(%while3A_589 = %while3A_385) -> (i32)  : i32 {
      %dma_wait3A = arith.constant 0 : i32
      %dma_wait3A_590 = tpu.memref_slice %arg13[%dma_wait3A] : memref<8192xf32, #tpu.memory_space<vmem>> -> memref<128xf32, #tpu.memory_space<vmem>>
      %dma_wait3A_591 = arith.constant 0 : i32
      %dma_wait3A_592 = tpu.memref_slice %arg2[%dma_wait3A_591] : memref<8388608xf32, #tpu.memory_space<hbm>> -> memref<128xf32, #tpu.memory_space<hbm>>
      %dma_wait3A_593 = arith.constant 0 : i32
      %dma_wait3A_594 = tpu.memref_slice %arg13[%dma_wait3A_593] : memref<8192xf32, #tpu.memory_space<vmem>> -> memref<128xf32, #tpu.memory_space<vmem>>
      %dma_wait3A_595 = arith.constant 0 : i32
      %dma_wait3A_596 = tpu.memref_slice %arg2[%dma_wait3A_595] : memref<8388608xf32, #tpu.memory_space<hbm>> -> memref<128xf32, #tpu.memory_space<hbm>>
      tpu.wait_dma2 semaphore(%arg15 : memref<!tpu.dma_semaphore, #tpu.memory_space<semaphore_mem>>) src(%dma_wait3A_596 : memref<128xf32, #tpu.memory_space<hbm>>) dst(%dma_wait3A_594 : memref<128xf32, #tpu.memory_space<vmem>>)
      %while3A_597 = arith.constant 0 : i32
      scf.yield %while3A_597 : i32
    }
    %while3A_394 = arith.constant 1 : i32
    %while3A_395 = scf.for %while3A_588 = %while3A_391 to %while3A_387 step %while3A_394 iter_args(%while3A_589 = %while3A_393) -> (i32)  : i32 {
      %dma_wait3A = arith.constant 0 : i32
      %dma_wait3A_590 = tpu.memref_slice %arg13[%dma_wait3A] : memref<8192xf32, #tpu.memory_space<vmem>> -> memref<128xf32, #tpu.memory_space<vmem>>
      %dma_wait3A_591 = arith.constant 0 : i32
      %dma_wait3A_592 = tpu.memref_slice %arg2[%dma_wait3A_591] : memref<8388608xf32, #tpu.memory_space<hbm>> -> memref<128xf32, #tpu.memory_space<hbm>>
      %dma_wait3A_593 = arith.constant 0 : i32
      %dma_wait3A_594 = tpu.memref_slice %arg13[%dma_wait3A_593] : memref<8192xf32, #tpu.memory_space<vmem>> -> memref<128xf32, #tpu.memory_space<vmem>>
      %dma_wait3A_595 = arith.constant 0 : i32
      %dma_wait3A_596 = tpu.memref_slice %arg2[%dma_wait3A_595] : memref<8388608xf32, #tpu.memory_space<hbm>> -> memref<128xf32, #tpu.memory_space<hbm>>
      tpu.wait_dma2 semaphore(%arg15 : memref<!tpu.dma_semaphore, #tpu.memory_space<semaphore_mem>>) src(%dma_wait3A_596 : memref<128xf32, #tpu.memory_space<hbm>>) dst(%dma_wait3A_594 : memref<128xf32, #tpu.memory_space<vmem>>)
      %while3A_597 = arith.constant 0 : i32
      scf.yield %while3A_597 : i32
    }
    %while3A_396 = arith.constant 0 : i32
    %while3A_397 = arith.subi %select_n3A_60, %while3A_396 : i32
    %while3A_398 = arith.addi %while3A_396, %while3A_397 : i32
    %while3A_399 = arith.constant 1 : i32
    %while3A_400 = arith.divsi %while3A_397, %while3A_399 : i32
    %while3A_401 = arith.muli %while3A_400, %while3A_399 : i32
    %while3A_402 = arith.addi %while3A_396, %while3A_401 : i32
    %while3A_403 = arith.constant 1 : i32
    %while3A_404 = scf.for %while3A_588 = %while3A_396 to %while3A_402 step %while3A_403 iter_args(%while3A_589 = %broadcast_in_dim3A_383) -> (vector<16xf32>)  : i32 {
      %mul3A_590 = arith.constant 0 : i32
      %mul3A_591 = arith.muli %mul3A_590, %mul3A_36 : i32
      %mul3A_592 = arith.constant 16 : i32
      %mul3A_593 = arith.muli %while3A_588, %mul3A_592 : i32
      %add3A_594 = arith.addi %mul3A_591, %mul3A_593 : i32
      %get3A = arith.index_cast %add3A_594 : i32 to index
      %get3A_595 = tpu.vector_load %arg13[%get3A] {strides = array<i32>} : memref<8192xf32, #tpu.memory_space<vmem>>, vector<16xf32>,
      %mul3A_596 = arith.constant 16 : i32
      %mul3A_597 = arith.muli %while3A_588, %mul3A_596 : i32
      %get3A_598 = arith.index_cast %mul3A_597 : i32 to index
      %get3A_599 = tpu.vector_load %arg10[%get3A_598] {strides = array<i32>} : memref<528xi32, #tpu.memory_space<vmem>>, vector<16xi32>,
      %gather3A = tpu.vector_load_idx %arg8[%get3A_599] : memref<512xf32, #tpu.memory_space<vmem>>[vector<16xi32>], vector<16xf32>,
      %shift_right_arithmetic3A = arith.constant 7 : i32
      %shift_right_arithmetic3A_600 = vector.broadcast %shift_right_arithmetic3A : i32 to vector<16xi32>
      %shift_right_arithmetic3A_601 = arith.shrsi %get3A_599, %shift_right_arithmetic3A_600 : vector<16xi32>
      %add3A_602 = arith.constant 0 : i32
      %add3A_603 = vector.broadcast %add3A_602 : i32 to vector<16xi32>
      %add3A_604 = arith.addi %add3A_603, %shift_right_arithmetic3A_601 : vector<16xi32>
      %and3A_605 = arith.constant 127 : i32
      %and3A_606 = vector.broadcast %and3A_605 : i32 to vector<16xi32>
      %and3A_607 = arith.andi %get3A_599, %and3A_606 : vector<16xi32>
      %gather3A_608 = tpu.vector_load_idx %arg9[%add3A_604, %and3A_607] : memref<64x128xf32, #tpu.memory_space<vmem>>[vector<16xi32>, vector<16xi32>], vector<16xf32>,
      %mul3A_609 = arith.mulf %gather3A, %get3A_595 : vector<16xf32>
      %sub3A_610 = arith.subf %mul3A_609, %gather3A_608 : vector<16xf32>
      %abs3A = math.absf %sub3A_610 : vector<16xf32>
      %add3A_611 = arith.addf %while3A_589, %abs3A : vector<16xf32>
      scf.yield %add3A_611 : vector<16xf32>
    }
    %while3A_405 = arith.constant 1 : i32
    %while3A_406 = scf.for %while3A_588 = %while3A_402 to %while3A_398 step %while3A_405 iter_args(%while3A_589 = %while3A_404) -> (vector<16xf32>)  : i32 {
      %mul3A_590 = arith.constant 0 : i32
      %mul3A_591 = arith.muli %mul3A_590, %mul3A_36 : i32
      %mul3A_592 = arith.constant 16 : i32
      %mul3A_593 = arith.muli %while3A_588, %mul3A_592 : i32
      %add3A_594 = arith.addi %mul3A_591, %mul3A_593 : i32
      %get3A = arith.index_cast %add3A_594 : i32 to index
      %get3A_595 = tpu.vector_load %arg13[%get3A] {strides = array<i32>} : memref<8192xf32, #tpu.memory_space<vmem>>, vector<16xf32>,
      %mul3A_596 = arith.constant 16 : i32
      %mul3A_597 = arith.muli %while3A_588, %mul3A_596 : i32
      %get3A_598 = arith.index_cast %mul3A_597 : i32 to index
      %get3A_599 = tpu.vector_load %arg10[%get3A_598] {strides = array<i32>} : memref<528xi32, #tpu.memory_space<vmem>>, vector<16xi32>,
      %gather3A = tpu.vector_load_idx %arg8[%get3A_599] : memref<512xf32, #tpu.memory_space<vmem>>[vector<16xi32>], vector<16xf32>,
      %shift_right_arithmetic3A = arith.constant 7 : i32
      %shift_right_arithmetic3A_600 = vector.broadcast %shift_right_arithmetic3A : i32 to vector<16xi32>
      %shift_right_arithmetic3A_601 = arith.shrsi %get3A_599, %shift_right_arithmetic3A_600 : vector<16xi32>
      %add3A_602 = arith.constant 0 : i32
      %add3A_603 = vector.broadcast %add3A_602 : i32 to vector<16xi32>
      %add3A_604 = arith.addi %add3A_603, %shift_right_arithmetic3A_601 : vector<16xi32>
      %and3A_605 = arith.constant 127 : i32
      %and3A_606 = vector.broadcast %and3A_605 : i32 to vector<16xi32>
      %and3A_607 = arith.andi %get3A_599, %and3A_606 : vector<16xi32>
      %gather3A_608 = tpu.vector_load_idx %arg9[%add3A_604, %and3A_607] : memref<64x128xf32, #tpu.memory_space<vmem>>[vector<16xi32>, vector<16xi32>], vector<16xf32>,
      %mul3A_609 = arith.mulf %gather3A, %get3A_595 : vector<16xf32>
      %sub3A_610 = arith.subf %mul3A_609, %gather3A_608 : vector<16xf32>
      %abs3A = math.absf %sub3A_610 : vector<16xf32>
      %add3A_611 = arith.addf %while3A_589, %abs3A : vector<16xf32>
      scf.yield %add3A_611 : vector<16xf32>
    }
    %while3A_407 = arith.constant 0 : i32
    %while3A_408 = arith.subi %select_n3A_60, %while3A_407 : i32
    %while3A_409 = arith.addi %while3A_407, %while3A_408 : i32
    %while3A_410 = arith.constant 1 : i32
    %while3A_411 = arith.divsi %while3A_408, %while3A_410 : i32
    %while3A_412 = arith.muli %while3A_411, %while3A_410 : i32
    %while3A_413 = arith.addi %while3A_407, %while3A_412 : i32
    %while3A_414 = arith.constant 1 : i32
    %while3A_415 = scf.for %while3A_588 = %while3A_407 to %while3A_413 step %while3A_414 iter_args(%while3A_589 = %while3A_406) -> (vector<16xf32>)  : i32 {
      %mul3A_590 = arith.constant 1 : i32
      %mul3A_591 = arith.muli %mul3A_590, %mul3A_36 : i32
      %mul3A_592 = arith.constant 16 : i32
      %mul3A_593 = arith.muli %while3A_588, %mul3A_592 : i32
      %add3A_594 = arith.addi %mul3A_591, %mul3A_593 : i32
      %get3A = arith.index_cast %add3A_594 : i32 to index
      %get3A_595 = tpu.vector_load %arg13[%get3A] {strides = array<i32>} : memref<8192xf32, #tpu.memory_space<vmem>>, vector<16xf32>,
      %mul3A_596 = arith.constant 16 : i32
      %mul3A_597 = arith.muli %while3A_588, %mul3A_596 : i32
      %get3A_598 = arith.index_cast %mul3A_597 : i32 to index
      %get3A_599 = tpu.vector_load %arg10[%get3A_598] {strides = array<i32>} : memref<528xi32, #tpu.memory_space<vmem>>, vector<16xi32>,
      %gather3A = tpu.vector_load_idx %arg8[%get3A_599] : memref<512xf32, #tpu.memory_space<vmem>>[vector<16xi32>], vector<16xf32>,
      %shift_right_arithmetic3A = arith.constant 7 : i32
      %shift_right_arithmetic3A_600 = vector.broadcast %shift_right_arithmetic3A : i32 to vector<16xi32>
      %shift_right_arithmetic3A_601 = arith.shrsi %get3A_599, %shift_right_arithmetic3A_600 : vector<16xi32>
      %add3A_602 = arith.constant 4 : i32
      %add3A_603 = vector.broadcast %add3A_602 : i32 to vector<16xi32>
      %add3A_604 = arith.addi %add3A_603, %shift_right_arithmetic3A_601 : vector<16xi32>
      %and3A_605 = arith.constant 127 : i32
      %and3A_606 = vector.broadcast %and3A_605 : i32 to vector<16xi32>
      %and3A_607 = arith.andi %get3A_599, %and3A_606 : vector<16xi32>
      %gather3A_608 = tpu.vector_load_idx %arg9[%add3A_604, %and3A_607] : memref<64x128xf32, #tpu.memory_space<vmem>>[vector<16xi32>, vector<16xi32>], vector<16xf32>,
      %mul3A_609 = arith.mulf %gather3A, %get3A_595 : vector<16xf32>
      %sub3A_610 = arith.subf %mul3A_609, %gather3A_608 : vector<16xf32>
      %abs3A = math.absf %sub3A_610 : vector<16xf32>
      %add3A_611 = arith.addf %while3A_589, %abs3A : vector<16xf32>
      scf.yield %add3A_611 : vector<16xf32>
    }
    %while3A_416 = arith.constant 1 : i32
    %while3A_417 = scf.for %while3A_588 = %while3A_413 to %while3A_409 step %while3A_416 iter_args(%while3A_589 = %while3A_415) -> (vector<16xf32>)  : i32 {
      %mul3A_590 = arith.constant 1 : i32
      %mul3A_591 = arith.muli %mul3A_590, %mul3A_36 : i32
      %mul3A_592 = arith.constant 16 : i32
      %mul3A_593 = arith.muli %while3A_588, %mul3A_592 : i32
      %add3A_594 = arith.addi %mul3A_591, %mul3A_593 : i32
      %get3A = arith.index_cast %add3A_594 : i32 to index
      %get3A_595 = tpu.vector_load %arg13[%get3A] {strides = array<i32>} : memref<8192xf32, #tpu.memory_space<vmem>>, vector<16xf32>,
      %mul3A_596 = arith.constant 16 : i32
      %mul3A_597 = arith.muli %while3A_588, %mul3A_596 : i32
      %get3A_598 = arith.index_cast %mul3A_597 : i32 to index
      %get3A_599 = tpu.vector_load %arg10[%get3A_598] {strides = array<i32>} : memref<528xi32, #tpu.memory_space<vmem>>, vector<16xi32>,
      %gather3A = tpu.vector_load_idx %arg8[%get3A_599] : memref<512xf32, #tpu.memory_space<vmem>>[vector<16xi32>], vector<16xf32>,
      %shift_right_arithmetic3A = arith.constant 7 : i32
      %shift_right_arithmetic3A_600 = vector.broadcast %shift_right_arithmetic3A : i32 to vector<16xi32>
      %shift_right_arithmetic3A_601 = arith.shrsi %get3A_599, %shift_right_arithmetic3A_600 : vector<16xi32>
      %add3A_602 = arith.constant 4 : i32
      %add3A_603 = vector.broadcast %add3A_602 : i32 to vector<16xi32>
      %add3A_604 = arith.addi %add3A_603, %shift_right_arithmetic3A_601 : vector<16xi32>
      %and3A_605 = arith.constant 127 : i32
      %and3A_606 = vector.broadcast %and3A_605 : i32 to vector<16xi32>
      %and3A_607 = arith.andi %get3A_599, %and3A_606 : vector<16xi32>
      %gather3A_608 = tpu.vector_load_idx %arg9[%add3A_604, %and3A_607] : memref<64x128xf32, #tpu.memory_space<vmem>>[vector<16xi32>, vector<16xi32>], vector<16xf32>,
      %mul3A_609 = arith.mulf %gather3A, %get3A_595 : vector<16xf32>
      %sub3A_610 = arith.subf %mul3A_609, %gather3A_608 : vector<16xf32>
      %abs3A = math.absf %sub3A_610 : vector<16xf32>
      %add3A_611 = arith.addf %while3A_589, %abs3A : vector<16xf32>
      scf.yield %add3A_611 : vector<16xf32>
    }
    %while3A_418 = arith.constant 0 : i32
    %while3A_419 = arith.subi %select_n3A_60, %while3A_418 : i32
    %while3A_420 = arith.addi %while3A_418, %while3A_419 : i32
    %while3A_421 = arith.constant 1 : i32
    %while3A_422 = arith.divsi %while3A_419, %while3A_421 : i32
    %while3A_423 = arith.muli %while3A_422, %while3A_421 : i32
    %while3A_424 = arith.addi %while3A_418, %while3A_423 : i32
    %while3A_425 = arith.constant 1 : i32
    %while3A_426 = scf.for %while3A_588 = %while3A_418 to %while3A_424 step %while3A_425 iter_args(%while3A_589 = %while3A_417) -> (vector<16xf32>)  : i32 {
      %mul3A_590 = arith.constant 2 : i32
      %mul3A_591 = arith.muli %mul3A_590, %mul3A_36 : i32
      %mul3A_592 = arith.constant 16 : i32
      %mul3A_593 = arith.muli %while3A_588, %mul3A_592 : i32
      %add3A_594 = arith.addi %mul3A_591, %mul3A_593 : i32
      %get3A = arith.index_cast %add3A_594 : i32 to index
      %get3A_595 = tpu.vector_load %arg13[%get3A] {strides = array<i32>} : memref<8192xf32, #tpu.memory_space<vmem>>, vector<16xf32>,
      %mul3A_596 = arith.constant 16 : i32
      %mul3A_597 = arith.muli %while3A_588, %mul3A_596 : i32
      %get3A_598 = arith.index_cast %mul3A_597 : i32 to index
      %get3A_599 = tpu.vector_load %arg10[%get3A_598] {strides = array<i32>} : memref<528xi32, #tpu.memory_space<vmem>>, vector<16xi32>,
      %gather3A = tpu.vector_load_idx %arg8[%get3A_599] : memref<512xf32, #tpu.memory_space<vmem>>[vector<16xi32>], vector<16xf32>,
      %shift_right_arithmetic3A = arith.constant 7 : i32
      %shift_right_arithmetic3A_600 = vector.broadcast %shift_right_arithmetic3A : i32 to vector<16xi32>
      %shift_right_arithmetic3A_601 = arith.shrsi %get3A_599, %shift_right_arithmetic3A_600 : vector<16xi32>
      %add3A_602 = arith.constant 8 : i32
      %add3A_603 = vector.broadcast %add3A_602 : i32 to vector<16xi32>
      %add3A_604 = arith.addi %add3A_603, %shift_right_arithmetic3A_601 : vector<16xi32>
      %and3A_605 = arith.constant 127 : i32
      %and3A_606 = vector.broadcast %and3A_605 : i32 to vector<16xi32>
      %and3A_607 = arith.andi %get3A_599, %and3A_606 : vector<16xi32>
      %gather3A_608 = tpu.vector_load_idx %arg9[%add3A_604, %and3A_607] : memref<64x128xf32, #tpu.memory_space<vmem>>[vector<16xi32>, vector<16xi32>], vector<16xf32>,
      %mul3A_609 = arith.mulf %gather3A, %get3A_595 : vector<16xf32>
      %sub3A_610 = arith.subf %mul3A_609, %gather3A_608 : vector<16xf32>
      %abs3A = math.absf %sub3A_610 : vector<16xf32>
      %add3A_611 = arith.addf %while3A_589, %abs3A : vector<16xf32>
      scf.yield %add3A_611 : vector<16xf32>
    }
    %while3A_427 = arith.constant 1 : i32
    %while3A_428 = scf.for %while3A_588 = %while3A_424 to %while3A_420 step %while3A_427 iter_args(%while3A_589 = %while3A_426) -> (vector<16xf32>)  : i32 {
      %mul3A_590 = arith.constant 2 : i32
      %mul3A_591 = arith.muli %mul3A_590, %mul3A_36 : i32
      %mul3A_592 = arith.constant 16 : i32
      %mul3A_593 = arith.muli %while3A_588, %mul3A_592 : i32
      %add3A_594 = arith.addi %mul3A_591, %mul3A_593 : i32
      %get3A = arith.index_cast %add3A_594 : i32 to index
      %get3A_595 = tpu.vector_load %arg13[%get3A] {strides = array<i32>} : memref<8192xf32, #tpu.memory_space<vmem>>, vector<16xf32>,
      %mul3A_596 = arith.constant 16 : i32
      %mul3A_597 = arith.muli %while3A_588, %mul3A_596 : i32
      %get3A_598 = arith.index_cast %mul3A_597 : i32 to index
      %get3A_599 = tpu.vector_load %arg10[%get3A_598] {strides = array<i32>} : memref<528xi32, #tpu.memory_space<vmem>>, vector<16xi32>,
      %gather3A = tpu.vector_load_idx %arg8[%get3A_599] : memref<512xf32, #tpu.memory_space<vmem>>[vector<16xi32>], vector<16xf32>,
      %shift_right_arithmetic3A = arith.constant 7 : i32
      %shift_right_arithmetic3A_600 = vector.broadcast %shift_right_arithmetic3A : i32 to vector<16xi32>
      %shift_right_arithmetic3A_601 = arith.shrsi %get3A_599, %shift_right_arithmetic3A_600 : vector<16xi32>
      %add3A_602 = arith.constant 8 : i32
      %add3A_603 = vector.broadcast %add3A_602 : i32 to vector<16xi32>
      %add3A_604 = arith.addi %add3A_603, %shift_right_arithmetic3A_601 : vector<16xi32>
      %and3A_605 = arith.constant 127 : i32
      %and3A_606 = vector.broadcast %and3A_605 : i32 to vector<16xi32>
      %and3A_607 = arith.andi %get3A_599, %and3A_606 : vector<16xi32>
      %gather3A_608 = tpu.vector_load_idx %arg9[%add3A_604, %and3A_607] : memref<64x128xf32, #tpu.memory_space<vmem>>[vector<16xi32>, vector<16xi32>], vector<16xf32>,
      %mul3A_609 = arith.mulf %gather3A, %get3A_595 : vector<16xf32>
      %sub3A_610 = arith.subf %mul3A_609, %gather3A_608 : vector<16xf32>
      %abs3A = math.absf %sub3A_610 : vector<16xf32>
      %add3A_611 = arith.addf %while3A_589, %abs3A : vector<16xf32>
      scf.yield %add3A_611 : vector<16xf32>
    }
    %while3A_429 = arith.constant 0 : i32
    %while3A_430 = arith.subi %select_n3A_60, %while3A_429 : i32
    %while3A_431 = arith.addi %while3A_429, %while3A_430 : i32
    %while3A_432 = arith.constant 1 : i32
    %while3A_433 = arith.divsi %while3A_430, %while3A_432 : i32
    %while3A_434 = arith.muli %while3A_433, %while3A_432 : i32
    %while3A_435 = arith.addi %while3A_429, %while3A_434 : i32
    %while3A_436 = arith.constant 1 : i32
    %while3A_437 = scf.for %while3A_588 = %while3A_429 to %while3A_435 step %while3A_436 iter_args(%while3A_589 = %while3A_428) -> (vector<16xf32>)  : i32 {
      %mul3A_590 = arith.constant 3 : i32
      %mul3A_591 = arith.muli %mul3A_590, %mul3A_36 : i32
      %mul3A_592 = arith.constant 16 : i32
      %mul3A_593 = arith.muli %while3A_588, %mul3A_592 : i32
      %add3A_594 = arith.addi %mul3A_591, %mul3A_593 : i32
      %get3A = arith.index_cast %add3A_594 : i32 to index
      %get3A_595 = tpu.vector_load %arg13[%get3A] {strides = array<i32>} : memref<8192xf32, #tpu.memory_space<vmem>>, vector<16xf32>,
      %mul3A_596 = arith.constant 16 : i32
      %mul3A_597 = arith.muli %while3A_588, %mul3A_596 : i32
      %get3A_598 = arith.index_cast %mul3A_597 : i32 to index
      %get3A_599 = tpu.vector_load %arg10[%get3A_598] {strides = array<i32>} : memref<528xi32, #tpu.memory_space<vmem>>, vector<16xi32>,
      %gather3A = tpu.vector_load_idx %arg8[%get3A_599] : memref<512xf32, #tpu.memory_space<vmem>>[vector<16xi32>], vector<16xf32>,
      %shift_right_arithmetic3A = arith.constant 7 : i32
      %shift_right_arithmetic3A_600 = vector.broadcast %shift_right_arithmetic3A : i32 to vector<16xi32>
      %shift_right_arithmetic3A_601 = arith.shrsi %get3A_599, %shift_right_arithmetic3A_600 : vector<16xi32>
      %add3A_602 = arith.constant 12 : i32
      %add3A_603 = vector.broadcast %add3A_602 : i32 to vector<16xi32>
      %add3A_604 = arith.addi %add3A_603, %shift_right_arithmetic3A_601 : vector<16xi32>
      %and3A_605 = arith.constant 127 : i32
      %and3A_606 = vector.broadcast %and3A_605 : i32 to vector<16xi32>
      %and3A_607 = arith.andi %get3A_599, %and3A_606 : vector<16xi32>
      %gather3A_608 = tpu.vector_load_idx %arg9[%add3A_604, %and3A_607] : memref<64x128xf32, #tpu.memory_space<vmem>>[vector<16xi32>, vector<16xi32>], vector<16xf32>,
      %mul3A_609 = arith.mulf %gather3A, %get3A_595 : vector<16xf32>
      %sub3A_610 = arith.subf %mul3A_609, %gather3A_608 : vector<16xf32>
      %abs3A = math.absf %sub3A_610 : vector<16xf32>
      %add3A_611 = arith.addf %while3A_589, %abs3A : vector<16xf32>
      scf.yield %add3A_611 : vector<16xf32>
    }
    %while3A_438 = arith.constant 1 : i32
    %while3A_439 = scf.for %while3A_588 = %while3A_435 to %while3A_431 step %while3A_438 iter_args(%while3A_589 = %while3A_437) -> (vector<16xf32>)  : i32 {
      %mul3A_590 = arith.constant 3 : i32
      %mul3A_591 = arith.muli %mul3A_590, %mul3A_36 : i32
      %mul3A_592 = arith.constant 16 : i32
      %mul3A_593 = arith.muli %while3A_588, %mul3A_592 : i32
      %add3A_594 = arith.addi %mul3A_591, %mul3A_593 : i32
      %get3A = arith.index_cast %add3A_594 : i32 to index
      %get3A_595 = tpu.vector_load %arg13[%get3A] {strides = array<i32>} : memref<8192xf32, #tpu.memory_space<vmem>>, vector<16xf32>,
      %mul3A_596 = arith.constant 16 : i32
      %mul3A_597 = arith.muli %while3A_588, %mul3A_596 : i32
      %get3A_598 = arith.index_cast %mul3A_597 : i32 to index
      %get3A_599 = tpu.vector_load %arg10[%get3A_598] {strides = array<i32>} : memref<528xi32, #tpu.memory_space<vmem>>, vector<16xi32>,
      %gather3A = tpu.vector_load_idx %arg8[%get3A_599] : memref<512xf32, #tpu.memory_space<vmem>>[vector<16xi32>], vector<16xf32>,
      %shift_right_arithmetic3A = arith.constant 7 : i32
      %shift_right_arithmetic3A_600 = vector.broadcast %shift_right_arithmetic3A : i32 to vector<16xi32>
      %shift_right_arithmetic3A_601 = arith.shrsi %get3A_599, %shift_right_arithmetic3A_600 : vector<16xi32>
      %add3A_602 = arith.constant 12 : i32
      %add3A_603 = vector.broadcast %add3A_602 : i32 to vector<16xi32>
      %add3A_604 = arith.addi %add3A_603, %shift_right_arithmetic3A_601 : vector<16xi32>
      %and3A_605 = arith.constant 127 : i32
      %and3A_606 = vector.broadcast %and3A_605 : i32 to vector<16xi32>
      %and3A_607 = arith.andi %get3A_599, %and3A_606 : vector<16xi32>
      %gather3A_608 = tpu.vector_load_idx %arg9[%add3A_604, %and3A_607] : memref<64x128xf32, #tpu.memory_space<vmem>>[vector<16xi32>, vector<16xi32>], vector<16xf32>,
      %mul3A_609 = arith.mulf %gather3A, %get3A_595 : vector<16xf32>
      %sub3A_610 = arith.subf %mul3A_609, %gather3A_608 : vector<16xf32>
      %abs3A = math.absf %sub3A_610 : vector<16xf32>
      %add3A_611 = arith.addf %while3A_589, %abs3A : vector<16xf32>
      scf.yield %add3A_611 : vector<16xf32>
    }
    %while3A_440 = arith.constant 0 : i32
    %while3A_441 = arith.subi %select_n3A_60, %while3A_440 : i32
    %while3A_442 = arith.addi %while3A_440, %while3A_441 : i32
    %while3A_443 = arith.constant 1 : i32
    %while3A_444 = arith.divsi %while3A_441, %while3A_443 : i32
    %while3A_445 = arith.muli %while3A_444, %while3A_443 : i32
    %while3A_446 = arith.addi %while3A_440, %while3A_445 : i32
    %while3A_447 = arith.constant 1 : i32
    %while3A_448 = scf.for %while3A_588 = %while3A_440 to %while3A_446 step %while3A_447 iter_args(%while3A_589 = %while3A_439) -> (vector<16xf32>)  : i32 {
      %mul3A_590 = arith.constant 4 : i32
      %mul3A_591 = arith.muli %mul3A_590, %mul3A_36 : i32
      %mul3A_592 = arith.constant 16 : i32
      %mul3A_593 = arith.muli %while3A_588, %mul3A_592 : i32
      %add3A_594 = arith.addi %mul3A_591, %mul3A_593 : i32
      %get3A = arith.index_cast %add3A_594 : i32 to index
      %get3A_595 = tpu.vector_load %arg13[%get3A] {strides = array<i32>} : memref<8192xf32, #tpu.memory_space<vmem>>, vector<16xf32>,
      %mul3A_596 = arith.constant 16 : i32
      %mul3A_597 = arith.muli %while3A_588, %mul3A_596 : i32
      %get3A_598 = arith.index_cast %mul3A_597 : i32 to index
      %get3A_599 = tpu.vector_load %arg10[%get3A_598] {strides = array<i32>} : memref<528xi32, #tpu.memory_space<vmem>>, vector<16xi32>,
      %gather3A = tpu.vector_load_idx %arg8[%get3A_599] : memref<512xf32, #tpu.memory_space<vmem>>[vector<16xi32>], vector<16xf32>,
      %shift_right_arithmetic3A = arith.constant 7 : i32
      %shift_right_arithmetic3A_600 = vector.broadcast %shift_right_arithmetic3A : i32 to vector<16xi32>
      %shift_right_arithmetic3A_601 = arith.shrsi %get3A_599, %shift_right_arithmetic3A_600 : vector<16xi32>
      %add3A_602 = arith.constant 16 : i32
      %add3A_603 = vector.broadcast %add3A_602 : i32 to vector<16xi32>
      %add3A_604 = arith.addi %add3A_603, %shift_right_arithmetic3A_601 : vector<16xi32>
      %and3A_605 = arith.constant 127 : i32
      %and3A_606 = vector.broadcast %and3A_605 : i32 to vector<16xi32>
      %and3A_607 = arith.andi %get3A_599, %and3A_606 : vector<16xi32>
      %gather3A_608 = tpu.vector_load_idx %arg9[%add3A_604, %and3A_607] : memref<64x128xf32, #tpu.memory_space<vmem>>[vector<16xi32>, vector<16xi32>], vector<16xf32>,
      %mul3A_609 = arith.mulf %gather3A, %get3A_595 : vector<16xf32>
      %sub3A_610 = arith.subf %mul3A_609, %gather3A_608 : vector<16xf32>
      %abs3A = math.absf %sub3A_610 : vector<16xf32>
      %add3A_611 = arith.addf %while3A_589, %abs3A : vector<16xf32>
      scf.yield %add3A_611 : vector<16xf32>
    }
    %while3A_449 = arith.constant 1 : i32
    %while3A_450 = scf.for %while3A_588 = %while3A_446 to %while3A_442 step %while3A_449 iter_args(%while3A_589 = %while3A_448) -> (vector<16xf32>)  : i32 {
      %mul3A_590 = arith.constant 4 : i32
      %mul3A_591 = arith.muli %mul3A_590, %mul3A_36 : i32
      %mul3A_592 = arith.constant 16 : i32
      %mul3A_593 = arith.muli %while3A_588, %mul3A_592 : i32
      %add3A_594 = arith.addi %mul3A_591, %mul3A_593 : i32
      %get3A = arith.index_cast %add3A_594 : i32 to index
      %get3A_595 = tpu.vector_load %arg13[%get3A] {strides = array<i32>} : memref<8192xf32, #tpu.memory_space<vmem>>, vector<16xf32>,
      %mul3A_596 = arith.constant 16 : i32
      %mul3A_597 = arith.muli %while3A_588, %mul3A_596 : i32
      %get3A_598 = arith.index_cast %mul3A_597 : i32 to index
      %get3A_599 = tpu.vector_load %arg10[%get3A_598] {strides = array<i32>} : memref<528xi32, #tpu.memory_space<vmem>>, vector<16xi32>,
      %gather3A = tpu.vector_load_idx %arg8[%get3A_599] : memref<512xf32, #tpu.memory_space<vmem>>[vector<16xi32>], vector<16xf32>,
      %shift_right_arithmetic3A = arith.constant 7 : i32
      %shift_right_arithmetic3A_600 = vector.broadcast %shift_right_arithmetic3A : i32 to vector<16xi32>
      %shift_right_arithmetic3A_601 = arith.shrsi %get3A_599, %shift_right_arithmetic3A_600 : vector<16xi32>
      %add3A_602 = arith.constant 16 : i32
      %add3A_603 = vector.broadcast %add3A_602 : i32 to vector<16xi32>
      %add3A_604 = arith.addi %add3A_603, %shift_right_arithmetic3A_601 : vector<16xi32>
      %and3A_605 = arith.constant 127 : i32
      %and3A_606 = vector.broadcast %and3A_605 : i32 to vector<16xi32>
      %and3A_607 = arith.andi %get3A_599, %and3A_606 : vector<16xi32>
      %gather3A_608 = tpu.vector_load_idx %arg9[%add3A_604, %and3A_607] : memref<64x128xf32, #tpu.memory_space<vmem>>[vector<16xi32>, vector<16xi32>], vector<16xf32>,
      %mul3A_609 = arith.mulf %gather3A, %get3A_595 : vector<16xf32>
      %sub3A_610 = arith.subf %mul3A_609, %gather3A_608 : vector<16xf32>
      %abs3A = math.absf %sub3A_610 : vector<16xf32>
      %add3A_611 = arith.addf %while3A_589, %abs3A : vector<16xf32>
      scf.yield %add3A_611 : vector<16xf32>
    }
    %while3A_451 = arith.constant 0 : i32
    %while3A_452 = arith.subi %select_n3A_60, %while3A_451 : i32
    %while3A_453 = arith.addi %while3A_451, %while3A_452 : i32
    %while3A_454 = arith.constant 1 : i32
    %while3A_455 = arith.divsi %while3A_452, %while3A_454 : i32
    %while3A_456 = arith.muli %while3A_455, %while3A_454 : i32
    %while3A_457 = arith.addi %while3A_451, %while3A_456 : i32
    %while3A_458 = arith.constant 1 : i32
    %while3A_459 = scf.for %while3A_588 = %while3A_451 to %while3A_457 step %while3A_458 iter_args(%while3A_589 = %while3A_450) -> (vector<16xf32>)  : i32 {
      %mul3A_590 = arith.constant 5 : i32
      %mul3A_591 = arith.muli %mul3A_590, %mul3A_36 : i32
      %mul3A_592 = arith.constant 16 : i32
      %mul3A_593 = arith.muli %while3A_588, %mul3A_592 : i32
      %add3A_594 = arith.addi %mul3A_591, %mul3A_593 : i32
      %get3A = arith.index_cast %add3A_594 : i32 to index
      %get3A_595 = tpu.vector_load %arg13[%get3A] {strides = array<i32>} : memref<8192xf32, #tpu.memory_space<vmem>>, vector<16xf32>,
      %mul3A_596 = arith.constant 16 : i32
      %mul3A_597 = arith.muli %while3A_588, %mul3A_596 : i32
      %get3A_598 = arith.index_cast %mul3A_597 : i32 to index
      %get3A_599 = tpu.vector_load %arg10[%get3A_598] {strides = array<i32>} : memref<528xi32, #tpu.memory_space<vmem>>, vector<16xi32>,
      %gather3A = tpu.vector_load_idx %arg8[%get3A_599] : memref<512xf32, #tpu.memory_space<vmem>>[vector<16xi32>], vector<16xf32>,
      %shift_right_arithmetic3A = arith.constant 7 : i32
      %shift_right_arithmetic3A_600 = vector.broadcast %shift_right_arithmetic3A : i32 to vector<16xi32>
      %shift_right_arithmetic3A_601 = arith.shrsi %get3A_599, %shift_right_arithmetic3A_600 : vector<16xi32>
      %add3A_602 = arith.constant 20 : i32
      %add3A_603 = vector.broadcast %add3A_602 : i32 to vector<16xi32>
      %add3A_604 = arith.addi %add3A_603, %shift_right_arithmetic3A_601 : vector<16xi32>
      %and3A_605 = arith.constant 127 : i32
      %and3A_606 = vector.broadcast %and3A_605 : i32 to vector<16xi32>
      %and3A_607 = arith.andi %get3A_599, %and3A_606 : vector<16xi32>
      %gather3A_608 = tpu.vector_load_idx %arg9[%add3A_604, %and3A_607] : memref<64x128xf32, #tpu.memory_space<vmem>>[vector<16xi32>, vector<16xi32>], vector<16xf32>,
      %mul3A_609 = arith.mulf %gather3A, %get3A_595 : vector<16xf32>
      %sub3A_610 = arith.subf %mul3A_609, %gather3A_608 : vector<16xf32>
      %abs3A = math.absf %sub3A_610 : vector<16xf32>
      %add3A_611 = arith.addf %while3A_589, %abs3A : vector<16xf32>
      scf.yield %add3A_611 : vector<16xf32>
    }
    %while3A_460 = arith.constant 1 : i32
    %while3A_461 = scf.for %while3A_588 = %while3A_457 to %while3A_453 step %while3A_460 iter_args(%while3A_589 = %while3A_459) -> (vector<16xf32>)  : i32 {
      %mul3A_590 = arith.constant 5 : i32
      %mul3A_591 = arith.muli %mul3A_590, %mul3A_36 : i32
      %mul3A_592 = arith.constant 16 : i32
      %mul3A_593 = arith.muli %while3A_588, %mul3A_592 : i32
      %add3A_594 = arith.addi %mul3A_591, %mul3A_593 : i32
      %get3A = arith.index_cast %add3A_594 : i32 to index
      %get3A_595 = tpu.vector_load %arg13[%get3A] {strides = array<i32>} : memref<8192xf32, #tpu.memory_space<vmem>>, vector<16xf32>,
      %mul3A_596 = arith.constant 16 : i32
      %mul3A_597 = arith.muli %while3A_588, %mul3A_596 : i32
      %get3A_598 = arith.index_cast %mul3A_597 : i32 to index
      %get3A_599 = tpu.vector_load %arg10[%get3A_598] {strides = array<i32>} : memref<528xi32, #tpu.memory_space<vmem>>, vector<16xi32>,
      %gather3A = tpu.vector_load_idx %arg8[%get3A_599] : memref<512xf32, #tpu.memory_space<vmem>>[vector<16xi32>], vector<16xf32>,
      %shift_right_arithmetic3A = arith.constant 7 : i32
      %shift_right_arithmetic3A_600 = vector.broadcast %shift_right_arithmetic3A : i32 to vector<16xi32>
      %shift_right_arithmetic3A_601 = arith.shrsi %get3A_599, %shift_right_arithmetic3A_600 : vector<16xi32>
      %add3A_602 = arith.constant 20 : i32
      %add3A_603 = vector.broadcast %add3A_602 : i32 to vector<16xi32>
      %add3A_604 = arith.addi %add3A_603, %shift_right_arithmetic3A_601 : vector<16xi32>
      %and3A_605 = arith.constant 127 : i32
      %and3A_606 = vector.broadcast %and3A_605 : i32 to vector<16xi32>
      %and3A_607 = arith.andi %get3A_599, %and3A_606 : vector<16xi32>
      %gather3A_608 = tpu.vector_load_idx %arg9[%add3A_604, %and3A_607] : memref<64x128xf32, #tpu.memory_space<vmem>>[vector<16xi32>, vector<16xi32>], vector<16xf32>,
      %mul3A_609 = arith.mulf %gather3A, %get3A_595 : vector<16xf32>
      %sub3A_610 = arith.subf %mul3A_609, %gather3A_608 : vector<16xf32>
      %abs3A = math.absf %sub3A_610 : vector<16xf32>
      %add3A_611 = arith.addf %while3A_589, %abs3A : vector<16xf32>
      scf.yield %add3A_611 : vector<16xf32>
    }
    %while3A_462 = arith.constant 0 : i32
    %while3A_463 = arith.subi %select_n3A_60, %while3A_462 : i32
    %while3A_464 = arith.addi %while3A_462, %while3A_463 : i32
    %while3A_465 = arith.constant 1 : i32
    %while3A_466 = arith.divsi %while3A_463, %while3A_465 : i32
    %while3A_467 = arith.muli %while3A_466, %while3A_465 : i32
    %while3A_468 = arith.addi %while3A_462, %while3A_467 : i32
    %while3A_469 = arith.constant 1 : i32
    %while3A_470 = scf.for %while3A_588 = %while3A_462 to %while3A_468 step %while3A_469 iter_args(%while3A_589 = %while3A_461) -> (vector<16xf32>)  : i32 {
      %mul3A_590 = arith.constant 6 : i32
      %mul3A_591 = arith.muli %mul3A_590, %mul3A_36 : i32
      %mul3A_592 = arith.constant 16 : i32
      %mul3A_593 = arith.muli %while3A_588, %mul3A_592 : i32
      %add3A_594 = arith.addi %mul3A_591, %mul3A_593 : i32
      %get3A = arith.index_cast %add3A_594 : i32 to index
      %get3A_595 = tpu.vector_load %arg13[%get3A] {strides = array<i32>} : memref<8192xf32, #tpu.memory_space<vmem>>, vector<16xf32>,
      %mul3A_596 = arith.constant 16 : i32
      %mul3A_597 = arith.muli %while3A_588, %mul3A_596 : i32
      %get3A_598 = arith.index_cast %mul3A_597 : i32 to index
      %get3A_599 = tpu.vector_load %arg10[%get3A_598] {strides = array<i32>} : memref<528xi32, #tpu.memory_space<vmem>>, vector<16xi32>,
      %gather3A = tpu.vector_load_idx %arg8[%get3A_599] : memref<512xf32, #tpu.memory_space<vmem>>[vector<16xi32>], vector<16xf32>,
      %shift_right_arithmetic3A = arith.constant 7 : i32
      %shift_right_arithmetic3A_600 = vector.broadcast %shift_right_arithmetic3A : i32 to vector<16xi32>
      %shift_right_arithmetic3A_601 = arith.shrsi %get3A_599, %shift_right_arithmetic3A_600 : vector<16xi32>
      %add3A_602 = arith.constant 24 : i32
      %add3A_603 = vector.broadcast %add3A_602 : i32 to vector<16xi32>
      %add3A_604 = arith.addi %add3A_603, %shift_right_arithmetic3A_601 : vector<16xi32>
      %and3A_605 = arith.constant 127 : i32
      %and3A_606 = vector.broadcast %and3A_605 : i32 to vector<16xi32>
      %and3A_607 = arith.andi %get3A_599, %and3A_606 : vector<16xi32>
      %gather3A_608 = tpu.vector_load_idx %arg9[%add3A_604, %and3A_607] : memref<64x128xf32, #tpu.memory_space<vmem>>[vector<16xi32>, vector<16xi32>], vector<16xf32>,
      %mul3A_609 = arith.mulf %gather3A, %get3A_595 : vector<16xf32>
      %sub3A_610 = arith.subf %mul3A_609, %gather3A_608 : vector<16xf32>
      %abs3A = math.absf %sub3A_610 : vector<16xf32>
      %add3A_611 = arith.addf %while3A_589, %abs3A : vector<16xf32>
      scf.yield %add3A_611 : vector<16xf32>
    }
    %while3A_471 = arith.constant 1 : i32
    %while3A_472 = scf.for %while3A_588 = %while3A_468 to %while3A_464 step %while3A_471 iter_args(%while3A_589 = %while3A_470) -> (vector<16xf32>)  : i32 {
      %mul3A_590 = arith.constant 6 : i32
      %mul3A_591 = arith.muli %mul3A_590, %mul3A_36 : i32
      %mul3A_592 = arith.constant 16 : i32
      %mul3A_593 = arith.muli %while3A_588, %mul3A_592 : i32
      %add3A_594 = arith.addi %mul3A_591, %mul3A_593 : i32
      %get3A = arith.index_cast %add3A_594 : i32 to index
      %get3A_595 = tpu.vector_load %arg13[%get3A] {strides = array<i32>} : memref<8192xf32, #tpu.memory_space<vmem>>, vector<16xf32>,
      %mul3A_596 = arith.constant 16 : i32
      %mul3A_597 = arith.muli %while3A_588, %mul3A_596 : i32
      %get3A_598 = arith.index_cast %mul3A_597 : i32 to index
      %get3A_599 = tpu.vector_load %arg10[%get3A_598] {strides = array<i32>} : memref<528xi32, #tpu.memory_space<vmem>>, vector<16xi32>,
      %gather3A = tpu.vector_load_idx %arg8[%get3A_599] : memref<512xf32, #tpu.memory_space<vmem>>[vector<16xi32>], vector<16xf32>,
      %shift_right_arithmetic3A = arith.constant 7 : i32
      %shift_right_arithmetic3A_600 = vector.broadcast %shift_right_arithmetic3A : i32 to vector<16xi32>
      %shift_right_arithmetic3A_601 = arith.shrsi %get3A_599, %shift_right_arithmetic3A_600 : vector<16xi32>
      %add3A_602 = arith.constant 24 : i32
      %add3A_603 = vector.broadcast %add3A_602 : i32 to vector<16xi32>
      %add3A_604 = arith.addi %add3A_603, %shift_right_arithmetic3A_601 : vector<16xi32>
      %and3A_605 = arith.constant 127 : i32
      %and3A_606 = vector.broadcast %and3A_605 : i32 to vector<16xi32>
      %and3A_607 = arith.andi %get3A_599, %and3A_606 : vector<16xi32>
      %gather3A_608 = tpu.vector_load_idx %arg9[%add3A_604, %and3A_607] : memref<64x128xf32, #tpu.memory_space<vmem>>[vector<16xi32>, vector<16xi32>], vector<16xf32>,
      %mul3A_609 = arith.mulf %gather3A, %get3A_595 : vector<16xf32>
      %sub3A_610 = arith.subf %mul3A_609, %gather3A_608 : vector<16xf32>
      %abs3A = math.absf %sub3A_610 : vector<16xf32>
      %add3A_611 = arith.addf %while3A_589, %abs3A : vector<16xf32>
      scf.yield %add3A_611 : vector<16xf32>
    }
    %while3A_473 = arith.constant 0 : i32
    %while3A_474 = arith.subi %select_n3A_60, %while3A_473 : i32
    %while3A_475 = arith.addi %while3A_473, %while3A_474 : i32
    %while3A_476 = arith.constant 1 : i32
    %while3A_477 = arith.divsi %while3A_474, %while3A_476 : i32
    %while3A_478 = arith.muli %while3A_477, %while3A_476 : i32
    %while3A_479 = arith.addi %while3A_473, %while3A_478 : i32
    %while3A_480 = arith.constant 1 : i32
    %while3A_481 = scf.for %while3A_588 = %while3A_473 to %while3A_479 step %while3A_480 iter_args(%while3A_589 = %while3A_472) -> (vector<16xf32>)  : i32 {
      %mul3A_590 = arith.constant 7 : i32
      %mul3A_591 = arith.muli %mul3A_590, %mul3A_36 : i32
      %mul3A_592 = arith.constant 16 : i32
      %mul3A_593 = arith.muli %while3A_588, %mul3A_592 : i32
      %add3A_594 = arith.addi %mul3A_591, %mul3A_593 : i32
      %get3A = arith.index_cast %add3A_594 : i32 to index
      %get3A_595 = tpu.vector_load %arg13[%get3A] {strides = array<i32>} : memref<8192xf32, #tpu.memory_space<vmem>>, vector<16xf32>,
      %mul3A_596 = arith.constant 16 : i32
      %mul3A_597 = arith.muli %while3A_588, %mul3A_596 : i32
      %get3A_598 = arith.index_cast %mul3A_597 : i32 to index
      %get3A_599 = tpu.vector_load %arg10[%get3A_598] {strides = array<i32>} : memref<528xi32, #tpu.memory_space<vmem>>, vector<16xi32>,
      %gather3A = tpu.vector_load_idx %arg8[%get3A_599] : memref<512xf32, #tpu.memory_space<vmem>>[vector<16xi32>], vector<16xf32>,
      %shift_right_arithmetic3A = arith.constant 7 : i32
      %shift_right_arithmetic3A_600 = vector.broadcast %shift_right_arithmetic3A : i32 to vector<16xi32>
      %shift_right_arithmetic3A_601 = arith.shrsi %get3A_599, %shift_right_arithmetic3A_600 : vector<16xi32>
      %add3A_602 = arith.constant 28 : i32
      %add3A_603 = vector.broadcast %add3A_602 : i32 to vector<16xi32>
      %add3A_604 = arith.addi %add3A_603, %shift_right_arithmetic3A_601 : vector<16xi32>
      %and3A_605 = arith.constant 127 : i32
      %and3A_606 = vector.broadcast %and3A_605 : i32 to vector<16xi32>
      %and3A_607 = arith.andi %get3A_599, %and3A_606 : vector<16xi32>
      %gather3A_608 = tpu.vector_load_idx %arg9[%add3A_604, %and3A_607] : memref<64x128xf32, #tpu.memory_space<vmem>>[vector<16xi32>, vector<16xi32>], vector<16xf32>,
      %mul3A_609 = arith.mulf %gather3A, %get3A_595 : vector<16xf32>
      %sub3A_610 = arith.subf %mul3A_609, %gather3A_608 : vector<16xf32>
      %abs3A = math.absf %sub3A_610 : vector<16xf32>
      %add3A_611 = arith.addf %while3A_589, %abs3A : vector<16xf32>
      scf.yield %add3A_611 : vector<16xf32>
    }
    %while3A_482 = arith.constant 1 : i32
    %while3A_483 = scf.for %while3A_588 = %while3A_479 to %while3A_475 step %while3A_482 iter_args(%while3A_589 = %while3A_481) -> (vector<16xf32>)  : i32 {
      %mul3A_590 = arith.constant 7 : i32
      %mul3A_591 = arith.muli %mul3A_590, %mul3A_36 : i32
      %mul3A_592 = arith.constant 16 : i32
      %mul3A_593 = arith.muli %while3A_588, %mul3A_592 : i32
      %add3A_594 = arith.addi %mul3A_591, %mul3A_593 : i32
      %get3A = arith.index_cast %add3A_594 : i32 to index
      %get3A_595 = tpu.vector_load %arg13[%get3A] {strides = array<i32>} : memref<8192xf32, #tpu.memory_space<vmem>>, vector<16xf32>,
      %mul3A_596 = arith.constant 16 : i32
      %mul3A_597 = arith.muli %while3A_588, %mul3A_596 : i32
      %get3A_598 = arith.index_cast %mul3A_597 : i32 to index
      %get3A_599 = tpu.vector_load %arg10[%get3A_598] {strides = array<i32>} : memref<528xi32, #tpu.memory_space<vmem>>, vector<16xi32>,
      %gather3A = tpu.vector_load_idx %arg8[%get3A_599] : memref<512xf32, #tpu.memory_space<vmem>>[vector<16xi32>], vector<16xf32>,
      %shift_right_arithmetic3A = arith.constant 7 : i32
      %shift_right_arithmetic3A_600 = vector.broadcast %shift_right_arithmetic3A : i32 to vector<16xi32>
      %shift_right_arithmetic3A_601 = arith.shrsi %get3A_599, %shift_right_arithmetic3A_600 : vector<16xi32>
      %add3A_602 = arith.constant 28 : i32
      %add3A_603 = vector.broadcast %add3A_602 : i32 to vector<16xi32>
      %add3A_604 = arith.addi %add3A_603, %shift_right_arithmetic3A_601 : vector<16xi32>
      %and3A_605 = arith.constant 127 : i32
      %and3A_606 = vector.broadcast %and3A_605 : i32 to vector<16xi32>
      %and3A_607 = arith.andi %get3A_599, %and3A_606 : vector<16xi32>
      %gather3A_608 = tpu.vector_load_idx %arg9[%add3A_604, %and3A_607] : memref<64x128xf32, #tpu.memory_space<vmem>>[vector<16xi32>, vector<16xi32>], vector<16xf32>,
      %mul3A_609 = arith.mulf %gather3A, %get3A_595 : vector<16xf32>
      %sub3A_610 = arith.subf %mul3A_609, %gather3A_608 : vector<16xf32>
      %abs3A = math.absf %sub3A_610 : vector<16xf32>
      %add3A_611 = arith.addf %while3A_589, %abs3A : vector<16xf32>
      scf.yield %add3A_611 : vector<16xf32>
    }
    %while3A_484 = arith.constant 0 : i32
    %while3A_485 = arith.constant 0 : i32
    %while3A_486 = arith.subi %select_n3A_60, %while3A_484 : i32
    %while3A_487 = arith.addi %while3A_484, %while3A_486 : i32
    %while3A_488 = arith.constant 1 : i32
    %while3A_489 = arith.divsi %while3A_486, %while3A_488 : i32
    %while3A_490 = arith.muli %while3A_489, %while3A_488 : i32
    %while3A_491 = arith.addi %while3A_484, %while3A_490 : i32
    %while3A_492 = arith.constant 1 : i32
    %while3A_493 = scf.for %while3A_588 = %while3A_484 to %while3A_491 step %while3A_492 iter_args(%while3A_589 = %while3A_485) -> (i32)  : i32 {
      %dma_wait3A = arith.constant 0 : i32
      %dma_wait3A_590 = tpu.memref_slice %arg13[%dma_wait3A] : memref<8192xf32, #tpu.memory_space<vmem>> -> memref<128xf32, #tpu.memory_space<vmem>>
      %dma_wait3A_591 = arith.constant 0 : i32
      %dma_wait3A_592 = tpu.memref_slice %arg2[%dma_wait3A_591] : memref<8388608xf32, #tpu.memory_space<hbm>> -> memref<128xf32, #tpu.memory_space<hbm>>
      %dma_wait3A_593 = arith.constant 0 : i32
      %dma_wait3A_594 = tpu.memref_slice %arg13[%dma_wait3A_593] : memref<8192xf32, #tpu.memory_space<vmem>> -> memref<128xf32, #tpu.memory_space<vmem>>
      %dma_wait3A_595 = arith.constant 0 : i32
      %dma_wait3A_596 = tpu.memref_slice %arg2[%dma_wait3A_595] : memref<8388608xf32, #tpu.memory_space<hbm>> -> memref<128xf32, #tpu.memory_space<hbm>>
      tpu.wait_dma2 semaphore(%arg16 : memref<!tpu.dma_semaphore, #tpu.memory_space<semaphore_mem>>) src(%dma_wait3A_596 : memref<128xf32, #tpu.memory_space<hbm>>) dst(%dma_wait3A_594 : memref<128xf32, #tpu.memory_space<vmem>>)
      %while3A_597 = arith.constant 0 : i32
      scf.yield %while3A_597 : i32
    }
    %while3A_494 = arith.constant 1 : i32
    %while3A_495 = scf.for %while3A_588 = %while3A_491 to %while3A_487 step %while3A_494 iter_args(%while3A_589 = %while3A_493) -> (i32)  : i32 {
      %dma_wait3A = arith.constant 0 : i32
      %dma_wait3A_590 = tpu.memref_slice %arg13[%dma_wait3A] : memref<8192xf32, #tpu.memory_space<vmem>> -> memref<128xf32, #tpu.memory_space<vmem>>
      %dma_wait3A_591 = arith.constant 0 : i32
      %dma_wait3A_592 = tpu.memref_slice %arg2[%dma_wait3A_591] : memref<8388608xf32, #tpu.memory_space<hbm>> -> memref<128xf32, #tpu.memory_space<hbm>>
      %dma_wait3A_593 = arith.constant 0 : i32
      %dma_wait3A_594 = tpu.memref_slice %arg13[%dma_wait3A_593] : memref<8192xf32, #tpu.memory_space<vmem>> -> memref<128xf32, #tpu.memory_space<vmem>>
      %dma_wait3A_595 = arith.constant 0 : i32
      %dma_wait3A_596 = tpu.memref_slice %arg2[%dma_wait3A_595] : memref<8388608xf32, #tpu.memory_space<hbm>> -> memref<128xf32, #tpu.memory_space<hbm>>
      tpu.wait_dma2 semaphore(%arg16 : memref<!tpu.dma_semaphore, #tpu.memory_space<semaphore_mem>>) src(%dma_wait3A_596 : memref<128xf32, #tpu.memory_space<hbm>>) dst(%dma_wait3A_594 : memref<128xf32, #tpu.memory_space<vmem>>)
      %while3A_597 = arith.constant 0 : i32
      scf.yield %while3A_597 : i32
    }
    %while3A_496 = arith.constant 0 : i32
    %while3A_497 = arith.subi %select_n3A_60, %while3A_496 : i32
    %while3A_498 = arith.addi %while3A_496, %while3A_497 : i32
    %while3A_499 = arith.constant 1 : i32
    %while3A_500 = arith.divsi %while3A_497, %while3A_499 : i32
    %while3A_501 = arith.muli %while3A_500, %while3A_499 : i32
    %while3A_502 = arith.addi %while3A_496, %while3A_501 : i32
    %while3A_503 = arith.constant 1 : i32
    %while3A_504 = scf.for %while3A_588 = %while3A_496 to %while3A_502 step %while3A_503 iter_args(%while3A_589 = %while3A_483) -> (vector<16xf32>)  : i32 {
      %mul3A_590 = arith.constant 8 : i32
      %mul3A_591 = arith.muli %mul3A_590, %mul3A_36 : i32
      %mul3A_592 = arith.constant 16 : i32
      %mul3A_593 = arith.muli %while3A_588, %mul3A_592 : i32
      %add3A_594 = arith.addi %mul3A_591, %mul3A_593 : i32
      %get3A = arith.index_cast %add3A_594 : i32 to index
      %get3A_595 = tpu.vector_load %arg13[%get3A] {strides = array<i32>} : memref<8192xf32, #tpu.memory_space<vmem>>, vector<16xf32>,
      %mul3A_596 = arith.constant 16 : i32
      %mul3A_597 = arith.muli %while3A_588, %mul3A_596 : i32
      %get3A_598 = arith.index_cast %mul3A_597 : i32 to index
      %get3A_599 = tpu.vector_load %arg10[%get3A_598] {strides = array<i32>} : memref<528xi32, #tpu.memory_space<vmem>>, vector<16xi32>,
      %gather3A = tpu.vector_load_idx %arg8[%get3A_599] : memref<512xf32, #tpu.memory_space<vmem>>[vector<16xi32>], vector<16xf32>,
      %shift_right_arithmetic3A = arith.constant 7 : i32
      %shift_right_arithmetic3A_600 = vector.broadcast %shift_right_arithmetic3A : i32 to vector<16xi32>
      %shift_right_arithmetic3A_601 = arith.shrsi %get3A_599, %shift_right_arithmetic3A_600 : vector<16xi32>
      %add3A_602 = arith.constant 32 : i32
      %add3A_603 = vector.broadcast %add3A_602 : i32 to vector<16xi32>
      %add3A_604 = arith.addi %add3A_603, %shift_right_arithmetic3A_601 : vector<16xi32>
      %and3A_605 = arith.constant 127 : i32
      %and3A_606 = vector.broadcast %and3A_605 : i32 to vector<16xi32>
      %and3A_607 = arith.andi %get3A_599, %and3A_606 : vector<16xi32>
      %gather3A_608 = tpu.vector_load_idx %arg9[%add3A_604, %and3A_607] : memref<64x128xf32, #tpu.memory_space<vmem>>[vector<16xi32>, vector<16xi32>], vector<16xf32>,
      %mul3A_609 = arith.mulf %gather3A, %get3A_595 : vector<16xf32>
      %sub3A_610 = arith.subf %mul3A_609, %gather3A_608 : vector<16xf32>
      %abs3A = math.absf %sub3A_610 : vector<16xf32>
      %add3A_611 = arith.addf %while3A_589, %abs3A : vector<16xf32>
      scf.yield %add3A_611 : vector<16xf32>
    }
    %while3A_505 = arith.constant 1 : i32
    %while3A_506 = scf.for %while3A_588 = %while3A_502 to %while3A_498 step %while3A_505 iter_args(%while3A_589 = %while3A_504) -> (vector<16xf32>)  : i32 {
      %mul3A_590 = arith.constant 8 : i32
      %mul3A_591 = arith.muli %mul3A_590, %mul3A_36 : i32
      %mul3A_592 = arith.constant 16 : i32
      %mul3A_593 = arith.muli %while3A_588, %mul3A_592 : i32
      %add3A_594 = arith.addi %mul3A_591, %mul3A_593 : i32
      %get3A = arith.index_cast %add3A_594 : i32 to index
      %get3A_595 = tpu.vector_load %arg13[%get3A] {strides = array<i32>} : memref<8192xf32, #tpu.memory_space<vmem>>, vector<16xf32>,
      %mul3A_596 = arith.constant 16 : i32
      %mul3A_597 = arith.muli %while3A_588, %mul3A_596 : i32
      %get3A_598 = arith.index_cast %mul3A_597 : i32 to index
      %get3A_599 = tpu.vector_load %arg10[%get3A_598] {strides = array<i32>} : memref<528xi32, #tpu.memory_space<vmem>>, vector<16xi32>,
      %gather3A = tpu.vector_load_idx %arg8[%get3A_599] : memref<512xf32, #tpu.memory_space<vmem>>[vector<16xi32>], vector<16xf32>,
      %shift_right_arithmetic3A = arith.constant 7 : i32
      %shift_right_arithmetic3A_600 = vector.broadcast %shift_right_arithmetic3A : i32 to vector<16xi32>
      %shift_right_arithmetic3A_601 = arith.shrsi %get3A_599, %shift_right_arithmetic3A_600 : vector<16xi32>
      %add3A_602 = arith.constant 32 : i32
      %add3A_603 = vector.broadcast %add3A_602 : i32 to vector<16xi32>
      %add3A_604 = arith.addi %add3A_603, %shift_right_arithmetic3A_601 : vector<16xi32>
      %and3A_605 = arith.constant 127 : i32
      %and3A_606 = vector.broadcast %and3A_605 : i32 to vector<16xi32>
      %and3A_607 = arith.andi %get3A_599, %and3A_606 : vector<16xi32>
      %gather3A_608 = tpu.vector_load_idx %arg9[%add3A_604, %and3A_607] : memref<64x128xf32, #tpu.memory_space<vmem>>[vector<16xi32>, vector<16xi32>], vector<16xf32>,
      %mul3A_609 = arith.mulf %gather3A, %get3A_595 : vector<16xf32>
      %sub3A_610 = arith.subf %mul3A_609, %gather3A_608 : vector<16xf32>
      %abs3A = math.absf %sub3A_610 : vector<16xf32>
      %add3A_611 = arith.addf %while3A_589, %abs3A : vector<16xf32>
      scf.yield %add3A_611 : vector<16xf32>
    }
    %while3A_507 = arith.constant 0 : i32
    %while3A_508 = arith.subi %select_n3A_60, %while3A_507 : i32
    %while3A_509 = arith.addi %while3A_507, %while3A_508 : i32
    %while3A_510 = arith.constant 1 : i32
    %while3A_511 = arith.divsi %while3A_508, %while3A_510 : i32
    %while3A_512 = arith.muli %while3A_511, %while3A_510 : i32
    %while3A_513 = arith.addi %while3A_507, %while3A_512 : i32
    %while3A_514 = arith.constant 1 : i32
    %while3A_515 = scf.for %while3A_588 = %while3A_507 to %while3A_513 step %while3A_514 iter_args(%while3A_589 = %while3A_506) -> (vector<16xf32>)  : i32 {
      %mul3A_590 = arith.constant 9 : i32
      %mul3A_591 = arith.muli %mul3A_590, %mul3A_36 : i32
      %mul3A_592 = arith.constant 16 : i32
      %mul3A_593 = arith.muli %while3A_588, %mul3A_592 : i32
      %add3A_594 = arith.addi %mul3A_591, %mul3A_593 : i32
      %get3A = arith.index_cast %add3A_594 : i32 to index
      %get3A_595 = tpu.vector_load %arg13[%get3A] {strides = array<i32>} : memref<8192xf32, #tpu.memory_space<vmem>>, vector<16xf32>,
      %mul3A_596 = arith.constant 16 : i32
      %mul3A_597 = arith.muli %while3A_588, %mul3A_596 : i32
      %get3A_598 = arith.index_cast %mul3A_597 : i32 to index
      %get3A_599 = tpu.vector_load %arg10[%get3A_598] {strides = array<i32>} : memref<528xi32, #tpu.memory_space<vmem>>, vector<16xi32>,
      %gather3A = tpu.vector_load_idx %arg8[%get3A_599] : memref<512xf32, #tpu.memory_space<vmem>>[vector<16xi32>], vector<16xf32>,
      %shift_right_arithmetic3A = arith.constant 7 : i32
      %shift_right_arithmetic3A_600 = vector.broadcast %shift_right_arithmetic3A : i32 to vector<16xi32>
      %shift_right_arithmetic3A_601 = arith.shrsi %get3A_599, %shift_right_arithmetic3A_600 : vector<16xi32>
      %add3A_602 = arith.constant 36 : i32
      %add3A_603 = vector.broadcast %add3A_602 : i32 to vector<16xi32>
      %add3A_604 = arith.addi %add3A_603, %shift_right_arithmetic3A_601 : vector<16xi32>
      %and3A_605 = arith.constant 127 : i32
      %and3A_606 = vector.broadcast %and3A_605 : i32 to vector<16xi32>
      %and3A_607 = arith.andi %get3A_599, %and3A_606 : vector<16xi32>
      %gather3A_608 = tpu.vector_load_idx %arg9[%add3A_604, %and3A_607] : memref<64x128xf32, #tpu.memory_space<vmem>>[vector<16xi32>, vector<16xi32>], vector<16xf32>,
      %mul3A_609 = arith.mulf %gather3A, %get3A_595 : vector<16xf32>
      %sub3A_610 = arith.subf %mul3A_609, %gather3A_608 : vector<16xf32>
      %abs3A = math.absf %sub3A_610 : vector<16xf32>
      %add3A_611 = arith.addf %while3A_589, %abs3A : vector<16xf32>
      scf.yield %add3A_611 : vector<16xf32>
    }
    %while3A_516 = arith.constant 1 : i32
    %while3A_517 = scf.for %while3A_588 = %while3A_513 to %while3A_509 step %while3A_516 iter_args(%while3A_589 = %while3A_515) -> (vector<16xf32>)  : i32 {
      %mul3A_590 = arith.constant 9 : i32
      %mul3A_591 = arith.muli %mul3A_590, %mul3A_36 : i32
      %mul3A_592 = arith.constant 16 : i32
      %mul3A_593 = arith.muli %while3A_588, %mul3A_592 : i32
      %add3A_594 = arith.addi %mul3A_591, %mul3A_593 : i32
      %get3A = arith.index_cast %add3A_594 : i32 to index
      %get3A_595 = tpu.vector_load %arg13[%get3A] {strides = array<i32>} : memref<8192xf32, #tpu.memory_space<vmem>>, vector<16xf32>,
      %mul3A_596 = arith.constant 16 : i32
      %mul3A_597 = arith.muli %while3A_588, %mul3A_596 : i32
      %get3A_598 = arith.index_cast %mul3A_597 : i32 to index
      %get3A_599 = tpu.vector_load %arg10[%get3A_598] {strides = array<i32>} : memref<528xi32, #tpu.memory_space<vmem>>, vector<16xi32>,
      %gather3A = tpu.vector_load_idx %arg8[%get3A_599] : memref<512xf32, #tpu.memory_space<vmem>>[vector<16xi32>], vector<16xf32>,
      %shift_right_arithmetic3A = arith.constant 7 : i32
      %shift_right_arithmetic3A_600 = vector.broadcast %shift_right_arithmetic3A : i32 to vector<16xi32>
      %shift_right_arithmetic3A_601 = arith.shrsi %get3A_599, %shift_right_arithmetic3A_600 : vector<16xi32>
      %add3A_602 = arith.constant 36 : i32
      %add3A_603 = vector.broadcast %add3A_602 : i32 to vector<16xi32>
      %add3A_604 = arith.addi %add3A_603, %shift_right_arithmetic3A_601 : vector<16xi32>
      %and3A_605 = arith.constant 127 : i32
      %and3A_606 = vector.broadcast %and3A_605 : i32 to vector<16xi32>
      %and3A_607 = arith.andi %get3A_599, %and3A_606 : vector<16xi32>
      %gather3A_608 = tpu.vector_load_idx %arg9[%add3A_604, %and3A_607] : memref<64x128xf32, #tpu.memory_space<vmem>>[vector<16xi32>, vector<16xi32>], vector<16xf32>,
      %mul3A_609 = arith.mulf %gather3A, %get3A_595 : vector<16xf32>
      %sub3A_610 = arith.subf %mul3A_609, %gather3A_608 : vector<16xf32>
      %abs3A = math.absf %sub3A_610 : vector<16xf32>
      %add3A_611 = arith.addf %while3A_589, %abs3A : vector<16xf32>
      scf.yield %add3A_611 : vector<16xf32>
    }
    %while3A_518 = arith.constant 0 : i32
    %while3A_519 = arith.subi %select_n3A_60, %while3A_518 : i32
    %while3A_520 = arith.addi %while3A_518, %while3A_519 : i32
    %while3A_521 = arith.constant 1 : i32
    %while3A_522 = arith.divsi %while3A_519, %while3A_521 : i32
    %while3A_523 = arith.muli %while3A_522, %while3A_521 : i32
    %while3A_524 = arith.addi %while3A_518, %while3A_523 : i32
    %while3A_525 = arith.constant 1 : i32
    %while3A_526 = scf.for %while3A_588 = %while3A_518 to %while3A_524 step %while3A_525 iter_args(%while3A_589 = %while3A_517) -> (vector<16xf32>)  : i32 {
      %mul3A_590 = arith.constant 10 : i32
      %mul3A_591 = arith.muli %mul3A_590, %mul3A_36 : i32
      %mul3A_592 = arith.constant 16 : i32
      %mul3A_593 = arith.muli %while3A_588, %mul3A_592 : i32
      %add3A_594 = arith.addi %mul3A_591, %mul3A_593 : i32
      %get3A = arith.index_cast %add3A_594 : i32 to index
      %get3A_595 = tpu.vector_load %arg13[%get3A] {strides = array<i32>} : memref<8192xf32, #tpu.memory_space<vmem>>, vector<16xf32>,
      %mul3A_596 = arith.constant 16 : i32
      %mul3A_597 = arith.muli %while3A_588, %mul3A_596 : i32
      %get3A_598 = arith.index_cast %mul3A_597 : i32 to index
      %get3A_599 = tpu.vector_load %arg10[%get3A_598] {strides = array<i32>} : memref<528xi32, #tpu.memory_space<vmem>>, vector<16xi32>,
      %gather3A = tpu.vector_load_idx %arg8[%get3A_599] : memref<512xf32, #tpu.memory_space<vmem>>[vector<16xi32>], vector<16xf32>,
      %shift_right_arithmetic3A = arith.constant 7 : i32
      %shift_right_arithmetic3A_600 = vector.broadcast %shift_right_arithmetic3A : i32 to vector<16xi32>
      %shift_right_arithmetic3A_601 = arith.shrsi %get3A_599, %shift_right_arithmetic3A_600 : vector<16xi32>
      %add3A_602 = arith.constant 40 : i32
      %add3A_603 = vector.broadcast %add3A_602 : i32 to vector<16xi32>
      %add3A_604 = arith.addi %add3A_603, %shift_right_arithmetic3A_601 : vector<16xi32>
      %and3A_605 = arith.constant 127 : i32
      %and3A_606 = vector.broadcast %and3A_605 : i32 to vector<16xi32>
      %and3A_607 = arith.andi %get3A_599, %and3A_606 : vector<16xi32>
      %gather3A_608 = tpu.vector_load_idx %arg9[%add3A_604, %and3A_607] : memref<64x128xf32, #tpu.memory_space<vmem>>[vector<16xi32>, vector<16xi32>], vector<16xf32>,
      %mul3A_609 = arith.mulf %gather3A, %get3A_595 : vector<16xf32>
      %sub3A_610 = arith.subf %mul3A_609, %gather3A_608 : vector<16xf32>
      %abs3A = math.absf %sub3A_610 : vector<16xf32>
      %add3A_611 = arith.addf %while3A_589, %abs3A : vector<16xf32>
      scf.yield %add3A_611 : vector<16xf32>
    }
    %while3A_527 = arith.constant 1 : i32
    %while3A_528 = scf.for %while3A_588 = %while3A_524 to %while3A_520 step %while3A_527 iter_args(%while3A_589 = %while3A_526) -> (vector<16xf32>)  : i32 {
      %mul3A_590 = arith.constant 10 : i32
      %mul3A_591 = arith.muli %mul3A_590, %mul3A_36 : i32
      %mul3A_592 = arith.constant 16 : i32
      %mul3A_593 = arith.muli %while3A_588, %mul3A_592 : i32
      %add3A_594 = arith.addi %mul3A_591, %mul3A_593 : i32
      %get3A = arith.index_cast %add3A_594 : i32 to index
      %get3A_595 = tpu.vector_load %arg13[%get3A] {strides = array<i32>} : memref<8192xf32, #tpu.memory_space<vmem>>, vector<16xf32>,
      %mul3A_596 = arith.constant 16 : i32
      %mul3A_597 = arith.muli %while3A_588, %mul3A_596 : i32
      %get3A_598 = arith.index_cast %mul3A_597 : i32 to index
      %get3A_599 = tpu.vector_load %arg10[%get3A_598] {strides = array<i32>} : memref<528xi32, #tpu.memory_space<vmem>>, vector<16xi32>,
      %gather3A = tpu.vector_load_idx %arg8[%get3A_599] : memref<512xf32, #tpu.memory_space<vmem>>[vector<16xi32>], vector<16xf32>,
      %shift_right_arithmetic3A = arith.constant 7 : i32
      %shift_right_arithmetic3A_600 = vector.broadcast %shift_right_arithmetic3A : i32 to vector<16xi32>
      %shift_right_arithmetic3A_601 = arith.shrsi %get3A_599, %shift_right_arithmetic3A_600 : vector<16xi32>
      %add3A_602 = arith.constant 40 : i32
      %add3A_603 = vector.broadcast %add3A_602 : i32 to vector<16xi32>
      %add3A_604 = arith.addi %add3A_603, %shift_right_arithmetic3A_601 : vector<16xi32>
      %and3A_605 = arith.constant 127 : i32
      %and3A_606 = vector.broadcast %and3A_605 : i32 to vector<16xi32>
      %and3A_607 = arith.andi %get3A_599, %and3A_606 : vector<16xi32>
      %gather3A_608 = tpu.vector_load_idx %arg9[%add3A_604, %and3A_607] : memref<64x128xf32, #tpu.memory_space<vmem>>[vector<16xi32>, vector<16xi32>], vector<16xf32>,
      %mul3A_609 = arith.mulf %gather3A, %get3A_595 : vector<16xf32>
      %sub3A_610 = arith.subf %mul3A_609, %gather3A_608 : vector<16xf32>
      %abs3A = math.absf %sub3A_610 : vector<16xf32>
      %add3A_611 = arith.addf %while3A_589, %abs3A : vector<16xf32>
      scf.yield %add3A_611 : vector<16xf32>
    }
    %while3A_529 = arith.constant 0 : i32
    %while3A_530 = arith.subi %select_n3A_60, %while3A_529 : i32
    %while3A_531 = arith.addi %while3A_529, %while3A_530 : i32
    %while3A_532 = arith.constant 1 : i32
    %while3A_533 = arith.divsi %while3A_530, %while3A_532 : i32
    %while3A_534 = arith.muli %while3A_533, %while3A_532 : i32
    %while3A_535 = arith.addi %while3A_529, %while3A_534 : i32
    %while3A_536 = arith.constant 1 : i32
    %while3A_537 = scf.for %while3A_588 = %while3A_529 to %while3A_535 step %while3A_536 iter_args(%while3A_589 = %while3A_528) -> (vector<16xf32>)  : i32 {
      %mul3A_590 = arith.constant 11 : i32
      %mul3A_591 = arith.muli %mul3A_590, %mul3A_36 : i32
      %mul3A_592 = arith.constant 16 : i32
      %mul3A_593 = arith.muli %while3A_588, %mul3A_592 : i32
      %add3A_594 = arith.addi %mul3A_591, %mul3A_593 : i32
      %get3A = arith.index_cast %add3A_594 : i32 to index
      %get3A_595 = tpu.vector_load %arg13[%get3A] {strides = array<i32>} : memref<8192xf32, #tpu.memory_space<vmem>>, vector<16xf32>,
      %mul3A_596 = arith.constant 16 : i32
      %mul3A_597 = arith.muli %while3A_588, %mul3A_596 : i32
      %get3A_598 = arith.index_cast %mul3A_597 : i32 to index
      %get3A_599 = tpu.vector_load %arg10[%get3A_598] {strides = array<i32>} : memref<528xi32, #tpu.memory_space<vmem>>, vector<16xi32>,
      %gather3A = tpu.vector_load_idx %arg8[%get3A_599] : memref<512xf32, #tpu.memory_space<vmem>>[vector<16xi32>], vector<16xf32>,
      %shift_right_arithmetic3A = arith.constant 7 : i32
      %shift_right_arithmetic3A_600 = vector.broadcast %shift_right_arithmetic3A : i32 to vector<16xi32>
      %shift_right_arithmetic3A_601 = arith.shrsi %get3A_599, %shift_right_arithmetic3A_600 : vector<16xi32>
      %add3A_602 = arith.constant 44 : i32
      %add3A_603 = vector.broadcast %add3A_602 : i32 to vector<16xi32>
      %add3A_604 = arith.addi %add3A_603, %shift_right_arithmetic3A_601 : vector<16xi32>
      %and3A_605 = arith.constant 127 : i32
      %and3A_606 = vector.broadcast %and3A_605 : i32 to vector<16xi32>
      %and3A_607 = arith.andi %get3A_599, %and3A_606 : vector<16xi32>
      %gather3A_608 = tpu.vector_load_idx %arg9[%add3A_604, %and3A_607] : memref<64x128xf32, #tpu.memory_space<vmem>>[vector<16xi32>, vector<16xi32>], vector<16xf32>,
      %mul3A_609 = arith.mulf %gather3A, %get3A_595 : vector<16xf32>
      %sub3A_610 = arith.subf %mul3A_609, %gather3A_608 : vector<16xf32>
      %abs3A = math.absf %sub3A_610 : vector<16xf32>
      %add3A_611 = arith.addf %while3A_589, %abs3A : vector<16xf32>
      scf.yield %add3A_611 : vector<16xf32>
    }
    %while3A_538 = arith.constant 1 : i32
    %while3A_539 = scf.for %while3A_588 = %while3A_535 to %while3A_531 step %while3A_538 iter_args(%while3A_589 = %while3A_537) -> (vector<16xf32>)  : i32 {
      %mul3A_590 = arith.constant 11 : i32
      %mul3A_591 = arith.muli %mul3A_590, %mul3A_36 : i32
      %mul3A_592 = arith.constant 16 : i32
      %mul3A_593 = arith.muli %while3A_588, %mul3A_592 : i32
      %add3A_594 = arith.addi %mul3A_591, %mul3A_593 : i32
      %get3A = arith.index_cast %add3A_594 : i32 to index
      %get3A_595 = tpu.vector_load %arg13[%get3A] {strides = array<i32>} : memref<8192xf32, #tpu.memory_space<vmem>>, vector<16xf32>,
      %mul3A_596 = arith.constant 16 : i32
      %mul3A_597 = arith.muli %while3A_588, %mul3A_596 : i32
      %get3A_598 = arith.index_cast %mul3A_597 : i32 to index
      %get3A_599 = tpu.vector_load %arg10[%get3A_598] {strides = array<i32>} : memref<528xi32, #tpu.memory_space<vmem>>, vector<16xi32>,
      %gather3A = tpu.vector_load_idx %arg8[%get3A_599] : memref<512xf32, #tpu.memory_space<vmem>>[vector<16xi32>], vector<16xf32>,
      %shift_right_arithmetic3A = arith.constant 7 : i32
      %shift_right_arithmetic3A_600 = vector.broadcast %shift_right_arithmetic3A : i32 to vector<16xi32>
      %shift_right_arithmetic3A_601 = arith.shrsi %get3A_599, %shift_right_arithmetic3A_600 : vector<16xi32>
      %add3A_602 = arith.constant 44 : i32
      %add3A_603 = vector.broadcast %add3A_602 : i32 to vector<16xi32>
      %add3A_604 = arith.addi %add3A_603, %shift_right_arithmetic3A_601 : vector<16xi32>
      %and3A_605 = arith.constant 127 : i32
      %and3A_606 = vector.broadcast %and3A_605 : i32 to vector<16xi32>
      %and3A_607 = arith.andi %get3A_599, %and3A_606 : vector<16xi32>
      %gather3A_608 = tpu.vector_load_idx %arg9[%add3A_604, %and3A_607] : memref<64x128xf32, #tpu.memory_space<vmem>>[vector<16xi32>, vector<16xi32>], vector<16xf32>,
      %mul3A_609 = arith.mulf %gather3A, %get3A_595 : vector<16xf32>
      %sub3A_610 = arith.subf %mul3A_609, %gather3A_608 : vector<16xf32>
      %abs3A = math.absf %sub3A_610 : vector<16xf32>
      %add3A_611 = arith.addf %while3A_589, %abs3A : vector<16xf32>
      scf.yield %add3A_611 : vector<16xf32>
    }
    %while3A_540 = arith.constant 0 : i32
    %while3A_541 = arith.subi %select_n3A_60, %while3A_540 : i32
    %while3A_542 = arith.addi %while3A_540, %while3A_541 : i32
    %while3A_543 = arith.constant 1 : i32
    %while3A_544 = arith.divsi %while3A_541, %while3A_543 : i32
    %while3A_545 = arith.muli %while3A_544, %while3A_543 : i32
    %while3A_546 = arith.addi %while3A_540, %while3A_545 : i32
    %while3A_547 = arith.constant 1 : i32
    %while3A_548 = scf.for %while3A_588 = %while3A_540 to %while3A_546 step %while3A_547 iter_args(%while3A_589 = %while3A_539) -> (vector<16xf32>)  : i32 {
      %mul3A_590 = arith.constant 12 : i32
      %mul3A_591 = arith.muli %mul3A_590, %mul3A_36 : i32
      %mul3A_592 = arith.constant 16 : i32
      %mul3A_593 = arith.muli %while3A_588, %mul3A_592 : i32
      %add3A_594 = arith.addi %mul3A_591, %mul3A_593 : i32
      %get3A = arith.index_cast %add3A_594 : i32 to index
      %get3A_595 = tpu.vector_load %arg13[%get3A] {strides = array<i32>} : memref<8192xf32, #tpu.memory_space<vmem>>, vector<16xf32>,
      %mul3A_596 = arith.constant 16 : i32
      %mul3A_597 = arith.muli %while3A_588, %mul3A_596 : i32
      %get3A_598 = arith.index_cast %mul3A_597 : i32 to index
      %get3A_599 = tpu.vector_load %arg10[%get3A_598] {strides = array<i32>} : memref<528xi32, #tpu.memory_space<vmem>>, vector<16xi32>,
      %gather3A = tpu.vector_load_idx %arg8[%get3A_599] : memref<512xf32, #tpu.memory_space<vmem>>[vector<16xi32>], vector<16xf32>,
      %shift_right_arithmetic3A = arith.constant 7 : i32
      %shift_right_arithmetic3A_600 = vector.broadcast %shift_right_arithmetic3A : i32 to vector<16xi32>
      %shift_right_arithmetic3A_601 = arith.shrsi %get3A_599, %shift_right_arithmetic3A_600 : vector<16xi32>
      %add3A_602 = arith.constant 48 : i32
      %add3A_603 = vector.broadcast %add3A_602 : i32 to vector<16xi32>
      %add3A_604 = arith.addi %add3A_603, %shift_right_arithmetic3A_601 : vector<16xi32>
      %and3A_605 = arith.constant 127 : i32
      %and3A_606 = vector.broadcast %and3A_605 : i32 to vector<16xi32>
      %and3A_607 = arith.andi %get3A_599, %and3A_606 : vector<16xi32>
      %gather3A_608 = tpu.vector_load_idx %arg9[%add3A_604, %and3A_607] : memref<64x128xf32, #tpu.memory_space<vmem>>[vector<16xi32>, vector<16xi32>], vector<16xf32>,
      %mul3A_609 = arith.mulf %gather3A, %get3A_595 : vector<16xf32>
      %sub3A_610 = arith.subf %mul3A_609, %gather3A_608 : vector<16xf32>
      %abs3A = math.absf %sub3A_610 : vector<16xf32>
      %add3A_611 = arith.addf %while3A_589, %abs3A : vector<16xf32>
      scf.yield %add3A_611 : vector<16xf32>
    }
    %while3A_549 = arith.constant 1 : i32
    %while3A_550 = scf.for %while3A_588 = %while3A_546 to %while3A_542 step %while3A_549 iter_args(%while3A_589 = %while3A_548) -> (vector<16xf32>)  : i32 {
      %mul3A_590 = arith.constant 12 : i32
      %mul3A_591 = arith.muli %mul3A_590, %mul3A_36 : i32
      %mul3A_592 = arith.constant 16 : i32
      %mul3A_593 = arith.muli %while3A_588, %mul3A_592 : i32
      %add3A_594 = arith.addi %mul3A_591, %mul3A_593 : i32
      %get3A = arith.index_cast %add3A_594 : i32 to index
      %get3A_595 = tpu.vector_load %arg13[%get3A] {strides = array<i32>} : memref<8192xf32, #tpu.memory_space<vmem>>, vector<16xf32>,
      %mul3A_596 = arith.constant 16 : i32
      %mul3A_597 = arith.muli %while3A_588, %mul3A_596 : i32
      %get3A_598 = arith.index_cast %mul3A_597 : i32 to index
      %get3A_599 = tpu.vector_load %arg10[%get3A_598] {strides = array<i32>} : memref<528xi32, #tpu.memory_space<vmem>>, vector<16xi32>,
      %gather3A = tpu.vector_load_idx %arg8[%get3A_599] : memref<512xf32, #tpu.memory_space<vmem>>[vector<16xi32>], vector<16xf32>,
      %shift_right_arithmetic3A = arith.constant 7 : i32
      %shift_right_arithmetic3A_600 = vector.broadcast %shift_right_arithmetic3A : i32 to vector<16xi32>
      %shift_right_arithmetic3A_601 = arith.shrsi %get3A_599, %shift_right_arithmetic3A_600 : vector<16xi32>
      %add3A_602 = arith.constant 48 : i32
      %add3A_603 = vector.broadcast %add3A_602 : i32 to vector<16xi32>
      %add3A_604 = arith.addi %add3A_603, %shift_right_arithmetic3A_601 : vector<16xi32>
      %and3A_605 = arith.constant 127 : i32
      %and3A_606 = vector.broadcast %and3A_605 : i32 to vector<16xi32>
      %and3A_607 = arith.andi %get3A_599, %and3A_606 : vector<16xi32>
      %gather3A_608 = tpu.vector_load_idx %arg9[%add3A_604, %and3A_607] : memref<64x128xf32, #tpu.memory_space<vmem>>[vector<16xi32>, vector<16xi32>], vector<16xf32>,
      %mul3A_609 = arith.mulf %gather3A, %get3A_595 : vector<16xf32>
      %sub3A_610 = arith.subf %mul3A_609, %gather3A_608 : vector<16xf32>
      %abs3A = math.absf %sub3A_610 : vector<16xf32>
      %add3A_611 = arith.addf %while3A_589, %abs3A : vector<16xf32>
      scf.yield %add3A_611 : vector<16xf32>
    }
    %while3A_551 = arith.constant 0 : i32
    %while3A_552 = arith.subi %select_n3A_60, %while3A_551 : i32
    %while3A_553 = arith.addi %while3A_551, %while3A_552 : i32
    %while3A_554 = arith.constant 1 : i32
    %while3A_555 = arith.divsi %while3A_552, %while3A_554 : i32
    %while3A_556 = arith.muli %while3A_555, %while3A_554 : i32
    %while3A_557 = arith.addi %while3A_551, %while3A_556 : i32
    %while3A_558 = arith.constant 1 : i32
    %while3A_559 = scf.for %while3A_588 = %while3A_551 to %while3A_557 step %while3A_558 iter_args(%while3A_589 = %while3A_550) -> (vector<16xf32>)  : i32 {
      %mul3A_590 = arith.constant 13 : i32
      %mul3A_591 = arith.muli %mul3A_590, %mul3A_36 : i32
      %mul3A_592 = arith.constant 16 : i32
      %mul3A_593 = arith.muli %while3A_588, %mul3A_592 : i32
      %add3A_594 = arith.addi %mul3A_591, %mul3A_593 : i32
      %get3A = arith.index_cast %add3A_594 : i32 to index
      %get3A_595 = tpu.vector_load %arg13[%get3A] {strides = array<i32>} : memref<8192xf32, #tpu.memory_space<vmem>>, vector<16xf32>,
      %mul3A_596 = arith.constant 16 : i32
      %mul3A_597 = arith.muli %while3A_588, %mul3A_596 : i32
      %get3A_598 = arith.index_cast %mul3A_597 : i32 to index
      %get3A_599 = tpu.vector_load %arg10[%get3A_598] {strides = array<i32>} : memref<528xi32, #tpu.memory_space<vmem>>, vector<16xi32>,
      %gather3A = tpu.vector_load_idx %arg8[%get3A_599] : memref<512xf32, #tpu.memory_space<vmem>>[vector<16xi32>], vector<16xf32>,
      %shift_right_arithmetic3A = arith.constant 7 : i32
      %shift_right_arithmetic3A_600 = vector.broadcast %shift_right_arithmetic3A : i32 to vector<16xi32>
      %shift_right_arithmetic3A_601 = arith.shrsi %get3A_599, %shift_right_arithmetic3A_600 : vector<16xi32>
      %add3A_602 = arith.constant 52 : i32
      %add3A_603 = vector.broadcast %add3A_602 : i32 to vector<16xi32>
      %add3A_604 = arith.addi %add3A_603, %shift_right_arithmetic3A_601 : vector<16xi32>
      %and3A_605 = arith.constant 127 : i32
      %and3A_606 = vector.broadcast %and3A_605 : i32 to vector<16xi32>
      %and3A_607 = arith.andi %get3A_599, %and3A_606 : vector<16xi32>
      %gather3A_608 = tpu.vector_load_idx %arg9[%add3A_604, %and3A_607] : memref<64x128xf32, #tpu.memory_space<vmem>>[vector<16xi32>, vector<16xi32>], vector<16xf32>,
      %mul3A_609 = arith.mulf %gather3A, %get3A_595 : vector<16xf32>
      %sub3A_610 = arith.subf %mul3A_609, %gather3A_608 : vector<16xf32>
      %abs3A = math.absf %sub3A_610 : vector<16xf32>
      %add3A_611 = arith.addf %while3A_589, %abs3A : vector<16xf32>
      scf.yield %add3A_611 : vector<16xf32>
    }
    %while3A_560 = arith.constant 1 : i32
    %while3A_561 = scf.for %while3A_588 = %while3A_557 to %while3A_553 step %while3A_560 iter_args(%while3A_589 = %while3A_559) -> (vector<16xf32>)  : i32 {
      %mul3A_590 = arith.constant 13 : i32
      %mul3A_591 = arith.muli %mul3A_590, %mul3A_36 : i32
      %mul3A_592 = arith.constant 16 : i32
      %mul3A_593 = arith.muli %while3A_588, %mul3A_592 : i32
      %add3A_594 = arith.addi %mul3A_591, %mul3A_593 : i32
      %get3A = arith.index_cast %add3A_594 : i32 to index
      %get3A_595 = tpu.vector_load %arg13[%get3A] {strides = array<i32>} : memref<8192xf32, #tpu.memory_space<vmem>>, vector<16xf32>,
      %mul3A_596 = arith.constant 16 : i32
      %mul3A_597 = arith.muli %while3A_588, %mul3A_596 : i32
      %get3A_598 = arith.index_cast %mul3A_597 : i32 to index
      %get3A_599 = tpu.vector_load %arg10[%get3A_598] {strides = array<i32>} : memref<528xi32, #tpu.memory_space<vmem>>, vector<16xi32>,
      %gather3A = tpu.vector_load_idx %arg8[%get3A_599] : memref<512xf32, #tpu.memory_space<vmem>>[vector<16xi32>], vector<16xf32>,
      %shift_right_arithmetic3A = arith.constant 7 : i32
      %shift_right_arithmetic3A_600 = vector.broadcast %shift_right_arithmetic3A : i32 to vector<16xi32>
      %shift_right_arithmetic3A_601 = arith.shrsi %get3A_599, %shift_right_arithmetic3A_600 : vector<16xi32>
      %add3A_602 = arith.constant 52 : i32
      %add3A_603 = vector.broadcast %add3A_602 : i32 to vector<16xi32>
      %add3A_604 = arith.addi %add3A_603, %shift_right_arithmetic3A_601 : vector<16xi32>
      %and3A_605 = arith.constant 127 : i32
      %and3A_606 = vector.broadcast %and3A_605 : i32 to vector<16xi32>
      %and3A_607 = arith.andi %get3A_599, %and3A_606 : vector<16xi32>
      %gather3A_608 = tpu.vector_load_idx %arg9[%add3A_604, %and3A_607] : memref<64x128xf32, #tpu.memory_space<vmem>>[vector<16xi32>, vector<16xi32>], vector<16xf32>,
      %mul3A_609 = arith.mulf %gather3A, %get3A_595 : vector<16xf32>
      %sub3A_610 = arith.subf %mul3A_609, %gather3A_608 : vector<16xf32>
      %abs3A = math.absf %sub3A_610 : vector<16xf32>
      %add3A_611 = arith.addf %while3A_589, %abs3A : vector<16xf32>
      scf.yield %add3A_611 : vector<16xf32>
    }
    %while3A_562 = arith.constant 0 : i32
    %while3A_563 = arith.subi %select_n3A_60, %while3A_562 : i32
    %while3A_564 = arith.addi %while3A_562, %while3A_563 : i32
    %while3A_565 = arith.constant 1 : i32
    %while3A_566 = arith.divsi %while3A_563, %while3A_565 : i32
    %while3A_567 = arith.muli %while3A_566, %while3A_565 : i32
    %while3A_568 = arith.addi %while3A_562, %while3A_567 : i32
    %while3A_569 = arith.constant 1 : i32
    %while3A_570 = scf.for %while3A_588 = %while3A_562 to %while3A_568 step %while3A_569 iter_args(%while3A_589 = %while3A_561) -> (vector<16xf32>)  : i32 {
      %mul3A_590 = arith.constant 14 : i32
      %mul3A_591 = arith.muli %mul3A_590, %mul3A_36 : i32
      %mul3A_592 = arith.constant 16 : i32
      %mul3A_593 = arith.muli %while3A_588, %mul3A_592 : i32
      %add3A_594 = arith.addi %mul3A_591, %mul3A_593 : i32
      %get3A = arith.index_cast %add3A_594 : i32 to index
      %get3A_595 = tpu.vector_load %arg13[%get3A] {strides = array<i32>} : memref<8192xf32, #tpu.memory_space<vmem>>, vector<16xf32>,
      %mul3A_596 = arith.constant 16 : i32
      %mul3A_597 = arith.muli %while3A_588, %mul3A_596 : i32
      %get3A_598 = arith.index_cast %mul3A_597 : i32 to index
      %get3A_599 = tpu.vector_load %arg10[%get3A_598] {strides = array<i32>} : memref<528xi32, #tpu.memory_space<vmem>>, vector<16xi32>,
      %gather3A = tpu.vector_load_idx %arg8[%get3A_599] : memref<512xf32, #tpu.memory_space<vmem>>[vector<16xi32>], vector<16xf32>,
      %shift_right_arithmetic3A = arith.constant 7 : i32
      %shift_right_arithmetic3A_600 = vector.broadcast %shift_right_arithmetic3A : i32 to vector<16xi32>
      %shift_right_arithmetic3A_601 = arith.shrsi %get3A_599, %shift_right_arithmetic3A_600 : vector<16xi32>
      %add3A_602 = arith.constant 56 : i32
      %add3A_603 = vector.broadcast %add3A_602 : i32 to vector<16xi32>
      %add3A_604 = arith.addi %add3A_603, %shift_right_arithmetic3A_601 : vector<16xi32>
      %and3A_605 = arith.constant 127 : i32
      %and3A_606 = vector.broadcast %and3A_605 : i32 to vector<16xi32>
      %and3A_607 = arith.andi %get3A_599, %and3A_606 : vector<16xi32>
      %gather3A_608 = tpu.vector_load_idx %arg9[%add3A_604, %and3A_607] : memref<64x128xf32, #tpu.memory_space<vmem>>[vector<16xi32>, vector<16xi32>], vector<16xf32>,
      %mul3A_609 = arith.mulf %gather3A, %get3A_595 : vector<16xf32>
      %sub3A_610 = arith.subf %mul3A_609, %gather3A_608 : vector<16xf32>
      %abs3A = math.absf %sub3A_610 : vector<16xf32>
      %add3A_611 = arith.addf %while3A_589, %abs3A : vector<16xf32>
      scf.yield %add3A_611 : vector<16xf32>
    }
    %while3A_571 = arith.constant 1 : i32
    %while3A_572 = scf.for %while3A_588 = %while3A_568 to %while3A_564 step %while3A_571 iter_args(%while3A_589 = %while3A_570) -> (vector<16xf32>)  : i32 {
      %mul3A_590 = arith.constant 14 : i32
      %mul3A_591 = arith.muli %mul3A_590, %mul3A_36 : i32
      %mul3A_592 = arith.constant 16 : i32
      %mul3A_593 = arith.muli %while3A_588, %mul3A_592 : i32
      %add3A_594 = arith.addi %mul3A_591, %mul3A_593 : i32
      %get3A = arith.index_cast %add3A_594 : i32 to index
      %get3A_595 = tpu.vector_load %arg13[%get3A] {strides = array<i32>} : memref<8192xf32, #tpu.memory_space<vmem>>, vector<16xf32>,
      %mul3A_596 = arith.constant 16 : i32
      %mul3A_597 = arith.muli %while3A_588, %mul3A_596 : i32
      %get3A_598 = arith.index_cast %mul3A_597 : i32 to index
      %get3A_599 = tpu.vector_load %arg10[%get3A_598] {strides = array<i32>} : memref<528xi32, #tpu.memory_space<vmem>>, vector<16xi32>,
      %gather3A = tpu.vector_load_idx %arg8[%get3A_599] : memref<512xf32, #tpu.memory_space<vmem>>[vector<16xi32>], vector<16xf32>,
      %shift_right_arithmetic3A = arith.constant 7 : i32
      %shift_right_arithmetic3A_600 = vector.broadcast %shift_right_arithmetic3A : i32 to vector<16xi32>
      %shift_right_arithmetic3A_601 = arith.shrsi %get3A_599, %shift_right_arithmetic3A_600 : vector<16xi32>
      %add3A_602 = arith.constant 56 : i32
      %add3A_603 = vector.broadcast %add3A_602 : i32 to vector<16xi32>
      %add3A_604 = arith.addi %add3A_603, %shift_right_arithmetic3A_601 : vector<16xi32>
      %and3A_605 = arith.constant 127 : i32
      %and3A_606 = vector.broadcast %and3A_605 : i32 to vector<16xi32>
      %and3A_607 = arith.andi %get3A_599, %and3A_606 : vector<16xi32>
      %gather3A_608 = tpu.vector_load_idx %arg9[%add3A_604, %and3A_607] : memref<64x128xf32, #tpu.memory_space<vmem>>[vector<16xi32>, vector<16xi32>], vector<16xf32>,
      %mul3A_609 = arith.mulf %gather3A, %get3A_595 : vector<16xf32>
      %sub3A_610 = arith.subf %mul3A_609, %gather3A_608 : vector<16xf32>
      %abs3A = math.absf %sub3A_610 : vector<16xf32>
      %add3A_611 = arith.addf %while3A_589, %abs3A : vector<16xf32>
      scf.yield %add3A_611 : vector<16xf32>
    }
    %while3A_573 = arith.constant 0 : i32
    %while3A_574 = arith.subi %select_n3A_60, %while3A_573 : i32
    %while3A_575 = arith.addi %while3A_573, %while3A_574 : i32
    %while3A_576 = arith.constant 1 : i32
    %while3A_577 = arith.divsi %while3A_574, %while3A_576 : i32
    %while3A_578 = arith.muli %while3A_577, %while3A_576 : i32
    %while3A_579 = arith.addi %while3A_573, %while3A_578 : i32
    %while3A_580 = arith.constant 1 : i32
    %while3A_581 = scf.for %while3A_588 = %while3A_573 to %while3A_579 step %while3A_580 iter_args(%while3A_589 = %while3A_572) -> (vector<16xf32>)  : i32 {
      %mul3A_590 = arith.constant 15 : i32
      %mul3A_591 = arith.muli %mul3A_590, %mul3A_36 : i32
      %mul3A_592 = arith.constant 16 : i32
      %mul3A_593 = arith.muli %while3A_588, %mul3A_592 : i32
      %add3A_594 = arith.addi %mul3A_591, %mul3A_593 : i32
      %get3A = arith.index_cast %add3A_594 : i32 to index
      %get3A_595 = tpu.vector_load %arg13[%get3A] {strides = array<i32>} : memref<8192xf32, #tpu.memory_space<vmem>>, vector<16xf32>,
      %mul3A_596 = arith.constant 16 : i32
      %mul3A_597 = arith.muli %while3A_588, %mul3A_596 : i32
      %get3A_598 = arith.index_cast %mul3A_597 : i32 to index
      %get3A_599 = tpu.vector_load %arg10[%get3A_598] {strides = array<i32>} : memref<528xi32, #tpu.memory_space<vmem>>, vector<16xi32>,
      %gather3A = tpu.vector_load_idx %arg8[%get3A_599] : memref<512xf32, #tpu.memory_space<vmem>>[vector<16xi32>], vector<16xf32>,
      %shift_right_arithmetic3A = arith.constant 7 : i32
      %shift_right_arithmetic3A_600 = vector.broadcast %shift_right_arithmetic3A : i32 to vector<16xi32>
      %shift_right_arithmetic3A_601 = arith.shrsi %get3A_599, %shift_right_arithmetic3A_600 : vector<16xi32>
      %add3A_602 = arith.constant 60 : i32
      %add3A_603 = vector.broadcast %add3A_602 : i32 to vector<16xi32>
      %add3A_604 = arith.addi %add3A_603, %shift_right_arithmetic3A_601 : vector<16xi32>
      %and3A_605 = arith.constant 127 : i32
      %and3A_606 = vector.broadcast %and3A_605 : i32 to vector<16xi32>
      %and3A_607 = arith.andi %get3A_599, %and3A_606 : vector<16xi32>
      %gather3A_608 = tpu.vector_load_idx %arg9[%add3A_604, %and3A_607] : memref<64x128xf32, #tpu.memory_space<vmem>>[vector<16xi32>, vector<16xi32>], vector<16xf32>,
      %mul3A_609 = arith.mulf %gather3A, %get3A_595 : vector<16xf32>
      %sub3A_610 = arith.subf %mul3A_609, %gather3A_608 : vector<16xf32>
      %abs3A = math.absf %sub3A_610 : vector<16xf32>
      %add3A_611 = arith.addf %while3A_589, %abs3A : vector<16xf32>
      scf.yield %add3A_611 : vector<16xf32>
    }
    %while3A_582 = arith.constant 1 : i32
    %while3A_583 = scf.for %while3A_588 = %while3A_579 to %while3A_575 step %while3A_582 iter_args(%while3A_589 = %while3A_581) -> (vector<16xf32>)  : i32 {
      %mul3A_590 = arith.constant 15 : i32
      %mul3A_591 = arith.muli %mul3A_590, %mul3A_36 : i32
      %mul3A_592 = arith.constant 16 : i32
      %mul3A_593 = arith.muli %while3A_588, %mul3A_592 : i32
      %add3A_594 = arith.addi %mul3A_591, %mul3A_593 : i32
      %get3A = arith.index_cast %add3A_594 : i32 to index
      %get3A_595 = tpu.vector_load %arg13[%get3A] {strides = array<i32>} : memref<8192xf32, #tpu.memory_space<vmem>>, vector<16xf32>,
      %mul3A_596 = arith.constant 16 : i32
      %mul3A_597 = arith.muli %while3A_588, %mul3A_596 : i32
      %get3A_598 = arith.index_cast %mul3A_597 : i32 to index
      %get3A_599 = tpu.vector_load %arg10[%get3A_598] {strides = array<i32>} : memref<528xi32, #tpu.memory_space<vmem>>, vector<16xi32>,
      %gather3A = tpu.vector_load_idx %arg8[%get3A_599] : memref<512xf32, #tpu.memory_space<vmem>>[vector<16xi32>], vector<16xf32>,
      %shift_right_arithmetic3A = arith.constant 7 : i32
      %shift_right_arithmetic3A_600 = vector.broadcast %shift_right_arithmetic3A : i32 to vector<16xi32>
      %shift_right_arithmetic3A_601 = arith.shrsi %get3A_599, %shift_right_arithmetic3A_600 : vector<16xi32>
      %add3A_602 = arith.constant 60 : i32
      %add3A_603 = vector.broadcast %add3A_602 : i32 to vector<16xi32>
      %add3A_604 = arith.addi %add3A_603, %shift_right_arithmetic3A_601 : vector<16xi32>
      %and3A_605 = arith.constant 127 : i32
      %and3A_606 = vector.broadcast %and3A_605 : i32 to vector<16xi32>
      %and3A_607 = arith.andi %get3A_599, %and3A_606 : vector<16xi32>
      %gather3A_608 = tpu.vector_load_idx %arg9[%add3A_604, %and3A_607] : memref<64x128xf32, #tpu.memory_space<vmem>>[vector<16xi32>, vector<16xi32>], vector<16xf32>,
      %mul3A_609 = arith.mulf %gather3A, %get3A_595 : vector<16xf32>
      %sub3A_610 = arith.subf %mul3A_609, %gather3A_608 : vector<16xf32>
      %abs3A = math.absf %sub3A_610 : vector<16xf32>
      %add3A_611 = arith.addf %while3A_589, %abs3A : vector<16xf32>
      scf.yield %add3A_611 : vector<16xf32>
    }
    %swap3A_584 = arith.constant 0 : index
    %swap3A_585 = tpu.vector_load %arg14[%swap3A_584] {strides = array<i32>} : memref<32xf32, #tpu.memory_space<vmem>>, vector<16xf32>,
    tpu.vector_store %arg14[%swap3A_584], %while3A_583 {strides = array<i32>} : memref<32xf32, #tpu.memory_space<vmem>>, vector<16xf32>,
    %swap3A_586 = arith.constant 16 : index
    %swap3A_587 = tpu.vector_load %arg14[%swap3A_586] {strides = array<i32>} : memref<32xf32, #tpu.memory_space<vmem>>, vector<16xf32>,
    tpu.vector_store %arg14[%swap3A_586], %scan3A_380 {strides = array<i32>} : memref<32xf32, #tpu.memory_space<vmem>>, vector<16xf32>,
    "tpu.region"() ({
      %run_scoped3A = tpu.sem_alloc : memref<!tpu.dma_semaphore, #tpu.memory_space<semaphore_mem>>
      %dma_start3A = arith.constant 0 : i32
      %dma_start3A_588 = tpu.memref_slice %arg6[%add3A, %dma_start3A] : memref<32x32xf32, #tpu.memory_space<hbm>> -> memref<1x32xf32, #tpu.memory_space<hbm>>
      %dma_start3A_589 = tpu.memref_squeeze %dma_start3A_588 : memref<1x32xf32, #tpu.memory_space<hbm>> -> memref<32xf32, #tpu.memory_space<hbm>>
      %dma_start3A_590 = arith.constant 0 : i32
      %dma_start3A_591 = tpu.memref_slice %arg6[%add3A, %dma_start3A_590] : memref<32x32xf32, #tpu.memory_space<hbm>> -> memref<1x32xf32, #tpu.memory_space<hbm>>
      %dma_start3A_592 = tpu.memref_squeeze %dma_start3A_591 : memref<1x32xf32, #tpu.memory_space<hbm>> -> memref<32xf32, #tpu.memory_space<hbm>>
      tpu.enqueue_dma source(%arg14 : memref<32xf32, #tpu.memory_space<vmem>>) target(%dma_start3A_592 : memref<32xf32, #tpu.memory_space<hbm>>) target_semaphore(%run_scoped3A : memref<!tpu.dma_semaphore, #tpu.memory_space<semaphore_mem>>)
      %dma_wait3A = arith.constant 0 : i32
      %dma_wait3A_593 = tpu.memref_slice %arg6[%add3A, %dma_wait3A] : memref<32x32xf32, #tpu.memory_space<hbm>> -> memref<1x32xf32, #tpu.memory_space<hbm>>
      %dma_wait3A_594 = tpu.memref_squeeze %dma_wait3A_593 : memref<1x32xf32, #tpu.memory_space<hbm>> -> memref<32xf32, #tpu.memory_space<hbm>>
      %dma_wait3A_595 = arith.constant 0 : i32
      %dma_wait3A_596 = tpu.memref_slice %arg6[%add3A, %dma_wait3A_595] : memref<32x32xf32, #tpu.memory_space<hbm>> -> memref<1x32xf32, #tpu.memory_space<hbm>>
      %dma_wait3A_597 = tpu.memref_squeeze %dma_wait3A_596 : memref<1x32xf32, #tpu.memory_space<hbm>> -> memref<32xf32, #tpu.memory_space<hbm>>
      tpu.wait_dma2 semaphore(%run_scoped3A : memref<!tpu.dma_semaphore, #tpu.memory_space<semaphore_mem>>) src(%arg14 : memref<32xf32, #tpu.memory_space<vmem>>) dst(%dma_wait3A_597 : memref<32xf32, #tpu.memory_space<hbm>>)
      tpu.yield
    }) : () -> ()
    return
  }
}

</mosaic_0001>

<sc_bundles>
// kernel: kernel.3.cloned.1.call-start
scs
__scs_entry_jumppad:
0x0: {  	(pc) =	sbr.rel $0x88, $3  }
0x1: {  	(tag) =	ssettag $0x0;
	lr =	simm.s32 $0x1  }
0x2: {  	[smem:$0x3F9D] =	sst lr;
	_ =	strace $0xD0000000  }
0x3: {  	_ = 	snop  }
0x4: {  	_ = 	snop  }
0x5: {  	_ = 	snop  }
0x6: {  	_ = 	snop  }
0x7: {  	_ = 	snop  }
__scs_overlays_trampoline_lowered:
0x8: {  	[smem:$0x3FAC] =	sst s0  }
0x9: {  	[smem:$0x3FAD] =	sst s1  }
0xa: {  	[smem:$0x3FAE] =	sst s2  }
0xb: {  	[smem:$0x3FAF] =	sst s3  }
0xc: {  	[smem:$0x3FB0] =	sst s4  }
0xd: {  	[smem:$0x3FB1] =	sst s5  }
0xe: {  	[smem:$0x3FB2] =	sst s6  }
0xf: {  	[smem:$0x3FB3] =	sst s7  }
0x10: {  	[smem:$0x3FB4] =	sst s8  }
0x11: {  	[smem:$0x3FB5] =	sst s9;
	s0 =	simm.s32 @!p0 $0x0  }
0x12: {  	s1 =	sld [smem:$0x3F9B];
	s0 =	simm.s32 @p0 $0x1  }
0x13: {  	[smem:$0x3FB6] =	sst s0;
	s0 =	simm.s32 @!p1 $0x0  }
0x14: {  	s2 =	sld [smem:$0x3F9A];
	s0 =	simm.s32 @p1 $0x1  }
0x15: {  	[smem:$0x3FB7] =	sst s0;
	s0 =	simm.s32 @!p2 $0x0  }
0x16: {  	s3 =	sld [smem:$0x3FDB];
	s0 =	simm.s32 @p2 $0x1  }
0x17: {  	s4 =	simm.s32 $0x1BF5;
	[smem:$0x3FB9] =	sst s0  }
0x18: {  	s0 =	sld [smem:$0x3F9C];
	_ =	swait.ge [sflag:s4], $0x0  }
0x19: {  	s7 =	sld [smem:$0x3F9D]  }
0x1a: {  	s8 =	sadd.s32 $0xFFFFE003, lr  }
0x1b: {  	s9 =	sadd.s32 $0xFFFFFEF7, lr;
	s5 =	simm.s32 $0xFFFFFFFF;
	p2 =	slt.u32 s8, $0xFFFFF086  }
0x1c: {  	p1 =	slt.u32 s9, $0xF7A;
	s5 =	simm.s32 @!p2 $0x0  }
0x1d: {  	s5 =	simm.s32 @p1 $0x1;
	p0 =	seq.s32 s7, s2  }
0x1e: {  	s7 =	smul.u32 @!p0 $0xF7A, s2;
	p2 =	seq.s32 @!p0 s5, $0x0  }
0x1f: {  	s9 =	smul.u32 $0xF7A, s1;
	s8 =	simm.s32 @!p0 $0x1BF5;
	p2 =	por !p2, p0  }
0x20: {  	[sflag:s8] =	ssyncset.s32 @!p0 $0xFFFFF086;
	s6 =	sadd.s32 @!p0 s3, s7;
	s7 =	simm.s32 @!p0 $0x108  }
0x21: {  	s3 =	sadd.s32 s3, s9;
	s6 =	sadd.s32 @!p0 $0x88, s6;
	s7 =	simm.s32 @p2 $0x1082  }
0x22: {  	[simem:s7], [sflag:s8] =	dma.local @!p0 [hbm:s6], $0xF7A  }
0x23: {  	s9 =	sor.u32 $0xD0000000, s2;
	s6 =	simm.s32 $0x108;
	_ =	swait.ge @!p0 [sflag:s8], $0x0  }
0x24: {  	s3 =	sadd.s32 $0x88, s3;
	s6 =	simm.s32 @!p1 $0x1082;
	[sflag:s4] =	ssyncset.s32 $0xFFFFF086  }
0x25: {  	[simem:s6], [sflag:s4] =	dma.local [hbm:s3], $0xF7A  }
0x26: {  	[smem:$0x3F9D] =	sst s1;
	(tag) =	ssettag s2;
	_ =	strace s9  }
0x27: {  	s1 =	sld [smem:$0x3FAD]  }
0x28: {  	s2 =	sld [smem:$0x3FAE]  }
0x29: {  	s4 =	sld [smem:$0x3FB0]  }
0x2a: {  	p0 =	seq.s32 s5, $0x0;
	s5 =	sld [smem:$0x3FB1]  }
0x2b: {  	s6 =	sld [smem:$0x3FB2]  }
0x2c: {  	s7 =	sld [smem:$0x3FB3]  }
0x2d: {  	s3 =	simm.s32 $0x108;
	s8 =	sld [smem:$0x3FB4]  }
0x2e: {  	s3 =	simm.s32 @!p0 $0x1082;
	s9 =	sld [smem:$0x3FB5]  }
0x2f: {  	lr =	sadd.s32 s0, s3;
	s0 =	sld [smem:$0x3FAC]  }
0x30: {  	s3 =	sld [smem:$0x3FAF]  }
0x31: {  	[smem:$0x3FB8] =	sst s10  }
0x32: {  	s10 =	sld [smem:$0x3FB6];
	_ =	sdelay $0x3  }
0x33: {  	p0 =	seq.s32 s10, $0x1;
	s10 =	sld [smem:$0x3FB8];
	_ =	sdelay $0x3  }
0x34: {  	[smem:$0x3FB8] =	sst s10  }
0x35: {  	s10 =	sld [smem:$0x3FB7];
	_ =	sdelay $0x3  }
0x36: {  	p1 =	seq.s32 s10, $0x1;
	s10 =	sld [smem:$0x3FB8];
	_ =	sdelay $0x3  }
0x37: {  	[smem:$0x3FB8] =	sst s10  }
0x38: {  	s10 =	sld [smem:$0x3FB9]  }
0x39: {  	_ = 	snop;
	(pc) =	sbr.ind lr, $3  }
0x3a: {  	_ = 	snop  }
0x3b: {  	_ = 	snop  }
0x3c: {  	p2 =	seq.s32 s10, $0x1;
	s10 =	sld [smem:$0x3FB8]  }
0x3d: {  	_ =	shalt  }
0x3e: {  	_ =	shalt  }
0x3f: {  	_ =	shalt  }
0x40: {  	_ =	shalt  }
0x41: {  	_ =	shalt  }
0x42: {  	_ =	shalt  }
0x43: {  	_ =	shalt  }
0x44: {  	_ =	shalt  }
0x45: {  	_ =	shalt  }
0x46: {  	_ =	shalt  }
0x47: {  	_ =	shalt  }
0x48: {  	_ =	shalt  }
0x49: {  	_ =	shalt  }
0x4a: {  	_ =	shalt  }
0x4b: {  	_ =	shalt  }
0x4c: {  	_ =	shalt  }
0x4d: {  	_ =	shalt  }
0x4e: {  	_ =	shalt  }
0x4f: {  	_ =	shalt  }
0x50: {  	_ =	shalt  }
0x51: {  	_ =	shalt  }
0x52: {  	_ =	shalt  }
0x53: {  	_ =	shalt  }
0x54: {  	_ =	shalt  }
0x55: {  	_ =	shalt  }
0x56: {  	_ =	shalt  }
0x57: {  	_ =	shalt  }
0x58: {  	_ =	shalt  }
0x59: {  	_ =	shalt  }
0x5a: {  	_ =	shalt  }
0x5b: {  	_ =	shalt  }
0x5c: {  	_ =	shalt  }
0x5d: {  	_ =	shalt  }
0x5e: {  	_ =	shalt  }
0x5f: {  	_ =	shalt  }
0x60: {  	_ =	shalt  }
0x61: {  	_ =	shalt  }
0x62: {  	_ =	shalt  }
0x63: {  	_ =	shalt  }
0x64: {  	_ =	shalt  }
0x65: {  	_ =	shalt  }
0x66: {  	_ =	shalt  }
0x67: {  	_ =	shalt  }
0x68: {  	_ =	shalt  }
0x69: {  	_ =	shalt  }
0x6a: {  	_ =	shalt  }
0x6b: {  	_ =	shalt  }
0x6c: {  	_ =	shalt  }
0x6d: {  	_ =	shalt  }
0x6e: {  	_ =	shalt  }
0x6f: {  	_ =	shalt  }
0x70: {  	_ =	shalt  }
0x71: {  	_ =	shalt  }
0x72: {  	_ =	shalt  }
0x73: {  	_ =	shalt  }
0x74: {  	_ =	shalt  }
0x75: {  	_ =	shalt  }
0x76: {  	_ =	shalt  }
0x77: {  	_ =	shalt  }
0x78: {  	_ =	shalt  }
0x79: {  	_ =	shalt  }
0x7a: {  	_ =	shalt  }
0x7b: {  	_ =	shalt  }
0x7c: {  	_ =	shalt  }
0x7d: {  	_ =	shalt  }
0x7e: {  	_ =	shalt  }
0x7f: {  	_ =	shalt  }
0x80: {  	_ =	shalt  }
0x81: {  	_ =	shalt  }
0x82: {  	_ =	shalt  }
0x83: {  	_ =	shalt  }
0x84: {  	_ =	shalt  }
0x85: {  	_ =	shalt  }
0x86: {  	_ =	shalt  }
0x87: {  	_ =	shalt  }
.Lfunc_end0:
.L_simem_size_0:
called_computation_lowered:
.L_overlay_start_0:
0x88: {  	s2 =	sld [smem:$0x3FD9]  }
0x89: {  	s3 =	sld [smem:$0x3FFE];
	_ =	sdelay $0x1  }
0x8a: {  	s1 =	srdreg.scid  }
0x8b: {  	s0 =	sand.u32 $0x1, s1  }
0x8c: {  	s17 =	sshll.u32 s0, $0xA;
	s2 =	sadd.s32 s3, s2  }
0x8d: {  	s2 =	sadd.s32 s2, s17  }
0x8e: {  	[smem:$0x3FC4] =	sst s2  }
0x8f: {  	_ = 	snop  }
0x90: {  	s2 =	sld [smem:$0x3FC9];
	(tm) =	ssettm $0x1  }
0x91: {  	s18 =	sld [smem:$0x3FFB];
	_ =	sdelay $0x3  }
0x92: {  	_ =	strace s18  }
0x93: {  	s3 =	sld [smem:$0x3FFC];
	_ =	sdelay $0x3  }
0x94: {  	_ =	strace s3  }
0x95: {  	s3 =	sld [smem:$0x3FFD];
	_ =	sdelay $0x3  }
0x96: {  	_ =	strace s3  }
0x97: {  	_ =	strace $0x8FFFFFFF  }
0x98: {  	s19 =	sld [smem:$0x3FDB];
	_ =	sdelay $0x1  }
0x99: {  	s4 =	simm.s32 $_scs_section_size  }
0x9a: {  	s5 =	simm.s32 $_size__tile_overlayer_lowered;
	s6 =	simm.s32 $_tile_overlayer_lowered  }
0x9b: {  	s22 =	simm.s32 $0x1BFF;
	s21 =	sshll.u32 s6, $0x1;
	s3 =	sadd.s32 s4, s19  }
0x9c: {  	s7 =	simm.s32 $0x0;
	s20 =	sshll.u32 s5, $0x1;
	s5 =	sadd.s32 s21, s3  }
0x9d: {  	[timem:s7], [sflag:s22] =	dma.local [hbm:s5], s20  }
0x9e: {  	_ =	swait.ge [sflag:s22], s20  }
0x9f: {  	s4 =	ssub.s32 $0x0, s20;
	[sflag:s22] =	ssyncset.done $0x0  }
0xa0: {  	[sflag:s22] =	ssyncadd.s32 s4;
	_ =	sdelay $0x1  }
0xa1: {  	s23 =	simm.s32 $0x1B8B  }
0xa2: {  	_ =	swait.ge [sflag:s23], $0x1  }
0xa3: {  	[sflag:s23] =	ssyncset.done $0x0  }
0xa4: {  	s25 =	simm.s32 $0x1B8E;
	s24 =	sld [smem:$0x3FFE];
	[sflag:s23] =	ssyncadd.s32 $0xFFFFFFFF  }
0xa5: {  	s26 =	simm.s32 $execute0_lowered;
	[smem:$0x3FD2] =	sst s25  }
0xa6: {  	s5 =	sshll.u32 s26, $0x1;
	_ =	strace $0x80000046;
	[dreg:$0x1] =	wrdreg $0xFFFFFFFF  }
0xa7: {  	s28 =	simm.s32 $_size_execute0_lowered;
	s3 =	sadd.s32 s3, s5;
	[dreg:$0x0] =	wrdreg $0x0  }
0xa8: {  	s5 =	sshll.u32 s28, $0x1;
	[dreg:$0x2] =	wrdreg s3  }
0xa9: {  	[dreg:$0x3] =	wrdreg s5  }
0xaa: {  	[dreg:$0x4] =	wrdreg $0xC0  }
0xab: {  	_ =	task [dreg:s7], $0x5FFFF  }
0xac: {  	[dreg:$0x1] =	wrdreg $0xFFFFFFFF  }
0xad: {  	[dreg:$0x0] =	wrdreg $0x60  }
0xae: {  	[dreg:$0x2] =	wrdreg s2  }
0xaf: {  	[dreg:$0x3] =	wrdreg s24  }
0xb0: {  	[dreg:$0x4] =	wrdreg $0x9  }
0xb1: {  	_ =	task.clear_ibuf [dreg:s7], $0x5FFFF;
	_ =	strace $0x90000046  }
0xb2: {  	s29 =	simm.s32 $0x9;
	_ =	strace $0x80000048  }
0xb3: {  	_ =	swait.ge [sflag:s29], $0x1  }
0xb4: {  	[sflag:s29] =	ssyncadd.s32 $0xFFFFFFFF  }
0xb5: {  	_ =	strace $0x90000048  }
0xb6: {  	_ =	sfence  }
0xb7: {  	s30 =	sld [smem:$0x0];
	_ =	sdelay $0x2  }
0xb8: {  	s31 =	sshll.u32 s1, $0xD;
	s1 =	sshrl.u32 s1, $0x2  }
0xb9: {  	s3 =	sand.u32 $0x4000, s31;
	s1 =	sadd.s32 s1, s30  }
0xba: {  	s0 =	sor.u32 s3, s0;
	s1 =	sshll.u32 s1, $0x11  }
0xbb: {  	s0 =	sor.u32 s1, s0  }
0xbc: {  	s0 =	sadd.s32 $0x8F2B, s0  }
0xbd: {  	[sflag:s0] =	ssyncadd.remote.s32 $0x1  }
0xbe: {  	_ =	sfence.sel $0xFFFF  }
0xbf: {  	[dreg:$0x0] =	wrdreg $0xFFFFFFFF;
	(pc) =	sbr.abs _section_cstart, $3  }
0xc0: {  	[dreg:$0x1] =	wrdreg $0xFFFFFFFF  }
0xc1: {  	_ =	task.clear_ibuf [dreg:s7], $0x2FFFF;
	_ =	strace $0x9FFFFFFF  }
0xc2: {  	(tm) =	ssettm $0x7FFFFFFF  }
0xc3: {  	_ =	shalt  }
tec
execute0_lowered:
.L_overlay_start_1:
0x0: {  	(tag) =	ssettag $0x1  }
0x1: {  	s1 =	rddreg [dreg:$0x0]  }
0x2: {  	s6 =	rddreg [dreg:$0x1]  }
0x3: {  	s4 =	srdreg.scid;
	s2 =	stileid.u32  }
0x4: {  	s3 =	simm.s32 $0x0;
	s4 =	sand.u32 $0x1, s4;
	s5 =	sshll.u32 s2, $0x1  }
0x5: {  	[smem:$0x7FF] =	sst s3;
	s5 =	sor.u32 s4, s5  }
0x6: {  	_ =	strace $0x80000047;
	s4 =	ssub.s32 $0x2, s4;
	s7 =	sshll.u32 s5, $0x6  }
0x7: {  	s8 =	sshll.u32 s5, $0x4;
	s9 =	sshrl.u32 s4, $0x1;
	s10 =	sshll.u32 s5, $0xA  }
0x8: {  	s11 =	sshll.u32 s5, $0x12;
	s7 =	sadd.s32 s7, s6;
	s8 =	sadd.s32 s8, s6  }
0x9: {  	s9 =	ssub.s32 s4, s9;
	s6 =	sadd.s32 s6, s10;
	s22 =	sor.u32 $0x4000, s11  }
0xa: {  	s23 =	sor.u32 $0x8000, s11;
	s12 =	sor.u32 $0xC000, s11;
	s13 =	sor.u32 $0x10000, s11  }
0xb: {  	s14 =	sor.u32 $0x14000, s11;
	s15 =	sor.u32 $0x18000, s11;
	s16 =	sor.u32 $0x1C000, s11  }
0xc: {  	v16 =	vlaneseq.u32;
	s24 =	sor.u32 $0x20000, s11;
	s25 =	sor.u32 $0x24000, s11;
	s26 =	sor.u32 $0x28000, s11  }
0xd: {  	v17 =	vimm.s32 $0x1FF;
	v18 =	vimm.s32 $0x0;
	v0 =	vmov s11;
	s28 =	sor.u32 $0x2C000, s11;
	s29 =	sor.u32 $0x30000, s11;
	s30 =	sor.u32 $0x34000, s11  }
.Ltmp0:
0xe: {  	s31 =	sor.u32 $0x38000, s11;
	s11 =	sor.u32 $0x3C000, s11;
	v1 =	vmov s22;
	v2 =	vmov s23;
	v3 =	vmov s12;
	(pc) =	sbr.rel .LBB2_1-.Ltmp0, $4  }
0xf: {  	s10 =	simm.s32 $0x400;
	s4 =	sadd.s32 $0x8800, s7;
	s5 =	sadd.s32 $0x8000, s7;
	v4 =	vmov s13;
	v5 =	vmov s14;
	v6 =	vmov s15  }
0x10: {  	v7 =	vmov s16;
	v8 =	vmov s24;
	v9 =	vmov s25;
	s7 =	sadd.s32 $0x9000, s8;
	s8 =	smax.u32 s9, $0x1;
	s9 =	simm.s32 $0x3  }
0x11: {  	v10 =	vmov s26;
	v11 =	vmov s28;
	v15 =	vmov s11;
	s11 =	simm.s32 $0x1;
	s12 =	simm.s32 $0x80;
	s13 =	simm.s32 $0x200  }
0x12: {  	v12 =	vmov s29;
	v13 =	vmov s30;
	v14 =	vmov s31;
	s14 =	simm.s32 $0x2;
	s15 =	simm.s32 $0x6900;
	s16 =	simm.s32 $0x0  }
.LBB2_89:
0x13: {  	v51 =	vimm.f32 $0.0e+00  }
.LBB2_208:
0x14: {  	v19 =	vadd.f32 $0.0e+00, v19;
	_ =	sdelay $0x1  }
0x15: {  	v19 =	vadd.f32 v20, v19;
	_ =	sdelay $0x1  }
0x16: {  	v19 =	vadd.f32 v21, v19;
	_ =	sdelay $0x1  }
0x17: {  	v19 =	vadd.f32 v22, v19;
	_ =	sdelay $0x1  }
0x18: {  	v19 =	vadd.f32 v23, v19;
	_ =	sdelay $0x1  }
0x19: {  	v19 =	vadd.f32 v24, v19;
	_ =	sdelay $0x1  }
0x1a: {  	v19 =	vadd.f32 v25, v19;
	_ =	sdelay $0x1  }
0x1b: {  	v19 =	vadd.f32 v26, v19;
	_ =	sdelay $0x1  }
0x1c: {  	v19 =	vadd.f32 v27, v19;
	_ =	sdelay $0x1  }
0x1d: {  	v19 =	vadd.f32 v28, v19;
	_ =	sdelay $0x1  }
0x1e: {  	v19 =	vadd.f32 v29, v19;
	_ =	sdelay $0x1  }
0x1f: {  	v19 =	vadd.f32 v30, v19;
	_ =	sdelay $0x1  }
0x20: {  	v19 =	vadd.f32 v31, v19;
	_ =	sdelay $0x1  }
0x21: {  	v19 =	vadd.f32 v32, v19;
	_ =	sdelay $0x1  }
0x22: {  	v19 =	vadd.f32 v33, v19;
	_ =	sdelay $0x1  }
0x23: {  	v19 =	vadd.f32 v34, v19;
	_ =	sdelay $0x1  }
0x24: {  	v19 =	vadd.f32 v35, v19;
	_ =	sdelay $0x1  }
0x25: {  	v19 =	vadd.f32 v36, v19;
	_ =	sdelay $0x1  }
0x26: {  	v19 =	vadd.f32 v37, v19;
	_ =	sdelay $0x1  }
0x27: {  	v19 =	vadd.f32 v38, v19;
	_ =	sdelay $0x1  }
0x28: {  	v19 =	vadd.f32 v39, v19;
	_ =	sdelay $0x1  }
0x29: {  	v19 =	vadd.f32 v40, v19;
	_ =	sdelay $0x1  }
0x2a: {  	v19 =	vadd.f32 v41, v19;
	_ =	sdelay $0x1  }
0x2b: {  	v19 =	vadd.f32 v42, v19;
	_ =	sdelay $0x1  }
0x2c: {  	v19 =	vadd.f32 v43, v19;
	_ =	sdelay $0x1  }
0x2d: {  	v19 =	vadd.f32 v44, v19;
	_ =	sdelay $0x1  }
0x2e: {  	v19 =	vadd.f32 v45, v19;
	_ =	sdelay $0x1  }
0x2f: {  	v19 =	vadd.f32 v46, v19;
	_ =	sdelay $0x1  }
0x30: {  	v19 =	vadd.f32 v47, v19;
	_ =	sdelay $0x1  }
0x31: {  	v19 =	vadd.f32 v48, v19;
	_ =	sdelay $0x1  }
0x32: {  	v19 =	vadd.f32 v49, v19;
	_ =	sdelay $0x1  }
0x33: {  	s16 =	sadd.s32 $0x1, s16;
	v19 =	vadd.f32 v50, v19  }
0x34: {  	[tilespmem:$0x6900] =	vst v51;
	p0 =	sne.s32 s16, s8  }
.Ltmp1:
0x35: {  	[tilespmem:$0x6910] =	vst v19;
	(pc) =	sbr.rel @!p0 .LBB2_209-.Ltmp1, $4  }
0x36: {  	[hbm4b:s7+s3] =	stream.linear.scatter [tilespmem:s15], [sflag:$0x3], $0x80, $0x38;
	[tilespmem:$0x6980] =	vst v63  }
0x37: {  	_ =	swait.ge [sflag:s9], $0x80  }
0x38: {  	[sflag:s9] =	ssyncset.done $0x0  }
0x39: {  	[sflag:s9] =	ssyncadd.s32 $0xFFFFFF80  }
.LBB2_1:
0x3a: {  	[tilespmem:s3], [sflag:$0x3] =	stream.linear.gather [hbm4b:s4+s3], $0x200, $0x38;
	[tilespmem:$0x6980] =	vst v63  }
0x3b: {  	_ =	swait.ge [sflag:s9], $0x200  }
0x3c: {  	[sflag:s9] =	ssyncset.done $0x0  }
0x3d: {  	[sflag:s9] =	ssyncadd.s32 $0xFFFFFE00  }
0x3e: {  	[tilespmem:s13], [sflag:$0x3] =	stream.linear.gather [hbm4b:s5+s3], $0x200, $0x38;
	[tilespmem:$0x6980] =	vst v63  }
0x3f: {  	_ =	swait.ge [sflag:s9], $0x200  }
0x40: {  	[sflag:s9] =	ssyncset.done $0x0  }
0x41: {  	[sflag:s9] =	ssyncadd.s32 $0xFFFFFE00  }
0x42: {  	[tilespmem:s10], [sflag:$0x3] =	stream.linear.gather [hbm4b:s6+s3], $0x2000, $0x38;
	[tilespmem:$0x6980] =	vst v63  }
0x43: {  	_ =	swait.ge [sflag:s9], $0x2000  }
0x44: {  	[sflag:s9] =	ssyncset.done $0x0  }
0x45: {  	[sflag:s9] =	ssyncadd.s32 $0xFFFFE000  }
0x46: {  	v19 =	vld [tilespmem:s13+$0x0];
	_ =	sdelay $0x4  }
0x47: {  	vm0 =	vgt.f32 v19, $5.000000000e-01  }
0x48: {  	v19 =	vmpcnt.ones.xlane vm0;
	_ =	sdelay $0x1  }
0x49: {  	v19 =	vxor.u32 $0x80000000, v19  }
0x4a: {  	(xrf0) =	vmax.scan.msk.u32 $0xffff, v19;
	_ =	sdelay $0x2  }
0x4b: {  	v20 =	vor.u32 s3, v16;
	_ =	sdelay $0x1  }
0x4c: {  	[tilespmem:s3+$0x2400] =	vst.msk vm0, v20  }
0x4d: {  	v19 =	vld [tilespmem:s3+$0x0];
	v20, _, _ =	vpop (xrf0)  }
0x4e: {  	(v2sf) =	vpush v20, $0xF;
	_ =	sdelay $0x3  }
0x4f: {  	s17 =	simm.s32 $0x10;
	s20 =	simm.s32 $0x210;
	[tilespmem:s3+$0x2680] =	vst.msk vm0, v19  }
0x50: {  	s21 =	simm.s32 $0x20;
	s19 =	simm.s32 $0x0;
	s18 =	simm.s32 $0x0;
	v19 =	vld [tilespmem:s20+$0x0]  }
.LBB2_2:
0x51: {  	p0 =	sne.s32 s21, $0x1F0;
	_ =	sdelay $0x3  }
0x52: {  	vm0 =	vgt.f32 v19, $5.000000000e-01  }
0x53: {  	v19 =	vmpcnt.ones.xlane vm0;
	_ =	sdelay $0x1  }
0x54: {  	v19 =	vxor.u32 $0x80000000, v19  }
0x55: {  	(xrf0) =	vmax.scan.msk.u32 $0xffff, v19  }
0x56: {  	s22 =	spop (v2sf)  }
0x57: {  	s19 =	sadd.s32 s22, s19  }
0x58: {  	v19 =	vor.u32 s17, v16;
	s17 =	smov.u32 s21;
	s19 =	sadd.s32 $0x80000000, s19  }
0x59: {  	s18 =	sadd.s32 $0x10, s18;
	[tilespmem:s19+$0x2400] =	vst.msk vm0, v19  }
0x5a: {  	v19 =	vld [tilespmem:s18+$0x0]  }
0x5b: {  	v20, _, _ =	vpop (xrf0)  }
0x5c: {  	(v2sf) =	vpush v20, $0xF  }
.Ltmp2:
0x5d: {  	(pc) =	sbr.rel @p0 .LBB2_2-.Ltmp2, $4  }
0x5e: {  	_ = 	snop  }
0x5f: {  	[tilespmem:s19+$0x2680] =	vst.msk vm0, v19  }
0x60: {  	s20 =	sadd.s32 $0x10, s20  }
0x61: {  	s21 =	sadd.s32 $0x10, s21;
	v19 =	vld [tilespmem:s20+$0x0]  }
0x62: {  	_ =	sdelay $0x3  }
0x63: {  	vm0 =	vgt.f32 v19, $5.000000000e-01  }
0x64: {  	v19 =	vmpcnt.ones.xlane vm0;
	_ =	sdelay $0x1  }
0x65: {  	v19 =	vxor.u32 $0x80000000, v19  }
0x66: {  	(xrf0) =	vmax.scan.msk.u32 $0xffff, v19;
	_ =	sdelay $0x5  }
0x67: {  	v19, _, _ =	vpop (xrf0)  }
0x68: {  	(v2sf) =	vpush v19, $0xF;
	_ =	sdelay $0xc  }
0x69: {  	s20 =	spop (v2sf)  }
0x6a: {  	s19 =	sadd.s32 s20, s19  }
0x6b: {  	s20 =	sadd.s32 $0x80000000, s19;
	s28 =	spop (v2sf)  }
0x6c: {  	s19 =	sadd.s32 s28, s20  }
0x6d: {  	s21 =	sadd.s32 $0x80000000, s19  }
0x6e: {  	s19 =	sadd.s32 $0xF, s21  }
0x6f: {  	s30 =	sand.u32 $0xF, s19  }
0x70: {  	s22 =	sshra.s32 s19, $0x1F;
	p0 =	slt.s32 s19, $0x1;
	p1 =	sne.s32 s30, $0x0  }
0x71: {  	s29 =	sadd.s32 $0x10, s18;
	s31 =	sshrl.u32 s22, $0x1C;
	p0 =	por !p0, !p1  }
0x72: {  	s18 =	simm.s32 $0x1;
	v19 =	vor.u32 s17, v16;
	s17 =	sadd.s32 s31, s19;
	p0 =	por !p0, !p0  }
0x73: {  	s19 =	sshra.s32 s17, $0x4;
	s18 =	simm.s32 @!p0 $0x0  }
0x74: {  	[tilespmem:s20+$0x2400] =	vst.msk vm0, v19;
	s17 =	ssub.s32 s19, s18  }
0x75: {  	v19 =	vld [tilespmem:s29+$0x0];
	s22 =	sshll.u32 s17, $0x4  }
0x76: {  	s18 =	sshra.s32 s22, $0x4  }
0x77: {  	p1 =	slt.s32 s18, $0x1  }
.Ltmp3:
0x78: {  	_ = 	snop;
	(pc) =	sbr.rel @p1 .LBB2_88-.Ltmp3, $4  }
0x79: {  	_ = 	snop  }
0x7a: {  	[tilespmem:s20+$0x2680] =	vst.msk vm0, v19  }
0x7b: {  	s20 =	simm.s32 $0xFFFFFFFF;
	[tilespmem:s21+$0x2400] =	vst v17  }
0x7c: {  	[tilespmem:s21+$0x2680] =	vst v18;
	s20 =	simm.s32 @!p0 $0x0;
	s21 =	sshll.u32 s17, $0x7  }
0x7d: {  	p0 =	sne.s32 s18, $0x1  }
.Ltmp4:
0x7e: {  	_ = 	snop;
	(pc) =	sbr.rel @!p0 .LBB2_5-.Ltmp4, $3  }
0x7f: {  	_ =	sdelay $0x1  }
0x80: {  	s24 =	simm.s32 $0x2680  }
0x81: {  	s25 =	simm.s32 $0x2900;
	s23 =	sadd.s32 $0xFFFFFFFF, s18;
	p1 =	por $0x0, $0x0;
	v19 =	vld [tilespmem:s24+$0x0]  }
0x82: {  	_ = 	snop  }
0x83: {  	p3 =	sne.s32 s23, $0x1  }
.Ltmp5:
0x84: {  	_ = 	snop;
	(pc) =	sbr.rel @!p3 .LBB2_7-.Ltmp5, $4  }
0x85: {  	_ = 	snop  }
0x86: {  	v19 =	vadd.s32 v0, v19  }
0x87: {  	s28 =	simm.s32 $0x2690;
	[tilespmem:s25+$0x0] =	vst v19  }
0x88: {  	s29 =	sadd.s32 $0xFFFFFFFF, s23;
	p2 =	por $0x1, $0x1;
	s26 =	simm.s32 $0x2900;
	v19 =	vld [tilespmem:s28+$0x0]  }
.LBB2_8:
0x89: {  	p3 =	sne.s32 s29, $0x1;
	_ =	sdelay $0x1  }
.Ltmp6:
0x8a: {  	(pc) =	sbr.rel @p3 .LBB2_8-.Ltmp6, $4  }
0x8b: {  	_ = 	snop  }
0x8c: {  	s26 =	sadd.s32 $0x10, s26;
	v19 =	vadd.s32 v0, v19  }
0x8d: {  	s28 =	sadd.s32 $0x10, s28;
	[tilespmem:s26+$0x0] =	vst v19  }
0x8e: {  	s29 =	sadd.s32 $0xFFFFFFFF, s29;
	v19 =	vld [tilespmem:s28+$0x0]  }
.LBB2_9:
0x8f: {  	_ =	sdelay $0x1  }
.Ltmp7:
0x90: {  	_ = 	snop;
	(pc) =	sbr.rel @!p0 .LBB2_10-.Ltmp7, $4  }
0x91: {  	s26 =	sadd.s32 @p2 $0x10, s26  }
0x92: {  	s25 =	smov.u32 @p2 s26;
	v19 =	vadd.s32 v0, v19  }
0x93: {  	[tilespmem:s25+$0x0] =	vst v19  }
0x94: {  	s25 =	sadd.s32 $0x2900, s22;
	v19 =	vld [tilespmem:s24+$0x0]  }
0x95: {  	_ = 	snop  }
0x96: {  	p2 =	sne.s32 s23, $0x1  }
.Ltmp8:
0x97: {  	_ = 	snop;
	(pc) =	sbr.rel @!p2 .LBB2_12-.Ltmp8, $4  }
0x98: {  	_ = 	snop  }
0x99: {  	v19 =	vadd.s32 v1, v19  }
0x9a: {  	s26 =	simm.s32 $0x2690;
	[tilespmem:s25+$0x0] =	vst v19  }
0x9b: {  	s28 =	sadd.s32 $0xFFFFFFFF, s23;
	p1 =	por $0x1, $0x1;
	s24 =	smov.u32 s25;
	v19 =	vld [tilespmem:s26+$0x0]  }
.LBB2_13:
0x9c: {  	p2 =	sne.s32 s28, $0x1;
	_ =	sdelay $0x1  }
.Ltmp9:
0x9d: {  	(pc) =	sbr.rel @p2 .LBB2_13-.Ltmp9, $4  }
0x9e: {  	_ = 	snop  }
0x9f: {  	s24 =	sadd.s32 $0x10, s24;
	v19 =	vadd.s32 v1, v19  }
0xa0: {  	s26 =	sadd.s32 $0x10, s26;
	[tilespmem:s24+$0x0] =	vst v19  }
0xa1: {  	s28 =	sadd.s32 $0xFFFFFFFF, s28;
	v19 =	vld [tilespmem:s26+$0x0]  }
.LBB2_14:
0xa2: {  	_ =	sdelay $0x1  }
.Ltmp10:
0xa3: {  	_ = 	snop;
	(pc) =	sbr.rel @!p0 .LBB2_15-.Ltmp10, $4  }
0xa4: {  	s24 =	sadd.s32 @p1 $0x10, s24  }
0xa5: {  	s25 =	smov.u32 @p1 s24;
	v19 =	vadd.s32 v1, v19  }
0xa6: {  	s31 =	sshra.s32 s21, $0x2;
	s24 =	simm.s32 $0x2680;
	[tilespmem:s25+$0x0] =	vst v19  }
0xa7: {  	p1 =	por $0x0, $0x0;
	s25 =	sadd.s32 $0x2900, s31;
	v19 =	vld [tilespmem:s24+$0x0]  }
0xa8: {  	_ = 	snop  }
0xa9: {  	p3 =	sne.s32 s23, $0x1  }
.Ltmp11:
0xaa: {  	_ = 	snop;
	(pc) =	sbr.rel @!p3 .LBB2_17-.Ltmp11, $4  }
0xab: {  	_ = 	snop  }
0xac: {  	v19 =	vadd.s32 v2, v19  }
0xad: {  	s28 =	simm.s32 $0x2690;
	[tilespmem:s25+$0x0] =	vst v19  }
0xae: {  	s29 =	sadd.s32 $0xFFFFFFFF, s23;
	p2 =	por $0x1, $0x1;
	s26 =	smov.u32 s25;
	v19 =	vld [tilespmem:s28+$0x0]  }
.LBB2_18:
0xaf: {  	p3 =	sne.s32 s29, $0x1;
	_ =	sdelay $0x1  }
.Ltmp12:
0xb0: {  	(pc) =	sbr.rel @p3 .LBB2_18-.Ltmp12, $4  }
0xb1: {  	_ = 	snop  }
0xb2: {  	s26 =	sadd.s32 $0x10, s26;
	v19 =	vadd.s32 v2, v19  }
0xb3: {  	s28 =	sadd.s32 $0x10, s28;
	[tilespmem:s26+$0x0] =	vst v19  }
0xb4: {  	s29 =	sadd.s32 $0xFFFFFFFF, s29;
	v19 =	vld [tilespmem:s28+$0x0]  }
.LBB2_19:
0xb5: {  	_ =	sdelay $0x1  }
.Ltmp13:
0xb6: {  	_ = 	snop;
	(pc) =	sbr.rel @!p0 .LBB2_20-.Ltmp13, $4  }
0xb7: {  	s26 =	sadd.s32 @p2 $0x10, s26;
	s28 =	smul.u32 $0xC0, s17  }
0xb8: {  	s25 =	smov.u32 @p2 s26;
	v19 =	vadd.s32 v2, v19  }
0xb9: {  	s31 =	sshra.s32 s28, $0x2;
	[tilespmem:s25+$0x0] =	vst v19  }
0xba: {  	s25 =	sadd.s32 $0x2900, s31;
	v19 =	vld [tilespmem:s24+$0x0]  }
0xbb: {  	_ = 	snop  }
0xbc: {  	p2 =	sne.s32 s23, $0x1  }
.Ltmp14:
0xbd: {  	_ = 	snop;
	(pc) =	sbr.rel @!p2 .LBB2_22-.Ltmp14, $4  }
0xbe: {  	_ = 	snop  }
0xbf: {  	v19 =	vadd.s32 v3, v19  }
0xc0: {  	s26 =	simm.s32 $0x2690;
	[tilespmem:s25+$0x0] =	vst v19  }
0xc1: {  	s28 =	sadd.s32 $0xFFFFFFFF, s23;
	p1 =	por $0x1, $0x1;
	s24 =	smov.u32 s25;
	v19 =	vld [tilespmem:s26+$0x0]  }
.LBB2_23:
0xc2: {  	p2 =	sne.s32 s28, $0x1;
	_ =	sdelay $0x1  }
.Ltmp15:
0xc3: {  	(pc) =	sbr.rel @p2 .LBB2_23-.Ltmp15, $4  }
0xc4: {  	_ = 	snop  }
0xc5: {  	s24 =	sadd.s32 $0x10, s24;
	v19 =	vadd.s32 v3, v19  }
0xc6: {  	s26 =	sadd.s32 $0x10, s26;
	[tilespmem:s24+$0x0] =	vst v19  }
0xc7: {  	s28 =	sadd.s32 $0xFFFFFFFF, s28;
	v19 =	vld [tilespmem:s26+$0x0]  }
.LBB2_24:
0xc8: {  	_ =	sdelay $0x1  }
.Ltmp16:
0xc9: {  	_ = 	snop;
	(pc) =	sbr.rel @!p0 .LBB2_25-.Ltmp16, $4  }
0xca: {  	s24 =	sadd.s32 @p1 $0x10, s24  }
0xcb: {  	s30 =	sshll.u32 s17, $0x8;
	s25 =	smov.u32 @p1 s24;
	v19 =	vadd.s32 v3, v19  }
0xcc: {  	s31 =	sshra.s32 s30, $0x2;
	s24 =	simm.s32 $0x2680;
	[tilespmem:s25+$0x0] =	vst v19  }
0xcd: {  	p1 =	por $0x0, $0x0;
	s25 =	sadd.s32 $0x2900, s31;
	v19 =	vld [tilespmem:s24+$0x0]  }
0xce: {  	_ = 	snop  }
0xcf: {  	p3 =	sne.s32 s23, $0x1  }
.Ltmp17:
0xd0: {  	_ = 	snop;
	(pc) =	sbr.rel @!p3 .LBB2_27-.Ltmp17, $4  }
0xd1: {  	_ = 	snop  }
0xd2: {  	v19 =	vadd.s32 v4, v19  }
0xd3: {  	s28 =	simm.s32 $0x2690;
	[tilespmem:s25+$0x0] =	vst v19  }
0xd4: {  	s29 =	sadd.s32 $0xFFFFFFFF, s23;
	p2 =	por $0x1, $0x1;
	s26 =	smov.u32 s25;
	v19 =	vld [tilespmem:s28+$0x0]  }
.LBB2_28:
0xd5: {  	p3 =	sne.s32 s29, $0x1;
	_ =	sdelay $0x1  }
.Ltmp18:
0xd6: {  	(pc) =	sbr.rel @p3 .LBB2_28-.Ltmp18, $4  }
0xd7: {  	_ = 	snop  }
0xd8: {  	s26 =	sadd.s32 $0x10, s26;
	v19 =	vadd.s32 v4, v19  }
0xd9: {  	s28 =	sadd.s32 $0x10, s28;
	[tilespmem:s26+$0x0] =	vst v19  }
0xda: {  	s29 =	sadd.s32 $0xFFFFFFFF, s29;
	v19 =	vld [tilespmem:s28+$0x0]  }
.LBB2_29:
0xdb: {  	_ =	sdelay $0x1  }
.Ltmp19:
0xdc: {  	_ = 	snop;
	(pc) =	sbr.rel @!p0 .LBB2_30-.Ltmp19, $4  }
0xdd: {  	s26 =	sadd.s32 @p2 $0x10, s26;
	s28 =	smul.u32 $0x140, s17  }
0xde: {  	s25 =	smov.u32 @p2 s26;
	v19 =	vadd.s32 v4, v19  }
0xdf: {  	s31 =	sshra.s32 s28, $0x2;
	[tilespmem:s25+$0x0] =	vst v19  }
0xe0: {  	s25 =	sadd.s32 $0x2900, s31;
	v19 =	vld [tilespmem:s24+$0x0]  }
0xe1: {  	_ = 	snop  }
0xe2: {  	p2 =	sne.s32 s23, $0x1  }
.Ltmp20:
0xe3: {  	_ = 	snop;
	(pc) =	sbr.rel @!p2 .LBB2_32-.Ltmp20, $4  }
0xe4: {  	_ = 	snop  }
0xe5: {  	v19 =	vadd.s32 v5, v19  }
0xe6: {  	s26 =	simm.s32 $0x2690;
	[tilespmem:s25+$0x0] =	vst v19  }
0xe7: {  	s28 =	sadd.s32 $0xFFFFFFFF, s23;
	p1 =	por $0x1, $0x1;
	s24 =	smov.u32 s25;
	v19 =	vld [tilespmem:s26+$0x0]  }
.LBB2_33:
0xe8: {  	p2 =	sne.s32 s28, $0x1;
	_ =	sdelay $0x1  }
.Ltmp21:
0xe9: {  	(pc) =	sbr.rel @p2 .LBB2_33-.Ltmp21, $4  }
0xea: {  	_ = 	snop  }
0xeb: {  	s24 =	sadd.s32 $0x10, s24;
	v19 =	vadd.s32 v5, v19  }
0xec: {  	s26 =	sadd.s32 $0x10, s26;
	[tilespmem:s24+$0x0] =	vst v19  }
0xed: {  	s28 =	sadd.s32 $0xFFFFFFFF, s28;
	v19 =	vld [tilespmem:s26+$0x0]  }
.LBB2_34:
0xee: {  	_ =	sdelay $0x1  }
.Ltmp22:
0xef: {  	_ = 	snop;
	(pc) =	sbr.rel @!p0 .LBB2_35-.Ltmp22, $4  }
0xf0: {  	s24 =	sadd.s32 @p1 $0x10, s24;
	s26 =	smul.u32 $0x180, s17  }
0xf1: {  	s25 =	smov.u32 @p1 s24;
	v19 =	vadd.s32 v5, v19  }
0xf2: {  	s24 =	simm.s32 $0x2680;
	s31 =	sshra.s32 s26, $0x2;
	[tilespmem:s25+$0x0] =	vst v19  }
0xf3: {  	p1 =	por $0x0, $0x0;
	s25 =	sadd.s32 $0x2900, s31;
	v19 =	vld [tilespmem:s24+$0x0]  }
0xf4: {  	_ = 	snop  }
0xf5: {  	p3 =	sne.s32 s23, $0x1  }
.Ltmp23:
0xf6: {  	_ = 	snop;
	(pc) =	sbr.rel @!p3 .LBB2_37-.Ltmp23, $4  }
0xf7: {  	_ = 	snop  }
0xf8: {  	v19 =	vadd.s32 v6, v19  }
0xf9: {  	s28 =	simm.s32 $0x2690;
	[tilespmem:s25+$0x0] =	vst v19  }
0xfa: {  	s29 =	sadd.s32 $0xFFFFFFFF, s23;
	p2 =	por $0x1, $0x1;
	s26 =	smov.u32 s25;
	v19 =	vld [tilespmem:s28+$0x0]  }
.LBB2_38:
0xfb: {  	p3 =	sne.s32 s29, $0x1;
	_ =	sdelay $0x1  }
.Ltmp24:
0xfc: {  	(pc) =	sbr.rel @p3 .LBB2_38-.Ltmp24, $4  }
0xfd: {  	_ = 	snop  }
0xfe: {  	s26 =	sadd.s32 $0x10, s26;
	v19 =	vadd.s32 v6, v19  }
0xff: {  	s28 =	sadd.s32 $0x10, s28;
	[tilespmem:s26+$0x0] =	vst v19  }
0x100: {  	s29 =	sadd.s32 $0xFFFFFFFF, s29;
	v19 =	vld [tilespmem:s28+$0x0]  }
.LBB2_39:
0x101: {  	_ =	sdelay $0x1  }
.Ltmp25:
0x102: {  	_ = 	snop;
	(pc) =	sbr.rel @!p0 .LBB2_40-.Ltmp25, $4  }
0x103: {  	s26 =	sadd.s32 @p2 $0x10, s26;
	s28 =	smul.u32 $0x1C0, s17  }
0x104: {  	s25 =	smov.u32 @p2 s26;
	v19 =	vadd.s32 v6, v19  }
0x105: {  	s31 =	sshra.s32 s28, $0x2;
	[tilespmem:s25+$0x0] =	vst v19  }
0x106: {  	s25 =	sadd.s32 $0x2900, s31;
	v19 =	vld [tilespmem:s24+$0x0]  }
0x107: {  	_ = 	snop  }
0x108: {  	p2 =	sne.s32 s23, $0x1  }
.Ltmp26:
0x109: {  	_ = 	snop;
	(pc) =	sbr.rel @!p2 .LBB2_42-.Ltmp26, $4  }
0x10a: {  	_ = 	snop  }
0x10b: {  	v19 =	vadd.s32 v7, v19  }
0x10c: {  	s26 =	simm.s32 $0x2690;
	[tilespmem:s25+$0x0] =	vst v19  }
0x10d: {  	s28 =	sadd.s32 $0xFFFFFFFF, s23;
	p1 =	por $0x1, $0x1;
	s24 =	smov.u32 s25;
	v19 =	vld [tilespmem:s26+$0x0]  }
.LBB2_43:
0x10e: {  	p2 =	sne.s32 s28, $0x1;
	_ =	sdelay $0x1  }
.Ltmp27:
0x10f: {  	(pc) =	sbr.rel @p2 .LBB2_43-.Ltmp27, $4  }
0x110: {  	_ = 	snop  }
0x111: {  	s24 =	sadd.s32 $0x10, s24;
	v19 =	vadd.s32 v7, v19  }
0x112: {  	s26 =	sadd.s32 $0x10, s26;
	[tilespmem:s24+$0x0] =	vst v19  }
0x113: {  	s28 =	sadd.s32 $0xFFFFFFFF, s28;
	v19 =	vld [tilespmem:s26+$0x0]  }
.LBB2_44:
0x114: {  	_ =	sdelay $0x1  }
.Ltmp28:
0x115: {  	_ = 	snop;
	(pc) =	sbr.rel @!p0 .LBB2_46-.Ltmp28, $4  }
0x116: {  	s24 =	sadd.s32 @p1 $0x10, s24  }
0x117: {  	s25 =	smov.u32 @p1 s24;
	v19 =	vadd.s32 v7, v19  }
0x118: {  	s24 =	simm.s32 $0x4900;
	[tilespmem:s25+$0x0] =	vst v19;
	s25 =	simm.s32 $0x2900  }
0x119: {  	[tilespmem:s24], [sflag:$0x1] =	stream.indirect.gather [hbm4b:s1+s12], $0x1, s25, s12, $0xb8;
	[tilespmem:$0x6980] =	vst v63  }
.LBB2_45:
0x11a: {  	p1 =	sne.s32 s23, $0x1  }
.Ltmp29:
0x11b: {  	_ = 	snop;
	(pc) =	sbr.rel @p1 .LBB2_45-.Ltmp29, $4  }
0x11c: {  	_ = 	snop  }
0x11d: {  	s24 =	sadd.s32 $0x80, s24;
	s25 =	sadd.s32 $0x80, s25  }
0x11e: {  	s23 =	sadd.s32 $0xFFFFFFFF, s23  }
0x11f: {  	[tilespmem:s24], [sflag:$0x1] =	stream.indirect.gather [hbm4b:s1+s12], $0x1, s25, s12, $0xb8;
	[tilespmem:$0x6980] =	vst v63  }
.LBB2_46:
.Ltmp30:
0x120: {  	(pc) =	sbr.rel @!p0 .LBB2_47-.Ltmp30, $4  }
0x121: {  	_ = 	snop  }
0x122: {  	s23 =	sshll.u32 s19, $0x7;
	s24 =	sshll.u32 s20, $0x7  }
0x123: {  	s25 =	sadd.s32 s24, s23;
	s24 =	simm.s32 $0x2680  }
0x124: {  	s26 =	simm.s32 $0x0;
	p1 =	por $0x0, $0x0;
	s23 =	sadd.s32 $0xFFFFFFFF, s18;
	v19 =	vld [tilespmem:s24+$0x0]  }
0x125: {  	_ = 	snop  }
0x126: {  	p3 =	sne.s32 s23, $0x1  }
.Ltmp31:
0x127: {  	s28 =	sadd.s32 $0x0, s25;
	(pc) =	sbr.rel @!p3 .LBB2_49-.Ltmp31, $4  }
0x128: {  	s29 =	sand.u32 $0x70, s26;
	s28 =	sand.u32 $0xFFFFFF80, s28  }
0x129: {  	s28 =	sor.u32 s29, s28;
	v19 =	vadd.s32 v8, v19  }
0x12a: {  	s29 =	simm.s32 $0x2690;
	[tilespmem:s28+$0x2900] =	vst v19  }
0x12b: {  	s30 =	sadd.s32 $0xFFFFFFFF, s23;
	p2 =	por $0x1, $0x1;
	s28 =	simm.s32 $0x0;
	v19 =	vld [tilespmem:s29+$0x0]  }
.LBB2_50:
0x12c: {  	p3 =	sne.s32 s30, $0x1  }
0x12d: {  	s28 =	sadd.s32 $0x10, s28  }
.Ltmp32:
0x12e: {  	s31 =	sadd.s32 s28, s25;
	(pc) =	sbr.rel @p3 .LBB2_50-.Ltmp32, $4  }
0x12f: {  	s0 =	sand.u32 $0x70, s28;
	s31 =	sand.u32 $0xFFFFFF80, s31  }
0x130: {  	s0 =	sor.u32 s0, s31;
	v19 =	vadd.s32 v8, v19  }
0x131: {  	s29 =	sadd.s32 $0x10, s29;
	[tilespmem:s0+$0x2900] =	vst v19  }
0x132: {  	s30 =	sadd.s32 $0xFFFFFFFF, s30;
	v19 =	vld [tilespmem:s29+$0x0]  }
.LBB2_51:
0x133: {  	s0 =	sadd.s32 @p2 $0x10, s28  }
0x134: {  	s26 =	smov.u32 @p2 s0  }
.Ltmp33:
0x135: {  	s0 =	sadd.s32 s26, s25;
	(pc) =	sbr.rel @!p0 .LBB2_52-.Ltmp33, $4  }
0x136: {  	s30 =	smul.u32 $0x240, s17;
	s29 =	sand.u32 $0x70, s26;
	s0 =	sand.u32 $0xFFFFFF80, s0  }
0x137: {  	v19 =	vadd.s32 v8, v19;
	s0 =	sor.u32 s29, s0  }
0x138: {  	s31 =	sshra.s32 s30, $0x2;
	[tilespmem:s0+$0x2900] =	vst v19  }
0x139: {  	s25 =	sadd.s32 $0x2900, s31;
	v19 =	vld [tilespmem:s24+$0x0]  }
0x13a: {  	_ = 	snop  }
0x13b: {  	p2 =	sne.s32 s23, $0x1  }
.Ltmp34:
0x13c: {  	_ = 	snop;
	(pc) =	sbr.rel @!p2 .LBB2_54-.Ltmp34, $4  }
0x13d: {  	_ = 	snop  }
0x13e: {  	v19 =	vadd.s32 v9, v19  }
0x13f: {  	s26 =	simm.s32 $0x2690;
	[tilespmem:s25+$0x0] =	vst v19  }
0x140: {  	s28 =	sadd.s32 $0xFFFFFFFF, s23;
	p1 =	por $0x1, $0x1;
	s24 =	smov.u32 s25;
	v19 =	vld [tilespmem:s26+$0x0]  }
.LBB2_55:
0x141: {  	p2 =	sne.s32 s28, $0x1;
	_ =	sdelay $0x1  }
.Ltmp35:
0x142: {  	(pc) =	sbr.rel @p2 .LBB2_55-.Ltmp35, $4  }
0x143: {  	_ = 	snop  }
0x144: {  	s24 =	sadd.s32 $0x10, s24;
	v19 =	vadd.s32 v9, v19  }
0x145: {  	s26 =	sadd.s32 $0x10, s26;
	[tilespmem:s24+$0x0] =	vst v19  }
0x146: {  	s28 =	sadd.s32 $0xFFFFFFFF, s28;
	v19 =	vld [tilespmem:s26+$0x0]  }
.LBB2_56:
0x147: {  	_ =	sdelay $0x1  }
.Ltmp36:
0x148: {  	_ = 	snop;
	(pc) =	sbr.rel @!p0 .LBB2_57-.Ltmp36, $4  }
0x149: {  	s0 =	sadd.s32 @p1 $0x10, s24;
	s30 =	smul.u32 $0x280, s17  }
0x14a: {  	s25 =	smov.u32 @p1 s0;
	v19 =	vadd.s32 v9, v19  }
0x14b: {  	s24 =	simm.s32 $0x2680;
	s31 =	sshra.s32 s30, $0x2;
	[tilespmem:s25+$0x0] =	vst v19  }
0x14c: {  	p1 =	por $0x0, $0x0;
	s25 =	sadd.s32 $0x2900, s31;
	v19 =	vld [tilespmem:s24+$0x0]  }
0x14d: {  	_ = 	snop  }
0x14e: {  	p3 =	sne.s32 s23, $0x1  }
.Ltmp37:
0x14f: {  	_ = 	snop;
	(pc) =	sbr.rel @!p3 .LBB2_59-.Ltmp37, $4  }
0x150: {  	_ = 	snop  }
0x151: {  	v19 =	vadd.s32 v10, v19  }
0x152: {  	s28 =	simm.s32 $0x2690;
	[tilespmem:s25+$0x0] =	vst v19  }
0x153: {  	s29 =	sadd.s32 $0xFFFFFFFF, s23;
	p2 =	por $0x1, $0x1;
	s26 =	smov.u32 s25;
	v19 =	vld [tilespmem:s28+$0x0]  }
.LBB2_60:
0x154: {  	p3 =	sne.s32 s29, $0x1;
	_ =	sdelay $0x1  }
.Ltmp38:
0x155: {  	(pc) =	sbr.rel @p3 .LBB2_60-.Ltmp38, $4  }
0x156: {  	_ = 	snop  }
0x157: {  	s26 =	sadd.s32 $0x10, s26;
	v19 =	vadd.s32 v10, v19  }
0x158: {  	s28 =	sadd.s32 $0x10, s28;
	[tilespmem:s26+$0x0] =	vst v19  }
0x159: {  	s29 =	sadd.s32 $0xFFFFFFFF, s29;
	v19 =	vld [tilespmem:s28+$0x0]  }
.LBB2_61:
0x15a: {  	_ =	sdelay $0x1  }
.Ltmp39:
0x15b: {  	_ = 	snop;
	(pc) =	sbr.rel @!p0 .LBB2_62-.Ltmp39, $4  }
0x15c: {  	s0 =	sadd.s32 @p2 $0x10, s26;
	s30 =	smul.u32 $0x2C0, s17  }
0x15d: {  	s25 =	smov.u32 @p2 s0;
	v19 =	vadd.s32 v10, v19  }
0x15e: {  	s31 =	sshra.s32 s30, $0x2;
	[tilespmem:s25+$0x0] =	vst v19  }
0x15f: {  	s25 =	sadd.s32 $0x2900, s31;
	v19 =	vld [tilespmem:s24+$0x0]  }
0x160: {  	_ = 	snop  }
0x161: {  	p2 =	sne.s32 s23, $0x1  }
.Ltmp40:
0x162: {  	_ = 	snop;
	(pc) =	sbr.rel @!p2 .LBB2_64-.Ltmp40, $4  }
0x163: {  	_ = 	snop  }
0x164: {  	v19 =	vadd.s32 v11, v19  }
0x165: {  	s26 =	simm.s32 $0x2690;
	[tilespmem:s25+$0x0] =	vst v19  }
0x166: {  	s28 =	sadd.s32 $0xFFFFFFFF, s23;
	p1 =	por $0x1, $0x1;
	s24 =	smov.u32 s25;
	v19 =	vld [tilespmem:s26+$0x0]  }
.LBB2_65:
0x167: {  	p2 =	sne.s32 s28, $0x1;
	_ =	sdelay $0x1  }
.Ltmp41:
0x168: {  	(pc) =	sbr.rel @p2 .LBB2_65-.Ltmp41, $4  }
0x169: {  	_ = 	snop  }
0x16a: {  	s24 =	sadd.s32 $0x10, s24;
	v19 =	vadd.s32 v11, v19  }
0x16b: {  	s26 =	sadd.s32 $0x10, s26;
	[tilespmem:s24+$0x0] =	vst v19  }
0x16c: {  	s28 =	sadd.s32 $0xFFFFFFFF, s28;
	v19 =	vld [tilespmem:s26+$0x0]  }
.LBB2_66:
0x16d: {  	_ =	sdelay $0x1  }
.Ltmp42:
0x16e: {  	_ = 	snop;
	(pc) =	sbr.rel @!p0 .LBB2_67-.Ltmp42, $4  }
0x16f: {  	s0 =	sadd.s32 @p1 $0x10, s24;
	s30 =	smul.u32 $0x300, s17  }
0x170: {  	s25 =	smov.u32 @p1 s0;
	v19 =	vadd.s32 v11, v19  }
0x171: {  	s24 =	simm.s32 $0x2680;
	s31 =	sshra.s32 s30, $0x2;
	[tilespmem:s25+$0x0] =	vst v19  }
0x172: {  	p1 =	por $0x0, $0x0;
	s25 =	sadd.s32 $0x2900, s31;
	v19 =	vld [tilespmem:s24+$0x0]  }
0x173: {  	_ = 	snop  }
0x174: {  	p3 =	sne.s32 s23, $0x1  }
.Ltmp43:
0x175: {  	_ = 	snop;
	(pc) =	sbr.rel @!p3 .LBB2_69-.Ltmp43, $4  }
0x176: {  	_ = 	snop  }
0x177: {  	v19 =	vadd.s32 v12, v19  }
0x178: {  	s28 =	simm.s32 $0x2690;
	[tilespmem:s25+$0x0] =	vst v19  }
0x179: {  	s29 =	sadd.s32 $0xFFFFFFFF, s23;
	p2 =	por $0x1, $0x1;
	s26 =	smov.u32 s25;
	v19 =	vld [tilespmem:s28+$0x0]  }
.LBB2_70:
0x17a: {  	p3 =	sne.s32 s29, $0x1;
	_ =	sdelay $0x1  }
.Ltmp44:
0x17b: {  	(pc) =	sbr.rel @p3 .LBB2_70-.Ltmp44, $4  }
0x17c: {  	_ = 	snop  }
0x17d: {  	s26 =	sadd.s32 $0x10, s26;
	v19 =	vadd.s32 v12, v19  }
0x17e: {  	s28 =	sadd.s32 $0x10, s28;
	[tilespmem:s26+$0x0] =	vst v19  }
0x17f: {  	s29 =	sadd.s32 $0xFFFFFFFF, s29;
	v19 =	vld [tilespmem:s28+$0x0]  }
.LBB2_71:
0x180: {  	_ =	sdelay $0x1  }
.Ltmp45:
0x181: {  	_ = 	snop;
	(pc) =	sbr.rel @!p0 .LBB2_72-.Ltmp45, $4  }
0x182: {  	s0 =	sadd.s32 @p2 $0x10, s26;
	s30 =	smul.u32 $0x340, s17  }
0x183: {  	s25 =	smov.u32 @p2 s0;
	v19 =	vadd.s32 v12, v19  }
0x184: {  	s31 =	sshra.s32 s30, $0x2;
	[tilespmem:s25+$0x0] =	vst v19  }
0x185: {  	s25 =	sadd.s32 $0x2900, s31;
	v19 =	vld [tilespmem:s24+$0x0]  }
0x186: {  	_ = 	snop  }
0x187: {  	p2 =	sne.s32 s23, $0x1  }
.Ltmp46:
0x188: {  	_ = 	snop;
	(pc) =	sbr.rel @!p2 .LBB2_74-.Ltmp46, $4  }
0x189: {  	_ = 	snop  }
0x18a: {  	v19 =	vadd.s32 v13, v19  }
0x18b: {  	s26 =	simm.s32 $0x2690;
	[tilespmem:s25+$0x0] =	vst v19  }
0x18c: {  	s28 =	sadd.s32 $0xFFFFFFFF, s23;
	p1 =	por $0x1, $0x1;
	s24 =	smov.u32 s25;
	v19 =	vld [tilespmem:s26+$0x0]  }
.LBB2_75:
0x18d: {  	p2 =	sne.s32 s28, $0x1;
	_ =	sdelay $0x1  }
.Ltmp47:
0x18e: {  	(pc) =	sbr.rel @p2 .LBB2_75-.Ltmp47, $4  }
0x18f: {  	_ = 	snop  }
0x190: {  	s24 =	sadd.s32 $0x10, s24;
	v19 =	vadd.s32 v13, v19  }
0x191: {  	s26 =	sadd.s32 $0x10, s26;
	[tilespmem:s24+$0x0] =	vst v19  }
0x192: {  	s28 =	sadd.s32 $0xFFFFFFFF, s28;
	v19 =	vld [tilespmem:s26+$0x0]  }
.LBB2_76:
0x193: {  	_ =	sdelay $0x1  }
.Ltmp48:
0x194: {  	_ = 	snop;
	(pc) =	sbr.rel @!p0 .LBB2_77-.Ltmp48, $4  }
0x195: {  	s0 =	sadd.s32 @p1 $0x10, s24;
	s30 =	smul.u32 $0x380, s17  }
0x196: {  	s25 =	smov.u32 @p1 s0;
	v19 =	vadd.s32 v13, v19  }
0x197: {  	s24 =	simm.s32 $0x2680;
	s31 =	sshra.s32 s30, $0x2;
	[tilespmem:s25+$0x0] =	vst v19  }
0x198: {  	p1 =	por $0x0, $0x0;
	s25 =	sadd.s32 $0x2900, s31;
	v19 =	vld [tilespmem:s24+$0x0]  }
0x199: {  	_ = 	snop  }
0x19a: {  	p3 =	sne.s32 s23, $0x1  }
.Ltmp49:
0x19b: {  	_ = 	snop;
	(pc) =	sbr.rel @!p3 .LBB2_79-.Ltmp49, $4  }
0x19c: {  	_ = 	snop  }
0x19d: {  	v19 =	vadd.s32 v14, v19  }
0x19e: {  	s28 =	simm.s32 $0x2690;
	[tilespmem:s25+$0x0] =	vst v19  }
0x19f: {  	s29 =	sadd.s32 $0xFFFFFFFF, s23;
	p2 =	por $0x1, $0x1;
	s26 =	smov.u32 s25;
	v19 =	vld [tilespmem:s28+$0x0]  }
.LBB2_80:
0x1a0: {  	p3 =	sne.s32 s29, $0x1;
	_ =	sdelay $0x1  }
.Ltmp50:
0x1a1: {  	(pc) =	sbr.rel @p3 .LBB2_80-.Ltmp50, $4  }
0x1a2: {  	_ = 	snop  }
0x1a3: {  	s26 =	sadd.s32 $0x10, s26;
	v19 =	vadd.s32 v14, v19  }
0x1a4: {  	s28 =	sadd.s32 $0x10, s28;
	[tilespmem:s26+$0x0] =	vst v19  }
0x1a5: {  	s29 =	sadd.s32 $0xFFFFFFFF, s29;
	v19 =	vld [tilespmem:s28+$0x0]  }
.LBB2_81:
0x1a6: {  	_ =	sdelay $0x1  }
.Ltmp51:
0x1a7: {  	_ = 	snop;
	(pc) =	sbr.rel @!p0 .LBB2_82-.Ltmp51, $4  }
0x1a8: {  	s0 =	sadd.s32 @p2 $0x10, s26;
	s30 =	smul.u32 $0x3C0, s17  }
0x1a9: {  	s25 =	smov.u32 @p2 s0;
	v19 =	vadd.s32 v14, v19  }
0x1aa: {  	s31 =	sshra.s32 s30, $0x2;
	[tilespmem:s25+$0x0] =	vst v19  }
0x1ab: {  	s25 =	sadd.s32 $0x2900, s31;
	v19 =	vld [tilespmem:s24+$0x0]  }
0x1ac: {  	_ = 	snop  }
0x1ad: {  	p0 =	sne.s32 s23, $0x1  }
.Ltmp52:
0x1ae: {  	_ = 	snop;
	(pc) =	sbr.rel @!p0 .LBB2_84-.Ltmp52, $4  }
0x1af: {  	_ = 	snop  }
0x1b0: {  	v19 =	vadd.s32 v15, v19  }
0x1b1: {  	s26 =	simm.s32 $0x2690;
	[tilespmem:s25+$0x0] =	vst v19  }
0x1b2: {  	s28 =	sadd.s32 $0xFFFFFFFF, s23;
	p1 =	por $0x1, $0x1;
	s24 =	smov.u32 s25;
	v19 =	vld [tilespmem:s26+$0x0]  }
.LBB2_85:
0x1b3: {  	p0 =	sne.s32 s28, $0x1;
	_ =	sdelay $0x1  }
.Ltmp53:
0x1b4: {  	(pc) =	sbr.rel @p0 .LBB2_85-.Ltmp53, $4  }
0x1b5: {  	_ = 	snop  }
0x1b6: {  	s24 =	sadd.s32 $0x10, s24;
	v19 =	vadd.s32 v15, v19  }
0x1b7: {  	s26 =	sadd.s32 $0x10, s26;
	[tilespmem:s24+$0x0] =	vst v19  }
0x1b8: {  	s28 =	sadd.s32 $0xFFFFFFFF, s28;
	v19 =	vld [tilespmem:s26+$0x0]  }
.LBB2_86:
0x1b9: {  	_ = 	snop  }
0x1ba: {  	p0 =	seq.s32 s18, $0x1  }
.Ltmp54:
0x1bb: {  	_ = 	snop;
	(pc) =	sbr.rel @p0 .LBB2_88-.Ltmp54, $4  }
0x1bc: {  	s0 =	sadd.s32 @p1 $0x10, s24;
	s30 =	sshll.u32 s17, $0x9  }
0x1bd: {  	s25 =	smov.u32 @p1 s0;
	s31 =	sshra.s32 s30, $0x2;
	v19 =	vadd.s32 v15, v19  }
0x1be: {  	s24 =	sadd.s32 $0x4900, s31;
	[tilespmem:s25+$0x0] =	vst v19;
	s25 =	sadd.s32 $0x2900, s31  }
0x1bf: {  	[tilespmem:s24], [sflag:$0x2] =	stream.indirect.gather [hbm4b:s1+s12], $0x1, s25, s12, $0xb8;
	[tilespmem:$0x6980] =	vst v63  }
.LBB2_87:
0x1c0: {  	p0 =	seq.s32 s23, $0x1  }
.Ltmp55:
0x1c1: {  	_ = 	snop;
	(pc) =	sbr.rel @!p0 .LBB2_87-.Ltmp55, $4  }
0x1c2: {  	_ = 	snop  }
0x1c3: {  	s24 =	sadd.s32 $0x80, s24;
	s25 =	sadd.s32 $0x80, s25  }
0x1c4: {  	s23 =	sadd.s32 $0xFFFFFFFF, s23  }
0x1c5: {  	[tilespmem:s24], [sflag:$0x2] =	stream.indirect.gather [hbm4b:s1+s12], $0x1, s25, s12, $0xb8;
	[tilespmem:$0x6980] =	vst v63  }
.LBB2_88:
0x1c6: {  	v19 =	vld [tilespmem:$0x200]  }
0x1c7: {  	v20 =	vld [tilespmem:$0x210]  }
0x1c8: {  	v21 =	vld [tilespmem:$0x220]  }
0x1c9: {  	v22 =	vld [tilespmem:$0x230]  }
0x1ca: {  	v23 =	vld [tilespmem:$0x240]  }
0x1cb: {  	v24 =	vld [tilespmem:$0x250]  }
0x1cc: {  	v25 =	vld [tilespmem:$0x260]  }
0x1cd: {  	v26 =	vld [tilespmem:$0x270]  }
0x1ce: {  	v27 =	vld [tilespmem:$0x280]  }
0x1cf: {  	v28 =	vld [tilespmem:$0x290]  }
0x1d0: {  	v29 =	vld [tilespmem:$0x2A0]  }
0x1d1: {  	v30 =	vld [tilespmem:$0x2B0]  }
0x1d2: {  	v31 =	vld [tilespmem:$0x2C0]  }
0x1d3: {  	v32 =	vld [tilespmem:$0x2D0]  }
0x1d4: {  	v33 =	vld [tilespmem:$0x2E0]  }
0x1d5: {  	v34 =	vld [tilespmem:$0x2F0]  }
0x1d6: {  	v35 =	vld [tilespmem:$0x300]  }
0x1d7: {  	v36 =	vld [tilespmem:$0x310]  }
0x1d8: {  	v37 =	vld [tilespmem:$0x320]  }
0x1d9: {  	v38 =	vld [tilespmem:$0x330]  }
0x1da: {  	v39 =	vld [tilespmem:$0x340]  }
0x1db: {  	v40 =	vld [tilespmem:$0x350]  }
0x1dc: {  	v41 =	vld [tilespmem:$0x360]  }
0x1dd: {  	v42 =	vld [tilespmem:$0x370]  }
0x1de: {  	v43 =	vld [tilespmem:$0x380]  }
0x1df: {  	v44 =	vld [tilespmem:$0x390]  }
0x1e0: {  	v45 =	vld [tilespmem:$0x3A0];
	p0 =	sgt.s32 s18, $0x0  }
.Ltmp56:
0x1e1: {  	v46 =	vld [tilespmem:$0x3B0];
	(pc) =	sbr.rel @!p0 .LBB2_89-.Ltmp56, $4  }
0x1e2: {  	v47 =	vld [tilespmem:$0x3C0]  }
0x1e3: {  	v48 =	vld [tilespmem:$0x3D0]  }
0x1e4: {  	v49 =	vld [tilespmem:$0x3E0]  }
0x1e5: {  	v50 =	vld [tilespmem:$0x3F0];
	s23 =	smov.u32 s18  }
.LBB2_90:
0x1e6: {  	p0 =	seq.s32 s23, $0x1  }
.Ltmp57:
0x1e7: {  	_ = 	snop;
	(pc) =	sbr.rel @!p0 .LBB2_90-.Ltmp57, $4  }
0x1e8: {  	_ = 	snop  }
0x1e9: {  	_ =	swait.ge [sflag:s11], $0x80  }
0x1ea: {  	[sflag:s11] =	ssyncset.done $0x0  }
0x1eb: {  	s23 =	sadd.s32 $0xFFFFFFFF, s23;
	[sflag:s11] =	ssyncadd.s32 $0xFFFFFF80  }
0x1ec: {  	p0 =	seq.s32 s18, $0x1  }
.Ltmp58:
0x1ed: {  	_ = 	snop;
	(pc) =	sbr.rel @p0 .LBB2_92-.Ltmp58, $3  }
0x1ee: {  	_ =	sdelay $0x1  }
0x1ef: {  	s24 =	simm.s32 $0x4900;
	s23 =	simm.s32 $0x2400  }
0x1f0: {  	v51 =	vimm.f32 $0.0e+00;
	p1 =	por $0x0, $0x0;
	p2 =	por $0x0, $0x0;
	v56 =	vld [tilespmem:s23+$0x0];
	s23 =	sadd.s32 $0xFFFFFFFF, s18  }
0x1f1: {  	s0 =	simm.s32 $0x2410  }
0x1f2: {  	v53 =	vld [tilespmem:s0+$0x0];
	_ =	sdelay $0x1  }
0x1f3: {  	p3 =	seq.s32 s23, $0x1  }
.Ltmp59:
0x1f4: {  	_ = 	snop;
	(pc) =	sbr.rel @p3 .LBB2_94-.Ltmp59, $3  }
0x1f5: {  	_ =	sdelay $0x1  }
0x1f6: {  	v52 =	vld [tilespmem:s24+$0x0]  }
0x1f7: {  	s28 =	sadd.s32 $0xFFFFFFFF, s23;
	p1 =	por $0x1, $0x1;
	v54 =	vld.idx.msk [tilespmem:v56+s13+$0x0], $0xffff  }
0x1f8: {  	_ =	sdelay $0x3  }
0x1f9: {  	v55 =	vld.idx.msk [tilespmem:v56+s10+$0x0], $0xffff;
	_ =	sdelay $0x1  }
0x1fa: {  	p3 =	seq.s32 s28, $0x1  }
.Ltmp60:
0x1fb: {  	v54 =	vmul.f32 v54, v52;
	(pc) =	sbr.rel @p3 .LBB2_96-.Ltmp60, $4  }
0x1fc: {  	s26 =	simm.s32 $0x2420  }
0x1fd: {  	s25 =	simm.s32 $0x4910;
	v58 =	vld [tilespmem:s26+$0x0];
	v55 =	vsub.f32 v54, v55  }
0x1fe: {  	v52 =	vld [tilespmem:s25+$0x0]  }
0x1ff: {  	s28 =	sadd.s32 $0xFFFFFFFF, s28;
	p2 =	por $0x1, $0x1;
	v54 =	vld.idx.msk [tilespmem:v53+s13+$0x0], $0xffff;
	v57 =	vand.u32 $0x7FFFFFFF, v55;
	v55 =	vimm.f32 $0.0e+00  }
.LBB2_97:
0x200: {  	p3 =	seq.s32 s28, $0x1;
	v56 =	vld.idx.msk [tilespmem:v53+s10+$0x0], $0xffff;
	v55 =	vadd.f32 v57, v55;
	_ =	sdelay $0x3  }
.Ltmp61:
0x201: {  	v54 =	vmul.f32 v54, v52;
	v53 =	vmov v58;
	(pc) =	sbr.rel @!p3 .LBB2_97-.Ltmp61, $4  }
0x202: {  	s25 =	sadd.s32 $0x10, s25  }
0x203: {  	v56 =	vsub.f32 v54, v56;
	v52 =	vld [tilespmem:s25+$0x0]  }
0x204: {  	s26 =	sadd.s32 $0x10, s26;
	v54 =	vld.idx.msk [tilespmem:v58+s13+$0x0], $0xffff  }
0x205: {  	s28 =	sadd.s32 $0xFFFFFFFF, s28;
	v57 =	vand.u32 $0x7FFFFFFF, v56;
	v58 =	vld [tilespmem:s26+$0x0]  }
0x206: {  	_ =	sdelay $0x3  }
0x207: {  	v56 =	vmov v53;
	v53 =	vmov v58  }
.LBB2_99:
0x208: {  	_ =	sdelay $0x3  }
0x209: {  	s0 =	sadd.s32 @p1 $0x10, s25;
	v56 =	vld.idx.msk @p1 [tilespmem:v56+s10+$0x0], $0xffff  }
0x20a: {  	v59 =	vld.idx.msk [tilespmem:v53+s13+$0x0], $0xffff;
	s24 =	smov.u32 @p1 s0  }
0x20b: {  	v58 =	vld [tilespmem:s24+$0x0]  }
0x20c: {  	v52 =	vmul.f32 @p1 v54, v52  }
0x20d: {  	v61 =	vld.idx.msk [tilespmem:v53+s10+$0x0], $0xffff  }
0x20e: {  	v52 =	vsub.f32 @p1 v52, v56  }
0x20f: {  	v54 =	vadd.f32 @p2 v57, v55  }
0x210: {  	v52 =	vand.u32 @p1 $0x7FFFFFFF, v52;
	v62 =	vmul.f32 v59, v58  }
.Ltmp62:
0x211: {  	v54 =	vpsel p2, v54, v51;
	v52 =	vpsel p1, v52, v0;
	(pc) =	sbr.rel @p0 .LBB2_100-.Ltmp62, $3  }
0x212: {  	v52 =	vadd.f32 @p1 v52, v54;
	v53 =	vsub.f32 v62, v61;
	_ =	sdelay $0x1  }
0x213: {  	s31 =	simm.s32 $0x2400;
	v53 =	vand.u32 $0x7FFFFFFF, v53;
	v63 =	vpsel p1, v52, v51  }
0x214: {  	s22 =	sadd.s32 $0x4900, s22;
	p2 =	por $0x0, $0x0;
	v52 =	vld [tilespmem:s31+$0x0];
	p1 =	por $0x0, $0x0;
	v51 =	vadd.f32 v53, v63  }
0x215: {  	_ =	sdelay $0x3  }
0x216: {  	p3 =	seq.s32 s23, $0x1  }
.Ltmp63:
0x217: {  	_ = 	snop;
	(pc) =	sbr.rel @p3 .LBB2_102-.Ltmp63, $4  }
0x218: {  	_ = 	snop  }
0x219: {  	v53 =	vld [tilespmem:s22+$0x0]  }
0x21a: {  	s0 =	simm.s32 $0x2410;
	v55 =	vld.idx.msk [tilespmem:v52+s13+$0x0], $0xffff  }
0x21b: {  	s26 =	sadd.s32 $0xFFFFFFFF, s23;
	p1 =	por $0x1, $0x1;
	v54 =	vadd.s32 $0x200, v52;
	v52 =	vld [tilespmem:s0+$0x0]  }
0x21c: {  	_ =	sdelay $0x3  }
0x21d: {  	v54 =	vld.idx.msk [tilespmem:v54+s10+$0x0], $0xffff;
	_ =	sdelay $0x2  }
0x21e: {  	v55 =	vmul.f32 v55, v53  }
0x21f: {  	p3 =	seq.s32 s26, $0x1  }
.Ltmp64:
0x220: {  	v56 =	vsub.f32 v55, v54;
	v54 =	vadd.s32 $0x200, v52;
	(pc) =	sbr.rel @p3 .LBB2_104-.Ltmp64, $4  }
0x221: {  	s24 =	sadd.s32 $0x10, s22  }
0x222: {  	v53 =	vld [tilespmem:s24+$0x0]  }
0x223: {  	s25 =	simm.s32 $0x2420;
	v55 =	vld.idx.msk [tilespmem:v52+s13+$0x0], $0xffff  }
0x224: {  	s26 =	sadd.s32 $0xFFFFFFFF, s26;
	p2 =	por $0x1, $0x1;
	v52 =	vld [tilespmem:s25+$0x0];
	v57 =	vand.u32 $0x7FFFFFFF, v56;
	v56 =	vmov v51  }
.LBB2_105:
0x225: {  	p3 =	seq.s32 s26, $0x1;
	v58 =	vld.idx.msk [tilespmem:v54+s10+$0x0], $0xffff;
	v56 =	vadd.f32 v57, v56;
	_ =	sdelay $0x3  }
.Ltmp65:
0x226: {  	v55 =	vmul.f32 v55, v53;
	v54 =	vadd.s32 $0x200, v52;
	(pc) =	sbr.rel @!p3 .LBB2_105-.Ltmp65, $4  }
0x227: {  	s24 =	sadd.s32 $0x10, s24  }
0x228: {  	v57 =	vsub.f32 v55, v58;
	v53 =	vld [tilespmem:s24+$0x0]  }
0x229: {  	s25 =	sadd.s32 $0x10, s25;
	v55 =	vld.idx.msk [tilespmem:v52+s13+$0x0], $0xffff  }
0x22a: {  	s26 =	sadd.s32 $0xFFFFFFFF, s26;
	v57 =	vand.u32 $0x7FFFFFFF, v57;
	v52 =	vld [tilespmem:s25+$0x0]  }
.LBB2_106:
0x22b: {  	_ =	sdelay $0x4  }
0x22c: {  	s0 =	sadd.s32 @p1 $0x10, s24;
	v58 =	vadd.s32 $0x200, v52  }
0x22d: {  	v54 =	vld.idx.msk @p1 [tilespmem:v54+s10+$0x0], $0xffff;
	s22 =	smov.u32 @p1 s0  }
0x22e: {  	v59 =	vld [tilespmem:s22+$0x0]  }
0x22f: {  	v61 =	vld.idx.msk [tilespmem:v52+s13+$0x0], $0xffff  }
0x230: {  	v53 =	vmul.f32 @p1 v55, v53  }
0x231: {  	v62 =	vld.idx.msk [tilespmem:v58+s10+$0x0], $0xffff  }
0x232: {  	v53 =	vsub.f32 @p1 v53, v54  }
0x233: {  	v54 =	vadd.f32 @p2 v57, v56  }
0x234: {  	v53 =	vand.u32 @p1 $0x7FFFFFFF, v53;
	v52 =	vmul.f32 v61, v59  }
.Ltmp66:
0x235: {  	v54 =	vpsel p2, v54, v51;
	v53 =	vpsel p1, v53, v0;
	(pc) =	sbr.rel @p0 .LBB2_107-.Ltmp66, $3  }
0x236: {  	v53 =	vadd.f32 @p1 v53, v54;
	v52 =	vsub.f32 v52, v62;
	_ =	sdelay $0x1  }
0x237: {  	s30 =	sshra.s32 s21, $0x2;
	s31 =	simm.s32 $0x2400;
	v63 =	vpsel p1, v53, v51;
	v52 =	vand.u32 $0x7FFFFFFF, v52  }
0x238: {  	s21 =	sadd.s32 $0x4900, s30;
	p2 =	por $0x0, $0x0;
	p1 =	por $0x0, $0x0;
	v51 =	vadd.f32 v52, v63;
	v52 =	vld [tilespmem:s31+$0x0]  }
0x239: {  	_ =	sdelay $0x3  }
0x23a: {  	p3 =	seq.s32 s23, $0x1  }
.Ltmp67:
0x23b: {  	_ = 	snop;
	(pc) =	sbr.rel @p3 .LBB2_109-.Ltmp67, $4  }
0x23c: {  	_ = 	snop  }
0x23d: {  	v53 =	vld [tilespmem:s21+$0x0]  }
0x23e: {  	s0 =	simm.s32 $0x2410;
	v55 =	vld.idx.msk [tilespmem:v52+s13+$0x0], $0xffff  }
0x23f: {  	s25 =	sadd.s32 $0xFFFFFFFF, s23;
	p1 =	por $0x1, $0x1;
	v54 =	vadd.s32 $0x400, v52;
	v52 =	vld [tilespmem:s0+$0x0]  }
0x240: {  	_ =	sdelay $0x3  }
0x241: {  	v54 =	vld.idx.msk [tilespmem:v54+s10+$0x0], $0xffff;
	_ =	sdelay $0x2  }
0x242: {  	v55 =	vmul.f32 v55, v53  }
0x243: {  	p3 =	seq.s32 s25, $0x1  }
.Ltmp68:
0x244: {  	v56 =	vsub.f32 v55, v54;
	v54 =	vadd.s32 $0x400, v52;
	(pc) =	sbr.rel @p3 .LBB2_111-.Ltmp68, $4  }
0x245: {  	s22 =	sadd.s32 $0x10, s21  }
0x246: {  	v53 =	vld [tilespmem:s22+$0x0]  }
0x247: {  	s24 =	simm.s32 $0x2420;
	v55 =	vld.idx.msk [tilespmem:v52+s13+$0x0], $0xffff  }
0x248: {  	s25 =	sadd.s32 $0xFFFFFFFF, s25;
	p2 =	por $0x1, $0x1;
	v52 =	vld [tilespmem:s24+$0x0];
	v57 =	vand.u32 $0x7FFFFFFF, v56;
	v56 =	vmov v51  }
.LBB2_112:
0x249: {  	p3 =	seq.s32 s25, $0x1;
	v58 =	vld.idx.msk [tilespmem:v54+s10+$0x0], $0xffff;
	v56 =	vadd.f32 v57, v56;
	_ =	sdelay $0x3  }
.Ltmp69:
0x24a: {  	v55 =	vmul.f32 v55, v53;
	v54 =	vadd.s32 $0x400, v52;
	(pc) =	sbr.rel @!p3 .LBB2_112-.Ltmp69, $4  }
0x24b: {  	s22 =	sadd.s32 $0x10, s22  }
0x24c: {  	v57 =	vsub.f32 v55, v58;
	v53 =	vld [tilespmem:s22+$0x0]  }
0x24d: {  	s24 =	sadd.s32 $0x10, s24;
	v55 =	vld.idx.msk [tilespmem:v52+s13+$0x0], $0xffff  }
0x24e: {  	s25 =	sadd.s32 $0xFFFFFFFF, s25;
	v57 =	vand.u32 $0x7FFFFFFF, v57;
	v52 =	vld [tilespmem:s24+$0x0]  }
.LBB2_113:
0x24f: {  	_ =	sdelay $0x4  }
0x250: {  	s0 =	sadd.s32 @p1 $0x10, s22;
	v58 =	vadd.s32 $0x400, v52  }
0x251: {  	v54 =	vld.idx.msk @p1 [tilespmem:v54+s10+$0x0], $0xffff;
	s21 =	smov.u32 @p1 s0  }
0x252: {  	v59 =	vld [tilespmem:s21+$0x0]  }
0x253: {  	v61 =	vld.idx.msk [tilespmem:v52+s13+$0x0], $0xffff  }
0x254: {  	v53 =	vmul.f32 @p1 v55, v53  }
0x255: {  	v62 =	vld.idx.msk [tilespmem:v58+s10+$0x0], $0xffff  }
0x256: {  	v53 =	vsub.f32 @p1 v53, v54  }
0x257: {  	v54 =	vadd.f32 @p2 v57, v56  }
0x258: {  	v53 =	vand.u32 @p1 $0x7FFFFFFF, v53;
	v52 =	vmul.f32 v61, v59  }
.Ltmp70:
0x259: {  	v54 =	vpsel p2, v54, v51;
	v53 =	vpsel p1, v53, v0;
	(pc) =	sbr.rel @p0 .LBB2_114-.Ltmp70, $3  }
0x25a: {  	s30 =	smul.u32 $0xC0, s17;
	v53 =	vadd.f32 @p1 v53, v54;
	v52 =	vsub.f32 v52, v62;
	_ =	sdelay $0x1  }
0x25b: {  	s31 =	simm.s32 $0x2400;
	s0 =	sshra.s32 s30, $0x2;
	v63 =	vpsel p1, v53, v51;
	v52 =	vand.u32 $0x7FFFFFFF, v52  }
0x25c: {  	s21 =	sadd.s32 $0x4900, s0;
	p2 =	por $0x0, $0x0;
	p1 =	por $0x0, $0x0;
	v51 =	vadd.f32 v52, v63;
	v52 =	vld [tilespmem:s31+$0x0]  }
0x25d: {  	_ =	sdelay $0x3  }
0x25e: {  	p3 =	seq.s32 s23, $0x1  }
.Ltmp71:
0x25f: {  	_ = 	snop;
	(pc) =	sbr.rel @p3 .LBB2_116-.Ltmp71, $4  }
0x260: {  	_ = 	snop  }
0x261: {  	v53 =	vld [tilespmem:s21+$0x0]  }
0x262: {  	s0 =	simm.s32 $0x2410;
	v55 =	vld.idx.msk [tilespmem:v52+s13+$0x0], $0xffff  }
0x263: {  	s25 =	sadd.s32 $0xFFFFFFFF, s23;
	p1 =	por $0x1, $0x1;
	v54 =	vadd.s32 $0x600, v52;
	v52 =	vld [tilespmem:s0+$0x0]  }
0x264: {  	_ =	sdelay $0x3  }
0x265: {  	v54 =	vld.idx.msk [tilespmem:v54+s10+$0x0], $0xffff;
	_ =	sdelay $0x2  }
0x266: {  	v55 =	vmul.f32 v55, v53  }
0x267: {  	p3 =	seq.s32 s25, $0x1  }
.Ltmp72:
0x268: {  	v56 =	vsub.f32 v55, v54;
	v54 =	vadd.s32 $0x600, v52;
	(pc) =	sbr.rel @p3 .LBB2_118-.Ltmp72, $4  }
0x269: {  	s22 =	sadd.s32 $0x10, s21  }
0x26a: {  	v53 =	vld [tilespmem:s22+$0x0]  }
0x26b: {  	s24 =	simm.s32 $0x2420;
	v55 =	vld.idx.msk [tilespmem:v52+s13+$0x0], $0xffff  }
0x26c: {  	s25 =	sadd.s32 $0xFFFFFFFF, s25;
	p2 =	por $0x1, $0x1;
	v52 =	vld [tilespmem:s24+$0x0];
	v57 =	vand.u32 $0x7FFFFFFF, v56;
	v56 =	vmov v51  }
.LBB2_119:
0x26d: {  	p3 =	seq.s32 s25, $0x1;
	v58 =	vld.idx.msk [tilespmem:v54+s10+$0x0], $0xffff;
	v56 =	vadd.f32 v57, v56;
	_ =	sdelay $0x3  }
.Ltmp73:
0x26e: {  	v55 =	vmul.f32 v55, v53;
	v54 =	vadd.s32 $0x600, v52;
	(pc) =	sbr.rel @!p3 .LBB2_119-.Ltmp73, $4  }
0x26f: {  	s22 =	sadd.s32 $0x10, s22  }
0x270: {  	v57 =	vsub.f32 v55, v58;
	v53 =	vld [tilespmem:s22+$0x0]  }
0x271: {  	s24 =	sadd.s32 $0x10, s24;
	v55 =	vld.idx.msk [tilespmem:v52+s13+$0x0], $0xffff  }
0x272: {  	s25 =	sadd.s32 $0xFFFFFFFF, s25;
	v57 =	vand.u32 $0x7FFFFFFF, v57;
	v52 =	vld [tilespmem:s24+$0x0]  }
.LBB2_120:
0x273: {  	_ =	sdelay $0x4  }
0x274: {  	s0 =	sadd.s32 @p1 $0x10, s22;
	v58 =	vadd.s32 $0x600, v52  }
0x275: {  	v54 =	vld.idx.msk @p1 [tilespmem:v54+s10+$0x0], $0xffff;
	s21 =	smov.u32 @p1 s0  }
0x276: {  	v59 =	vld [tilespmem:s21+$0x0]  }
0x277: {  	v61 =	vld.idx.msk [tilespmem:v52+s13+$0x0], $0xffff  }
0x278: {  	v53 =	vmul.f32 @p1 v55, v53  }
0x279: {  	v62 =	vld.idx.msk [tilespmem:v58+s10+$0x0], $0xffff  }
0x27a: {  	v53 =	vsub.f32 @p1 v53, v54  }
0x27b: {  	v54 =	vadd.f32 @p2 v57, v56  }
0x27c: {  	v53 =	vand.u32 @p1 $0x7FFFFFFF, v53;
	v52 =	vmul.f32 v61, v59  }
.Ltmp74:
0x27d: {  	v54 =	vpsel p2, v54, v51;
	v53 =	vpsel p1, v53, v0;
	(pc) =	sbr.rel @p0 .LBB2_121-.Ltmp74, $4  }
0x27e: {  	v53 =	vadd.f32 @p1 v53, v54;
	v52 =	vsub.f32 v52, v62  }
0x27f: {  	s30 =	sshll.u32 s17, $0x8  }
0x280: {  	s31 =	simm.s32 $0x2400;
	s0 =	sshra.s32 s30, $0x2;
	v63 =	vpsel p1, v53, v51;
	v52 =	vand.u32 $0x7FFFFFFF, v52  }
0x281: {  	s21 =	sadd.s32 $0x4900, s0;
	p2 =	por $0x0, $0x0;
	p1 =	por $0x0, $0x0;
	v51 =	vadd.f32 v52, v63;
	v52 =	vld [tilespmem:s31+$0x0]  }
0x282: {  	_ =	sdelay $0x3  }
0x283: {  	p3 =	seq.s32 s23, $0x1  }
.Ltmp75:
0x284: {  	_ = 	snop;
	(pc) =	sbr.rel @p3 .LBB2_123-.Ltmp75, $4  }
0x285: {  	_ = 	snop  }
0x286: {  	v53 =	vld [tilespmem:s21+$0x0]  }
0x287: {  	s0 =	simm.s32 $0x2410;
	v55 =	vld.idx.msk [tilespmem:v52+s13+$0x0], $0xffff  }
0x288: {  	s25 =	sadd.s32 $0xFFFFFFFF, s23;
	p1 =	por $0x1, $0x1;
	v54 =	vadd.s32 $0x800, v52;
	v52 =	vld [tilespmem:s0+$0x0]  }
0x289: {  	_ =	sdelay $0x3  }
0x28a: {  	v54 =	vld.idx.msk [tilespmem:v54+s10+$0x0], $0xffff;
	_ =	sdelay $0x2  }
0x28b: {  	v55 =	vmul.f32 v55, v53  }
0x28c: {  	p3 =	seq.s32 s25, $0x1  }
.Ltmp76:
0x28d: {  	v56 =	vsub.f32 v55, v54;
	v54 =	vadd.s32 $0x800, v52;
	(pc) =	sbr.rel @p3 .LBB2_125-.Ltmp76, $4  }
0x28e: {  	s22 =	sadd.s32 $0x10, s21  }
0x28f: {  	v53 =	vld [tilespmem:s22+$0x0]  }
0x290: {  	s24 =	simm.s32 $0x2420;
	v55 =	vld.idx.msk [tilespmem:v52+s13+$0x0], $0xffff  }
0x291: {  	s25 =	sadd.s32 $0xFFFFFFFF, s25;
	p2 =	por $0x1, $0x1;
	v52 =	vld [tilespmem:s24+$0x0];
	v57 =	vand.u32 $0x7FFFFFFF, v56;
	v56 =	vmov v51  }
.LBB2_126:
0x292: {  	p3 =	seq.s32 s25, $0x1;
	v58 =	vld.idx.msk [tilespmem:v54+s10+$0x0], $0xffff;
	v56 =	vadd.f32 v57, v56;
	_ =	sdelay $0x3  }
.Ltmp77:
0x293: {  	v55 =	vmul.f32 v55, v53;
	v54 =	vadd.s32 $0x800, v52;
	(pc) =	sbr.rel @!p3 .LBB2_126-.Ltmp77, $4  }
0x294: {  	s22 =	sadd.s32 $0x10, s22  }
0x295: {  	v57 =	vsub.f32 v55, v58;
	v53 =	vld [tilespmem:s22+$0x0]  }
0x296: {  	s24 =	sadd.s32 $0x10, s24;
	v55 =	vld.idx.msk [tilespmem:v52+s13+$0x0], $0xffff  }
0x297: {  	s25 =	sadd.s32 $0xFFFFFFFF, s25;
	v57 =	vand.u32 $0x7FFFFFFF, v57;
	v52 =	vld [tilespmem:s24+$0x0]  }
.LBB2_127:
0x298: {  	_ =	sdelay $0x4  }
0x299: {  	s0 =	sadd.s32 @p1 $0x10, s22;
	v58 =	vadd.s32 $0x800, v52  }
0x29a: {  	v54 =	vld.idx.msk @p1 [tilespmem:v54+s10+$0x0], $0xffff;
	s21 =	smov.u32 @p1 s0  }
0x29b: {  	v59 =	vld [tilespmem:s21+$0x0]  }
0x29c: {  	v61 =	vld.idx.msk [tilespmem:v52+s13+$0x0], $0xffff  }
0x29d: {  	v53 =	vmul.f32 @p1 v55, v53  }
0x29e: {  	v62 =	vld.idx.msk [tilespmem:v58+s10+$0x0], $0xffff  }
0x29f: {  	v53 =	vsub.f32 @p1 v53, v54  }
0x2a0: {  	v54 =	vadd.f32 @p2 v57, v56  }
0x2a1: {  	v53 =	vand.u32 @p1 $0x7FFFFFFF, v53;
	v52 =	vmul.f32 v61, v59  }
.Ltmp78:
0x2a2: {  	v54 =	vpsel p2, v54, v51;
	v53 =	vpsel p1, v53, v0;
	(pc) =	sbr.rel @p0 .LBB2_128-.Ltmp78, $3  }
0x2a3: {  	s30 =	smul.u32 $0x140, s17;
	v53 =	vadd.f32 @p1 v53, v54;
	v52 =	vsub.f32 v52, v62;
	_ =	sdelay $0x1  }
0x2a4: {  	s31 =	simm.s32 $0x2400;
	s0 =	sshra.s32 s30, $0x2;
	v63 =	vpsel p1, v53, v51;
	v52 =	vand.u32 $0x7FFFFFFF, v52  }
0x2a5: {  	s21 =	sadd.s32 $0x4900, s0;
	p2 =	por $0x0, $0x0;
	p1 =	por $0x0, $0x0;
	v51 =	vadd.f32 v52, v63;
	v52 =	vld [tilespmem:s31+$0x0]  }
0x2a6: {  	_ =	sdelay $0x3  }
0x2a7: {  	p3 =	seq.s32 s23, $0x1  }
.Ltmp79:
0x2a8: {  	_ = 	snop;
	(pc) =	sbr.rel @p3 .LBB2_130-.Ltmp79, $4  }
0x2a9: {  	_ = 	snop  }
0x2aa: {  	v53 =	vld [tilespmem:s21+$0x0]  }
0x2ab: {  	s0 =	simm.s32 $0x2410;
	v55 =	vld.idx.msk [tilespmem:v52+s13+$0x0], $0xffff  }
0x2ac: {  	s25 =	sadd.s32 $0xFFFFFFFF, s23;
	p1 =	por $0x1, $0x1;
	v54 =	vadd.s32 $0xA00, v52;
	v52 =	vld [tilespmem:s0+$0x0]  }
0x2ad: {  	_ =	sdelay $0x3  }
0x2ae: {  	v54 =	vld.idx.msk [tilespmem:v54+s10+$0x0], $0xffff;
	_ =	sdelay $0x2  }
0x2af: {  	v55 =	vmul.f32 v55, v53  }
0x2b0: {  	p3 =	seq.s32 s25, $0x1  }
.Ltmp80:
0x2b1: {  	v56 =	vsub.f32 v55, v54;
	v54 =	vadd.s32 $0xA00, v52;
	(pc) =	sbr.rel @p3 .LBB2_132-.Ltmp80, $4  }
0x2b2: {  	s22 =	sadd.s32 $0x10, s21  }
0x2b3: {  	v53 =	vld [tilespmem:s22+$0x0]  }
0x2b4: {  	s24 =	simm.s32 $0x2420;
	v55 =	vld.idx.msk [tilespmem:v52+s13+$0x0], $0xffff  }
0x2b5: {  	s25 =	sadd.s32 $0xFFFFFFFF, s25;
	p2 =	por $0x1, $0x1;
	v52 =	vld [tilespmem:s24+$0x0];
	v57 =	vand.u32 $0x7FFFFFFF, v56;
	v56 =	vmov v51  }
.LBB2_133:
0x2b6: {  	p3 =	seq.s32 s25, $0x1;
	v58 =	vld.idx.msk [tilespmem:v54+s10+$0x0], $0xffff;
	v56 =	vadd.f32 v57, v56;
	_ =	sdelay $0x3  }
.Ltmp81:
0x2b7: {  	v55 =	vmul.f32 v55, v53;
	v54 =	vadd.s32 $0xA00, v52;
	(pc) =	sbr.rel @!p3 .LBB2_133-.Ltmp81, $4  }
0x2b8: {  	s22 =	sadd.s32 $0x10, s22  }
0x2b9: {  	v57 =	vsub.f32 v55, v58;
	v53 =	vld [tilespmem:s22+$0x0]  }
0x2ba: {  	s24 =	sadd.s32 $0x10, s24;
	v55 =	vld.idx.msk [tilespmem:v52+s13+$0x0], $0xffff  }
0x2bb: {  	s25 =	sadd.s32 $0xFFFFFFFF, s25;
	v57 =	vand.u32 $0x7FFFFFFF, v57;
	v52 =	vld [tilespmem:s24+$0x0]  }
.LBB2_134:
0x2bc: {  	_ =	sdelay $0x4  }
0x2bd: {  	s0 =	sadd.s32 @p1 $0x10, s22;
	v58 =	vadd.s32 $0xA00, v52  }
0x2be: {  	v54 =	vld.idx.msk @p1 [tilespmem:v54+s10+$0x0], $0xffff;
	s21 =	smov.u32 @p1 s0  }
0x2bf: {  	v59 =	vld [tilespmem:s21+$0x0]  }
0x2c0: {  	v61 =	vld.idx.msk [tilespmem:v52+s13+$0x0], $0xffff  }
0x2c1: {  	v53 =	vmul.f32 @p1 v55, v53  }
0x2c2: {  	v62 =	vld.idx.msk [tilespmem:v58+s10+$0x0], $0xffff  }
0x2c3: {  	v53 =	vsub.f32 @p1 v53, v54  }
0x2c4: {  	v54 =	vadd.f32 @p2 v57, v56  }
0x2c5: {  	v53 =	vand.u32 @p1 $0x7FFFFFFF, v53;
	v52 =	vmul.f32 v61, v59  }
.Ltmp82:
0x2c6: {  	v54 =	vpsel p2, v54, v51;
	v53 =	vpsel p1, v53, v0;
	(pc) =	sbr.rel @p0 .LBB2_135-.Ltmp82, $3  }
0x2c7: {  	s30 =	smul.u32 $0x180, s17;
	v53 =	vadd.f32 @p1 v53, v54;
	v52 =	vsub.f32 v52, v62;
	_ =	sdelay $0x1  }
0x2c8: {  	s31 =	simm.s32 $0x2400;
	s0 =	sshra.s32 s30, $0x2;
	v63 =	vpsel p1, v53, v51;
	v52 =	vand.u32 $0x7FFFFFFF, v52  }
0x2c9: {  	s21 =	sadd.s32 $0x4900, s0;
	p2 =	por $0x0, $0x0;
	p1 =	por $0x0, $0x0;
	v51 =	vadd.f32 v52, v63;
	v52 =	vld [tilespmem:s31+$0x0]  }
0x2ca: {  	_ =	sdelay $0x3  }
0x2cb: {  	p3 =	seq.s32 s23, $0x1  }
.Ltmp83:
0x2cc: {  	_ = 	snop;
	(pc) =	sbr.rel @p3 .LBB2_137-.Ltmp83, $4  }
0x2cd: {  	_ = 	snop  }
0x2ce: {  	v53 =	vld [tilespmem:s21+$0x0]  }
0x2cf: {  	s0 =	simm.s32 $0x2410;
	v55 =	vld.idx.msk [tilespmem:v52+s13+$0x0], $0xffff  }
0x2d0: {  	s25 =	sadd.s32 $0xFFFFFFFF, s23;
	p1 =	por $0x1, $0x1;
	v54 =	vadd.s32 $0xC00, v52;
	v52 =	vld [tilespmem:s0+$0x0]  }
0x2d1: {  	_ =	sdelay $0x3  }
0x2d2: {  	v54 =	vld.idx.msk [tilespmem:v54+s10+$0x0], $0xffff;
	_ =	sdelay $0x2  }
0x2d3: {  	v55 =	vmul.f32 v55, v53  }
0x2d4: {  	p3 =	seq.s32 s25, $0x1  }
.Ltmp84:
0x2d5: {  	v56 =	vsub.f32 v55, v54;
	v54 =	vadd.s32 $0xC00, v52;
	(pc) =	sbr.rel @p3 .LBB2_139-.Ltmp84, $4  }
0x2d6: {  	s22 =	sadd.s32 $0x10, s21  }
0x2d7: {  	v53 =	vld [tilespmem:s22+$0x0]  }
0x2d8: {  	s24 =	simm.s32 $0x2420;
	v55 =	vld.idx.msk [tilespmem:v52+s13+$0x0], $0xffff  }
0x2d9: {  	s25 =	sadd.s32 $0xFFFFFFFF, s25;
	p2 =	por $0x1, $0x1;
	v52 =	vld [tilespmem:s24+$0x0];
	v57 =	vand.u32 $0x7FFFFFFF, v56;
	v56 =	vmov v51  }
.LBB2_140:
0x2da: {  	p3 =	seq.s32 s25, $0x1;
	v58 =	vld.idx.msk [tilespmem:v54+s10+$0x0], $0xffff;
	v56 =	vadd.f32 v57, v56;
	_ =	sdelay $0x3  }
.Ltmp85:
0x2db: {  	v55 =	vmul.f32 v55, v53;
	v54 =	vadd.s32 $0xC00, v52;
	(pc) =	sbr.rel @!p3 .LBB2_140-.Ltmp85, $4  }
0x2dc: {  	s22 =	sadd.s32 $0x10, s22  }
0x2dd: {  	v57 =	vsub.f32 v55, v58;
	v53 =	vld [tilespmem:s22+$0x0]  }
0x2de: {  	s24 =	sadd.s32 $0x10, s24;
	v55 =	vld.idx.msk [tilespmem:v52+s13+$0x0], $0xffff  }
0x2df: {  	s25 =	sadd.s32 $0xFFFFFFFF, s25;
	v57 =	vand.u32 $0x7FFFFFFF, v57;
	v52 =	vld [tilespmem:s24+$0x0]  }
.LBB2_141:
0x2e0: {  	_ =	sdelay $0x3  }
0x2e1: {  	v54 =	vld.idx.msk @p1 [tilespmem:v54+s10+$0x0], $0xffff;
	_ =	sdelay $0x2  }
0x2e2: {  	s0 =	sadd.s32 @p1 $0x10, s22;
	v53 =	vmul.f32 @p1 v55, v53;
	v58 =	vadd.s32 $0xC00, v52  }
0x2e3: {  	s21 =	smov.u32 @p1 s0  }
0x2e4: {  	v59 =	vld [tilespmem:s21+$0x0];
	v53 =	vsub.f32 @p1 v53, v54  }
0x2e5: {  	v61 =	vld.idx.msk [tilespmem:v52+s13+$0x0], $0xffff;
	v54 =	vadd.f32 @p2 v57, v56  }
0x2e6: {  	v53 =	vand.u32 @p1 $0x7FFFFFFF, v53  }
0x2e7: {  	v54 =	vpsel p2, v54, v51;
	v53 =	vpsel p1, v53, v0;
	v62 =	vld.idx.msk [tilespmem:v58+s10+$0x0], $0xffff  }
0x2e8: {  	v53 =	vadd.f32 @p1 v53, v54;
	_ =	sdelay $0x1  }
0x2e9: {  	v52 =	vmul.f32 v61, v59;
	v63 =	vpsel p1, v53, v51;
	p1 =	sne.s32 s18, $0x1  }
.Ltmp86:
0x2ea: {  	_ = 	snop;
	(pc) =	sbr.rel @!p1 .LBB2_142-.Ltmp86, $3  }
0x2eb: {  	s30 =	smul.u32 $0x1C0, s17;
	v52 =	vsub.f32 v52, v62;
	_ =	sdelay $0x1  }
0x2ec: {  	s31 =	simm.s32 $0x2400;
	s0 =	sshra.s32 s30, $0x2;
	v52 =	vand.u32 $0x7FFFFFFF, v52  }
0x2ed: {  	p3 =	por $0x0, $0x0;
	s21 =	sadd.s32 $0x4900, s0;
	p2 =	por $0x0, $0x0;
	v51 =	vadd.f32 v52, v63;
	v52 =	vld [tilespmem:s31+$0x0]  }
0x2ee: {  	_ =	sdelay $0x3  }
0x2ef: {  	p4 =	sne.s32 s23, $0x1  }
.Ltmp87:
0x2f0: {  	_ = 	snop;
	(pc) =	sbr.rel @!p4 .LBB2_144-.Ltmp87, $4  }
0x2f1: {  	_ = 	snop  }
0x2f2: {  	v53 =	vld [tilespmem:s21+$0x0]  }
0x2f3: {  	s0 =	simm.s32 $0x2410;
	v55 =	vld.idx.msk [tilespmem:v52+s13+$0x0], $0xffff  }
0x2f4: {  	s25 =	sadd.s32 $0xFFFFFFFF, s23;
	p2 =	por $0x1, $0x1;
	v54 =	vadd.s32 $0xE00, v52;
	v52 =	vld [tilespmem:s0+$0x0]  }
0x2f5: {  	_ =	sdelay $0x3  }
0x2f6: {  	v54 =	vld.idx.msk [tilespmem:v54+s10+$0x0], $0xffff;
	_ =	sdelay $0x2  }
0x2f7: {  	v55 =	vmul.f32 v55, v53  }
0x2f8: {  	p4 =	sne.s32 s25, $0x1  }
.Ltmp88:
0x2f9: {  	v56 =	vsub.f32 v55, v54;
	v54 =	vadd.s32 $0xE00, v52;
	(pc) =	sbr.rel @!p4 .LBB2_146-.Ltmp88, $4  }
0x2fa: {  	s22 =	sadd.s32 $0x10, s21  }
0x2fb: {  	v53 =	vld [tilespmem:s22+$0x0]  }
0x2fc: {  	s24 =	simm.s32 $0x2420;
	v55 =	vld.idx.msk [tilespmem:v52+s13+$0x0], $0xffff  }
0x2fd: {  	s25 =	sadd.s32 $0xFFFFFFFF, s25;
	p3 =	por $0x1, $0x1;
	v52 =	vld [tilespmem:s24+$0x0];
	v57 =	vand.u32 $0x7FFFFFFF, v56;
	v56 =	vmov v51  }
.LBB2_147:
0x2fe: {  	p4 =	sne.s32 s25, $0x1;
	v58 =	vld.idx.msk [tilespmem:v54+s10+$0x0], $0xffff;
	v56 =	vadd.f32 v57, v56;
	_ =	sdelay $0x3  }
.Ltmp89:
0x2ff: {  	v55 =	vmul.f32 v55, v53;
	v54 =	vadd.s32 $0xE00, v52;
	(pc) =	sbr.rel @p4 .LBB2_147-.Ltmp89, $4  }
0x300: {  	s22 =	sadd.s32 $0x10, s22  }
0x301: {  	v57 =	vsub.f32 v55, v58;
	v53 =	vld [tilespmem:s22+$0x0]  }
0x302: {  	s24 =	sadd.s32 $0x10, s24;
	v55 =	vld.idx.msk [tilespmem:v52+s13+$0x0], $0xffff  }
0x303: {  	s25 =	sadd.s32 $0xFFFFFFFF, s25;
	v57 =	vand.u32 $0x7FFFFFFF, v57;
	v52 =	vld [tilespmem:s24+$0x0]  }
.LBB2_148:
0x304: {  	_ =	sdelay $0x4  }
0x305: {  	s0 =	sadd.s32 @p2 $0x10, s22;
	v58 =	vadd.s32 $0xE00, v52  }
0x306: {  	v54 =	vld.idx.msk @p2 [tilespmem:v54+s10+$0x0], $0xffff;
	s21 =	smov.u32 @p2 s0  }
0x307: {  	v59 =	vld [tilespmem:s21+$0x0]  }
0x308: {  	v61 =	vld.idx.msk [tilespmem:v52+s13+$0x0], $0xffff  }
0x309: {  	v53 =	vmul.f32 @p2 v55, v53  }
0x30a: {  	v62 =	vld.idx.msk [tilespmem:v58+s10+$0x0], $0xffff  }
0x30b: {  	v53 =	vsub.f32 @p2 v53, v54  }
0x30c: {  	v54 =	vadd.f32 @p3 v57, v56  }
0x30d: {  	v53 =	vand.u32 @p2 $0x7FFFFFFF, v53;
	v52 =	vmul.f32 v61, v59  }
.Ltmp90:
0x30e: {  	v54 =	vpsel p3, v54, v51;
	v53 =	vpsel p2, v53, v0;
	(pc) =	sbr.rel @!p1 .LBB2_150-.Ltmp90, $3  }
0x30f: {  	v53 =	vadd.f32 @p2 v53, v54;
	v52 =	vsub.f32 v52, v62;
	_ =	sdelay $0x1  }
0x310: {  	_ =	swait.ge [sflag:s14], $0x80;
	v63 =	vpsel p2, v53, v51;
	v52 =	vand.u32 $0x7FFFFFFF, v52  }
0x311: {  	[sflag:s14] =	ssyncset.done $0x0;
	v51 =	vadd.f32 v52, v63  }
.LBB2_149:
0x312: {  	p2 =	sne.s32 s23, $0x1;
	s23 =	sadd.s32 $0xFFFFFFFF, s23;
	[sflag:s14] =	ssyncadd.s32 $0xFFFFFF80  }
.Ltmp91:
0x313: {  	(pc) =	sbr.rel @p2 .LBB2_149-.Ltmp91, $3  }
0x314: {  	_ =	sdelay $0x1  }
0x315: {  	_ =	swait.ge [sflag:s14], $0x80  }
0x316: {  	[sflag:s14] =	ssyncset.done $0x0  }
.LBB2_150:
.Ltmp92:
0x317: {  	(pc) =	sbr.rel @p0 .LBB2_151-.Ltmp92, $4  }
0x318: {  	_ = 	snop  }
0x319: {  	[sflag:s14] =	ssyncadd.s32 $0xFFFFFF80;
	s0 =	sshll.u32 s19, $0x7;
	s31 =	sshll.u32 s20, $0x7  }
0x31a: {  	s21 =	simm.s32 $0x2400;
	s19 =	simm.s32 $0x0;
	s18 =	sadd.s32 $0xFFFFFFFF, s18  }
0x31b: {  	p2 =	por $0x0, $0x0;
	p3 =	por $0x0, $0x0;
	s20 =	sadd.s32 s31, s0;
	v55 =	vld [tilespmem:s21+$0x0]  }
0x31c: {  	_ =	sdelay $0x3  }
0x31d: {  	p4 =	seq.s32 s18, $0x1  }
.Ltmp93:
0x31e: {  	_ = 	snop;
	(pc) =	sbr.rel @p4 .LBB2_153-.Ltmp93, $4  }
0x31f: {  	s0 =	sadd.s32 $0x0, s20;
	s21 =	simm.s32 $0x2410  }
0x320: {  	s31 =	sand.u32 $0x70, s19;
	v56 =	vld [tilespmem:s21+$0x0];
	s0 =	sand.u32 $0xFFFFFF80, s0  }
0x321: {  	s0 =	sor.u32 s31, s0;
	v54 =	vld.idx.msk [tilespmem:v55+s13+$0x0], $0xffff  }
0x322: {  	s23 =	sadd.s32 $0xFFFFFFFF, s18;
	p2 =	por $0x1, $0x1;
	v53 =	vadd.s32 $0x1000, v55;
	v55 =	vld [tilespmem:s0+$0x4900]  }
0x323: {  	_ =	sdelay $0x3  }
0x324: {  	v52 =	vld.idx.msk [tilespmem:v53+s10+$0x0], $0xffff;
	_ =	sdelay $0x2  }
0x325: {  	v63 =	vmul.f32 v54, v55  }
0x326: {  	p4 =	seq.s32 s23, $0x1  }
.Ltmp94:
0x327: {  	v53 =	vadd.s32 $0x1000, v56;
	v52 =	vsub.f32 v63, v52;
	(pc) =	sbr.rel @p4 .LBB2_155-.Ltmp94, $4  }
0x328: {  	s21 =	simm.s32 $0x10;
	s0 =	sadd.s32 $0x10, s20;
	s22 =	simm.s32 $0x2420  }
0x329: {  	v58 =	vld [tilespmem:s22+$0x0];
	s0 =	sand.u32 $0xFFFFFF80, s0;
	s24 =	sand.u32 $0x70, s21  }
0x32a: {  	s0 =	sor.u32 s24, s0;
	v54 =	vld.idx.msk [tilespmem:v56+s13+$0x0], $0xffff  }
0x32b: {  	s23 =	sadd.s32 $0xFFFFFFFF, s23;
	p3 =	por $0x1, $0x1;
	v55 =	vld [tilespmem:s0+$0x4900];
	v57 =	vand.u32 $0x7FFFFFFF, v52;
	v52 =	vmov v51  }
.LBB2_156:
0x32c: {  	p4 =	seq.s32 s23, $0x1;
	v56 =	vld.idx.msk [tilespmem:v53+s10+$0x0], $0xffff;
	v52 =	vadd.f32 v57, v52;
	_ =	sdelay $0x1  }
0x32d: {  	v57 =	vmov v58;
	_ =	sdelay $0x1  }
.Ltmp95:
0x32e: {  	s21 =	sadd.s32 $0x10, s21;
	v53 =	vadd.s32 $0x1000, v57;
	v54 =	vmul.f32 v54, v55;
	(pc) =	sbr.rel @!p4 .LBB2_156-.Ltmp95, $4  }
0x32f: {  	s22 =	sadd.s32 $0x10, s22;
	s0 =	sadd.s32 s21, s20  }
0x330: {  	s24 =	sand.u32 $0x70, s21;
	s0 =	sand.u32 $0xFFFFFF80, s0;
	v58 =	vld [tilespmem:s22+$0x0];
	v56 =	vsub.f32 v54, v56  }
0x331: {  	s0 =	sor.u32 s24, s0;
	v54 =	vld.idx.msk [tilespmem:v57+s13+$0x0], $0xffff  }
0x332: {  	s23 =	sadd.s32 $0xFFFFFFFF, s23;
	v55 =	vld [tilespmem:s0+$0x4900];
	v57 =	vand.u32 $0x7FFFFFFF, v56  }
0x333: {  	_ =	sdelay $0x1  }
0x334: {  	v56 =	vmov v58  }
.LBB2_158:
0x335: {  	_ = 	snop  }
0x336: {  	s0 =	sadd.s32 @p2 $0x10, s21  }
0x337: {  	s19 =	smov.u32 @p2 s0  }
0x338: {  	v58 =	vadd.s32 $0x1000, v56;
	s0 =	sadd.s32 s19, s20  }
0x339: {  	v53 =	vld.idx.msk @p2 [tilespmem:v53+s10+$0x0], $0xffff;
	s19 =	sand.u32 $0x70, s19;
	s0 =	sand.u32 $0xFFFFFF80, s0  }
0x33a: {  	v63 =	vld.idx.msk [tilespmem:v56+s13+$0x0], $0xffff;
	s0 =	sor.u32 s19, s0  }
0x33b: {  	v59 =	vld [tilespmem:s0+$0x4900]  }
0x33c: {  	v54 =	vmul.f32 @p2 v54, v55  }
0x33d: {  	v60 =	vld.idx.msk [tilespmem:v58+s10+$0x0], $0xffff  }
0x33e: {  	v53 =	vsub.f32 @p2 v54, v53  }
0x33f: {  	v52 =	vadd.f32 @p3 v57, v52  }
0x340: {  	v53 =	vand.u32 @p2 $0x7FFFFFFF, v53;
	v61 =	vmul.f32 v63, v59  }
.Ltmp96:
0x341: {  	v52 =	vpsel p3, v52, v51;
	v53 =	vpsel p2, v53, v0;
	(pc) =	sbr.rel @p0 .LBB2_159-.Ltmp96, $3  }
0x342: {  	s30 =	smul.u32 $0x240, s17;
	v52 =	vadd.f32 @p2 v53, v52;
	v62 =	vsub.f32 v61, v60;
	_ =	sdelay $0x1  }
0x343: {  	s31 =	simm.s32 $0x2400;
	s0 =	sshra.s32 s30, $0x2;
	v63 =	vpsel p2, v52, v51;
	v53 =	vand.u32 $0x7FFFFFFF, v62  }
0x344: {  	p3 =	por $0x0, $0x0;
	s19 =	sadd.s32 $0x4900, s0;
	v52 =	vld [tilespmem:s31+$0x0];
	p2 =	por $0x0, $0x0;
	v51 =	vadd.f32 v53, v63  }
0x345: {  	_ =	sdelay $0x3  }
0x346: {  	p4 =	seq.s32 s18, $0x1  }
.Ltmp97:
0x347: {  	_ = 	snop;
	(pc) =	sbr.rel @p4 .LBB2_161-.Ltmp97, $4  }
0x348: {  	_ = 	snop  }
0x349: {  	v53 =	vld [tilespmem:s19+$0x0]  }
0x34a: {  	s0 =	simm.s32 $0x2410;
	v55 =	vld.idx.msk [tilespmem:v52+s13+$0x0], $0xffff  }
0x34b: {  	s22 =	sadd.s32 $0xFFFFFFFF, s18;
	p2 =	por $0x1, $0x1;
	v54 =	vadd.s32 $0x1200, v52;
	v52 =	vld [tilespmem:s0+$0x0]  }
0x34c: {  	_ =	sdelay $0x3  }
0x34d: {  	v54 =	vld.idx.msk [tilespmem:v54+s10+$0x0], $0xffff;
	_ =	sdelay $0x2  }
0x34e: {  	v55 =	vmul.f32 v55, v53  }
0x34f: {  	p4 =	seq.s32 s22, $0x1  }
.Ltmp98:
0x350: {  	v56 =	vsub.f32 v55, v54;
	v54 =	vadd.s32 $0x1200, v52;
	(pc) =	sbr.rel @p4 .LBB2_163-.Ltmp98, $4  }
0x351: {  	s20 =	sadd.s32 $0x10, s19  }
0x352: {  	v53 =	vld [tilespmem:s20+$0x0]  }
0x353: {  	s21 =	simm.s32 $0x2420;
	v55 =	vld.idx.msk [tilespmem:v52+s13+$0x0], $0xffff  }
0x354: {  	s22 =	sadd.s32 $0xFFFFFFFF, s22;
	p3 =	por $0x1, $0x1;
	v52 =	vld [tilespmem:s21+$0x0];
	v57 =	vand.u32 $0x7FFFFFFF, v56;
	v56 =	vmov v51  }
.LBB2_164:
0x355: {  	p4 =	seq.s32 s22, $0x1;
	v58 =	vld.idx.msk [tilespmem:v54+s10+$0x0], $0xffff;
	v56 =	vadd.f32 v57, v56;
	_ =	sdelay $0x3  }
.Ltmp99:
0x356: {  	v55 =	vmul.f32 v55, v53;
	v54 =	vadd.s32 $0x1200, v52;
	(pc) =	sbr.rel @!p4 .LBB2_164-.Ltmp99, $4  }
0x357: {  	s20 =	sadd.s32 $0x10, s20  }
0x358: {  	v57 =	vsub.f32 v55, v58;
	v53 =	vld [tilespmem:s20+$0x0]  }
0x359: {  	s21 =	sadd.s32 $0x10, s21;
	v55 =	vld.idx.msk [tilespmem:v52+s13+$0x0], $0xffff  }
0x35a: {  	s22 =	sadd.s32 $0xFFFFFFFF, s22;
	v57 =	vand.u32 $0x7FFFFFFF, v57;
	v52 =	vld [tilespmem:s21+$0x0]  }
.LBB2_165:
0x35b: {  	_ =	sdelay $0x4  }
0x35c: {  	s0 =	sadd.s32 @p2 $0x10, s20;
	v58 =	vadd.s32 $0x1200, v52  }
0x35d: {  	v54 =	vld.idx.msk @p2 [tilespmem:v54+s10+$0x0], $0xffff;
	s19 =	smov.u32 @p2 s0  }
0x35e: {  	v59 =	vld [tilespmem:s19+$0x0]  }
0x35f: {  	v61 =	vld.idx.msk [tilespmem:v52+s13+$0x0], $0xffff  }
0x360: {  	v53 =	vmul.f32 @p2 v55, v53  }
0x361: {  	v62 =	vld.idx.msk [tilespmem:v58+s10+$0x0], $0xffff  }
0x362: {  	v53 =	vsub.f32 @p2 v53, v54  }
0x363: {  	v54 =	vadd.f32 @p3 v57, v56  }
0x364: {  	v53 =	vand.u32 @p2 $0x7FFFFFFF, v53;
	v52 =	vmul.f32 v61, v59  }
.Ltmp100:
0x365: {  	v54 =	vpsel p3, v54, v51;
	v53 =	vpsel p2, v53, v0;
	(pc) =	sbr.rel @p0 .LBB2_166-.Ltmp100, $3  }
0x366: {  	s30 =	smul.u32 $0x280, s17;
	v53 =	vadd.f32 @p2 v53, v54;
	v52 =	vsub.f32 v52, v62;
	_ =	sdelay $0x1  }
0x367: {  	s31 =	simm.s32 $0x2400;
	s0 =	sshra.s32 s30, $0x2;
	v63 =	vpsel p2, v53, v51;
	v52 =	vand.u32 $0x7FFFFFFF, v52  }
0x368: {  	s19 =	sadd.s32 $0x4900, s0;
	p3 =	por $0x0, $0x0;
	p2 =	por $0x0, $0x0;
	v51 =	vadd.f32 v52, v63;
	v52 =	vld [tilespmem:s31+$0x0]  }
0x369: {  	_ =	sdelay $0x3  }
0x36a: {  	p4 =	seq.s32 s18, $0x1  }
.Ltmp101:
0x36b: {  	_ = 	snop;
	(pc) =	sbr.rel @p4 .LBB2_168-.Ltmp101, $4  }
0x36c: {  	_ = 	snop  }
0x36d: {  	v53 =	vld [tilespmem:s19+$0x0]  }
0x36e: {  	s0 =	simm.s32 $0x2410;
	v55 =	vld.idx.msk [tilespmem:v52+s13+$0x0], $0xffff  }
0x36f: {  	s22 =	sadd.s32 $0xFFFFFFFF, s18;
	p2 =	por $0x1, $0x1;
	v54 =	vadd.s32 $0x1400, v52;
	v52 =	vld [tilespmem:s0+$0x0]  }
0x370: {  	_ =	sdelay $0x3  }
0x371: {  	v54 =	vld.idx.msk [tilespmem:v54+s10+$0x0], $0xffff;
	_ =	sdelay $0x2  }
0x372: {  	v55 =	vmul.f32 v55, v53  }
0x373: {  	p4 =	seq.s32 s22, $0x1  }
.Ltmp102:
0x374: {  	v56 =	vsub.f32 v55, v54;
	v54 =	vadd.s32 $0x1400, v52;
	(pc) =	sbr.rel @p4 .LBB2_170-.Ltmp102, $4  }
0x375: {  	s20 =	sadd.s32 $0x10, s19  }
0x376: {  	v53 =	vld [tilespmem:s20+$0x0]  }
0x377: {  	s21 =	simm.s32 $0x2420;
	v55 =	vld.idx.msk [tilespmem:v52+s13+$0x0], $0xffff  }
0x378: {  	s22 =	sadd.s32 $0xFFFFFFFF, s22;
	p3 =	por $0x1, $0x1;
	v52 =	vld [tilespmem:s21+$0x0];
	v57 =	vand.u32 $0x7FFFFFFF, v56;
	v56 =	vmov v51  }
.LBB2_171:
0x379: {  	p4 =	seq.s32 s22, $0x1;
	v58 =	vld.idx.msk [tilespmem:v54+s10+$0x0], $0xffff;
	v56 =	vadd.f32 v57, v56;
	_ =	sdelay $0x3  }
.Ltmp103:
0x37a: {  	v55 =	vmul.f32 v55, v53;
	v54 =	vadd.s32 $0x1400, v52;
	(pc) =	sbr.rel @!p4 .LBB2_171-.Ltmp103, $4  }
0x37b: {  	s20 =	sadd.s32 $0x10, s20  }
0x37c: {  	v57 =	vsub.f32 v55, v58;
	v53 =	vld [tilespmem:s20+$0x0]  }
0x37d: {  	s21 =	sadd.s32 $0x10, s21;
	v55 =	vld.idx.msk [tilespmem:v52+s13+$0x0], $0xffff  }
0x37e: {  	s22 =	sadd.s32 $0xFFFFFFFF, s22;
	v57 =	vand.u32 $0x7FFFFFFF, v57;
	v52 =	vld [tilespmem:s21+$0x0]  }
.LBB2_172:
0x37f: {  	_ =	sdelay $0x4  }
0x380: {  	s0 =	sadd.s32 @p2 $0x10, s20;
	v58 =	vadd.s32 $0x1400, v52  }
0x381: {  	v54 =	vld.idx.msk @p2 [tilespmem:v54+s10+$0x0], $0xffff;
	s19 =	smov.u32 @p2 s0  }
0x382: {  	v59 =	vld [tilespmem:s19+$0x0]  }
0x383: {  	v61 =	vld.idx.msk [tilespmem:v52+s13+$0x0], $0xffff  }
0x384: {  	v53 =	vmul.f32 @p2 v55, v53  }
0x385: {  	v62 =	vld.idx.msk [tilespmem:v58+s10+$0x0], $0xffff  }
0x386: {  	v53 =	vsub.f32 @p2 v53, v54  }
0x387: {  	v54 =	vadd.f32 @p3 v57, v56  }
0x388: {  	v53 =	vand.u32 @p2 $0x7FFFFFFF, v53;
	v52 =	vmul.f32 v61, v59  }
.Ltmp104:
0x389: {  	v54 =	vpsel p3, v54, v51;
	v53 =	vpsel p2, v53, v0;
	(pc) =	sbr.rel @p0 .LBB2_173-.Ltmp104, $3  }
0x38a: {  	s30 =	smul.u32 $0x2C0, s17;
	v53 =	vadd.f32 @p2 v53, v54;
	v52 =	vsub.f32 v52, v62;
	_ =	sdelay $0x1  }
0x38b: {  	s31 =	simm.s32 $0x2400;
	s0 =	sshra.s32 s30, $0x2;
	v63 =	vpsel p2, v53, v51;
	v52 =	vand.u32 $0x7FFFFFFF, v52  }
0x38c: {  	s19 =	sadd.s32 $0x4900, s0;
	p3 =	por $0x0, $0x0;
	p2 =	por $0x0, $0x0;
	v51 =	vadd.f32 v52, v63;
	v52 =	vld [tilespmem:s31+$0x0]  }
0x38d: {  	_ =	sdelay $0x3  }
0x38e: {  	p4 =	seq.s32 s18, $0x1  }
.Ltmp105:
0x38f: {  	_ = 	snop;
	(pc) =	sbr.rel @p4 .LBB2_175-.Ltmp105, $4  }
0x390: {  	_ = 	snop  }
0x391: {  	v53 =	vld [tilespmem:s19+$0x0]  }
0x392: {  	s0 =	simm.s32 $0x2410;
	v55 =	vld.idx.msk [tilespmem:v52+s13+$0x0], $0xffff  }
0x393: {  	s22 =	sadd.s32 $0xFFFFFFFF, s18;
	p2 =	por $0x1, $0x1;
	v54 =	vadd.s32 $0x1600, v52;
	v52 =	vld [tilespmem:s0+$0x0]  }
0x394: {  	_ =	sdelay $0x3  }
0x395: {  	v54 =	vld.idx.msk [tilespmem:v54+s10+$0x0], $0xffff;
	_ =	sdelay $0x2  }
0x396: {  	v55 =	vmul.f32 v55, v53  }
0x397: {  	p4 =	seq.s32 s22, $0x1  }
.Ltmp106:
0x398: {  	v56 =	vsub.f32 v55, v54;
	v54 =	vadd.s32 $0x1600, v52;
	(pc) =	sbr.rel @p4 .LBB2_177-.Ltmp106, $4  }
0x399: {  	s20 =	sadd.s32 $0x10, s19  }
0x39a: {  	v53 =	vld [tilespmem:s20+$0x0]  }
0x39b: {  	s21 =	simm.s32 $0x2420;
	v55 =	vld.idx.msk [tilespmem:v52+s13+$0x0], $0xffff  }
0x39c: {  	s22 =	sadd.s32 $0xFFFFFFFF, s22;
	p3 =	por $0x1, $0x1;
	v52 =	vld [tilespmem:s21+$0x0];
	v57 =	vand.u32 $0x7FFFFFFF, v56;
	v56 =	vmov v51  }
.LBB2_178:
0x39d: {  	p4 =	seq.s32 s22, $0x1;
	v58 =	vld.idx.msk [tilespmem:v54+s10+$0x0], $0xffff;
	v56 =	vadd.f32 v57, v56;
	_ =	sdelay $0x3  }
.Ltmp107:
0x39e: {  	v55 =	vmul.f32 v55, v53;
	v54 =	vadd.s32 $0x1600, v52;
	(pc) =	sbr.rel @!p4 .LBB2_178-.Ltmp107, $4  }
0x39f: {  	s20 =	sadd.s32 $0x10, s20  }
0x3a0: {  	v57 =	vsub.f32 v55, v58;
	v53 =	vld [tilespmem:s20+$0x0]  }
0x3a1: {  	s21 =	sadd.s32 $0x10, s21;
	v55 =	vld.idx.msk [tilespmem:v52+s13+$0x0], $0xffff  }
0x3a2: {  	s22 =	sadd.s32 $0xFFFFFFFF, s22;
	v57 =	vand.u32 $0x7FFFFFFF, v57;
	v52 =	vld [tilespmem:s21+$0x0]  }
.LBB2_179:
0x3a3: {  	_ =	sdelay $0x4  }
0x3a4: {  	s0 =	sadd.s32 @p2 $0x10, s20;
	v58 =	vadd.s32 $0x1600, v52  }
0x3a5: {  	v54 =	vld.idx.msk @p2 [tilespmem:v54+s10+$0x0], $0xffff;
	s19 =	smov.u32 @p2 s0  }
0x3a6: {  	v59 =	vld [tilespmem:s19+$0x0]  }
0x3a7: {  	v61 =	vld.idx.msk [tilespmem:v52+s13+$0x0], $0xffff  }
0x3a8: {  	v53 =	vmul.f32 @p2 v55, v53  }
0x3a9: {  	v62 =	vld.idx.msk [tilespmem:v58+s10+$0x0], $0xffff  }
0x3aa: {  	v53 =	vsub.f32 @p2 v53, v54  }
0x3ab: {  	v54 =	vadd.f32 @p3 v57, v56  }
0x3ac: {  	v53 =	vand.u32 @p2 $0x7FFFFFFF, v53;
	v52 =	vmul.f32 v61, v59  }
.Ltmp108:
0x3ad: {  	v54 =	vpsel p3, v54, v51;
	v53 =	vpsel p2, v53, v0;
	(pc) =	sbr.rel @p0 .LBB2_180-.Ltmp108, $3  }
0x3ae: {  	s30 =	smul.u32 $0x300, s17;
	v53 =	vadd.f32 @p2 v53, v54;
	v52 =	vsub.f32 v52, v62;
	_ =	sdelay $0x1  }
0x3af: {  	s31 =	simm.s32 $0x2400;
	s0 =	sshra.s32 s30, $0x2;
	v63 =	vpsel p2, v53, v51;
	v52 =	vand.u32 $0x7FFFFFFF, v52  }
0x3b0: {  	s19 =	sadd.s32 $0x4900, s0;
	p3 =	por $0x0, $0x0;
	p2 =	por $0x0, $0x0;
	v51 =	vadd.f32 v52, v63;
	v52 =	vld [tilespmem:s31+$0x0]  }
0x3b1: {  	_ =	sdelay $0x3  }
0x3b2: {  	p4 =	seq.s32 s18, $0x1  }
.Ltmp109:
0x3b3: {  	_ = 	snop;
	(pc) =	sbr.rel @p4 .LBB2_182-.Ltmp109, $4  }
0x3b4: {  	_ = 	snop  }
0x3b5: {  	v53 =	vld [tilespmem:s19+$0x0]  }
0x3b6: {  	s0 =	simm.s32 $0x2410;
	v55 =	vld.idx.msk [tilespmem:v52+s13+$0x0], $0xffff  }
0x3b7: {  	s22 =	sadd.s32 $0xFFFFFFFF, s18;
	p2 =	por $0x1, $0x1;
	v54 =	vadd.s32 $0x1800, v52;
	v52 =	vld [tilespmem:s0+$0x0]  }
0x3b8: {  	_ =	sdelay $0x3  }
0x3b9: {  	v54 =	vld.idx.msk [tilespmem:v54+s10+$0x0], $0xffff;
	_ =	sdelay $0x2  }
0x3ba: {  	v55 =	vmul.f32 v55, v53  }
0x3bb: {  	p4 =	seq.s32 s22, $0x1  }
.Ltmp110:
0x3bc: {  	v56 =	vsub.f32 v55, v54;
	v54 =	vadd.s32 $0x1800, v52;
	(pc) =	sbr.rel @p4 .LBB2_184-.Ltmp110, $4  }
0x3bd: {  	s20 =	sadd.s32 $0x10, s19  }
0x3be: {  	v53 =	vld [tilespmem:s20+$0x0]  }
0x3bf: {  	s21 =	simm.s32 $0x2420;
	v55 =	vld.idx.msk [tilespmem:v52+s13+$0x0], $0xffff  }
0x3c0: {  	s22 =	sadd.s32 $0xFFFFFFFF, s22;
	p3 =	por $0x1, $0x1;
	v52 =	vld [tilespmem:s21+$0x0];
	v57 =	vand.u32 $0x7FFFFFFF, v56;
	v56 =	vmov v51  }
.LBB2_185:
0x3c1: {  	p4 =	seq.s32 s22, $0x1;
	v58 =	vld.idx.msk [tilespmem:v54+s10+$0x0], $0xffff;
	v56 =	vadd.f32 v57, v56;
	_ =	sdelay $0x3  }
.Ltmp111:
0x3c2: {  	v55 =	vmul.f32 v55, v53;
	v54 =	vadd.s32 $0x1800, v52;
	(pc) =	sbr.rel @!p4 .LBB2_185-.Ltmp111, $4  }
0x3c3: {  	s20 =	sadd.s32 $0x10, s20  }
0x3c4: {  	v57 =	vsub.f32 v55, v58;
	v53 =	vld [tilespmem:s20+$0x0]  }
0x3c5: {  	s21 =	sadd.s32 $0x10, s21;
	v55 =	vld.idx.msk [tilespmem:v52+s13+$0x0], $0xffff  }
0x3c6: {  	s22 =	sadd.s32 $0xFFFFFFFF, s22;
	v57 =	vand.u32 $0x7FFFFFFF, v57;
	v52 =	vld [tilespmem:s21+$0x0]  }
.LBB2_186:
0x3c7: {  	_ =	sdelay $0x4  }
0x3c8: {  	s0 =	sadd.s32 @p2 $0x10, s20;
	v58 =	vadd.s32 $0x1800, v52  }
0x3c9: {  	v54 =	vld.idx.msk @p2 [tilespmem:v54+s10+$0x0], $0xffff;
	s19 =	smov.u32 @p2 s0  }
0x3ca: {  	v59 =	vld [tilespmem:s19+$0x0]  }
0x3cb: {  	v61 =	vld.idx.msk [tilespmem:v52+s13+$0x0], $0xffff  }
0x3cc: {  	v53 =	vmul.f32 @p2 v55, v53  }
0x3cd: {  	v62 =	vld.idx.msk [tilespmem:v58+s10+$0x0], $0xffff  }
0x3ce: {  	v53 =	vsub.f32 @p2 v53, v54  }
0x3cf: {  	v54 =	vadd.f32 @p3 v57, v56  }
0x3d0: {  	v53 =	vand.u32 @p2 $0x7FFFFFFF, v53;
	v52 =	vmul.f32 v61, v59  }
.Ltmp112:
0x3d1: {  	v54 =	vpsel p3, v54, v51;
	v53 =	vpsel p2, v53, v0;
	(pc) =	sbr.rel @p0 .LBB2_187-.Ltmp112, $3  }
0x3d2: {  	s30 =	smul.u32 $0x340, s17;
	v53 =	vadd.f32 @p2 v53, v54;
	v52 =	vsub.f32 v52, v62;
	_ =	sdelay $0x1  }
0x3d3: {  	s31 =	simm.s32 $0x2400;
	s0 =	sshra.s32 s30, $0x2;
	v63 =	vpsel p2, v53, v51;
	v52 =	vand.u32 $0x7FFFFFFF, v52  }
0x3d4: {  	s19 =	sadd.s32 $0x4900, s0;
	p3 =	por $0x0, $0x0;
	p2 =	por $0x0, $0x0;
	v51 =	vadd.f32 v52, v63;
	v52 =	vld [tilespmem:s31+$0x0]  }
0x3d5: {  	_ =	sdelay $0x3  }
0x3d6: {  	p4 =	seq.s32 s18, $0x1  }
.Ltmp113:
0x3d7: {  	_ = 	snop;
	(pc) =	sbr.rel @p4 .LBB2_189-.Ltmp113, $4  }
0x3d8: {  	_ = 	snop  }
0x3d9: {  	v53 =	vld [tilespmem:s19+$0x0]  }
0x3da: {  	s0 =	simm.s32 $0x2410;
	v55 =	vld.idx.msk [tilespmem:v52+s13+$0x0], $0xffff  }
0x3db: {  	s22 =	sadd.s32 $0xFFFFFFFF, s18;
	p2 =	por $0x1, $0x1;
	v54 =	vadd.s32 $0x1A00, v52;
	v52 =	vld [tilespmem:s0+$0x0]  }
0x3dc: {  	_ =	sdelay $0x3  }
0x3dd: {  	v54 =	vld.idx.msk [tilespmem:v54+s10+$0x0], $0xffff;
	_ =	sdelay $0x2  }
0x3de: {  	v55 =	vmul.f32 v55, v53  }
0x3df: {  	p4 =	seq.s32 s22, $0x1  }
.Ltmp114:
0x3e0: {  	v56 =	vsub.f32 v55, v54;
	v54 =	vadd.s32 $0x1A00, v52;
	(pc) =	sbr.rel @p4 .LBB2_191-.Ltmp114, $4  }
0x3e1: {  	s20 =	sadd.s32 $0x10, s19  }
0x3e2: {  	v53 =	vld [tilespmem:s20+$0x0]  }
0x3e3: {  	s21 =	simm.s32 $0x2420;
	v55 =	vld.idx.msk [tilespmem:v52+s13+$0x0], $0xffff  }
0x3e4: {  	s22 =	sadd.s32 $0xFFFFFFFF, s22;
	p3 =	por $0x1, $0x1;
	v52 =	vld [tilespmem:s21+$0x0];
	v57 =	vand.u32 $0x7FFFFFFF, v56;
	v56 =	vmov v51  }
.LBB2_192:
0x3e5: {  	p4 =	seq.s32 s22, $0x1;
	v58 =	vld.idx.msk [tilespmem:v54+s10+$0x0], $0xffff;
	v56 =	vadd.f32 v57, v56;
	_ =	sdelay $0x3  }
.Ltmp115:
0x3e6: {  	v55 =	vmul.f32 v55, v53;
	v54 =	vadd.s32 $0x1A00, v52;
	(pc) =	sbr.rel @!p4 .LBB2_192-.Ltmp115, $4  }
0x3e7: {  	s20 =	sadd.s32 $0x10, s20  }
0x3e8: {  	v57 =	vsub.f32 v55, v58;
	v53 =	vld [tilespmem:s20+$0x0]  }
0x3e9: {  	s21 =	sadd.s32 $0x10, s21;
	v55 =	vld.idx.msk [tilespmem:v52+s13+$0x0], $0xffff  }
0x3ea: {  	s22 =	sadd.s32 $0xFFFFFFFF, s22;
	v57 =	vand.u32 $0x7FFFFFFF, v57;
	v52 =	vld [tilespmem:s21+$0x0]  }
.LBB2_193:
0x3eb: {  	_ =	sdelay $0x4  }
0x3ec: {  	s0 =	sadd.s32 @p2 $0x10, s20;
	v58 =	vadd.s32 $0x1A00, v52  }
0x3ed: {  	v54 =	vld.idx.msk @p2 [tilespmem:v54+s10+$0x0], $0xffff;
	s19 =	smov.u32 @p2 s0  }
0x3ee: {  	v59 =	vld [tilespmem:s19+$0x0]  }
0x3ef: {  	v61 =	vld.idx.msk [tilespmem:v52+s13+$0x0], $0xffff  }
0x3f0: {  	v53 =	vmul.f32 @p2 v55, v53  }
0x3f1: {  	v62 =	vld.idx.msk [tilespmem:v58+s10+$0x0], $0xffff  }
0x3f2: {  	v53 =	vsub.f32 @p2 v53, v54  }
0x3f3: {  	v54 =	vadd.f32 @p3 v57, v56  }
0x3f4: {  	v53 =	vand.u32 @p2 $0x7FFFFFFF, v53;
	v52 =	vmul.f32 v61, v59  }
.Ltmp116:
0x3f5: {  	v54 =	vpsel p3, v54, v51;
	v53 =	vpsel p2, v53, v0;
	(pc) =	sbr.rel @p0 .LBB2_194-.Ltmp116, $3  }
0x3f6: {  	s30 =	smul.u32 $0x380, s17;
	v53 =	vadd.f32 @p2 v53, v54;
	v52 =	vsub.f32 v52, v62;
	_ =	sdelay $0x1  }
0x3f7: {  	s31 =	simm.s32 $0x2400;
	s0 =	sshra.s32 s30, $0x2;
	v63 =	vpsel p2, v53, v51;
	v52 =	vand.u32 $0x7FFFFFFF, v52  }
0x3f8: {  	s19 =	sadd.s32 $0x4900, s0;
	p3 =	por $0x0, $0x0;
	p2 =	por $0x0, $0x0;
	v51 =	vadd.f32 v52, v63;
	v52 =	vld [tilespmem:s31+$0x0]  }
0x3f9: {  	_ =	sdelay $0x3  }
0x3fa: {  	p0 =	seq.s32 s18, $0x1  }
.Ltmp117:
0x3fb: {  	_ = 	snop;
	(pc) =	sbr.rel @p0 .LBB2_196-.Ltmp117, $4  }
0x3fc: {  	_ = 	snop  }
0x3fd: {  	v53 =	vld [tilespmem:s19+$0x0]  }
0x3fe: {  	s0 =	simm.s32 $0x2410;
	v55 =	vld.idx.msk [tilespmem:v52+s13+$0x0], $0xffff  }
0x3ff: {  	s22 =	sadd.s32 $0xFFFFFFFF, s18;
	p2 =	por $0x1, $0x1;
	v54 =	vadd.s32 $0x1C00, v52;
	v52 =	vld [tilespmem:s0+$0x0]  }
0x400: {  	_ =	sdelay $0x3  }
0x401: {  	v54 =	vld.idx.msk [tilespmem:v54+s10+$0x0], $0xffff;
	_ =	sdelay $0x2  }
0x402: {  	v55 =	vmul.f32 v55, v53  }
0x403: {  	p0 =	seq.s32 s22, $0x1  }
.Ltmp118:
0x404: {  	v56 =	vsub.f32 v55, v54;
	v54 =	vadd.s32 $0x1C00, v52;
	(pc) =	sbr.rel @p0 .LBB2_198-.Ltmp118, $4  }
0x405: {  	s20 =	sadd.s32 $0x10, s19  }
0x406: {  	v53 =	vld [tilespmem:s20+$0x0]  }
0x407: {  	s21 =	simm.s32 $0x2420;
	v55 =	vld.idx.msk [tilespmem:v52+s13+$0x0], $0xffff  }
0x408: {  	s22 =	sadd.s32 $0xFFFFFFFF, s22;
	p3 =	por $0x1, $0x1;
	v52 =	vld [tilespmem:s21+$0x0];
	v57 =	vand.u32 $0x7FFFFFFF, v56;
	v56 =	vmov v51  }
.LBB2_199:
0x409: {  	p0 =	seq.s32 s22, $0x1;
	v58 =	vld.idx.msk [tilespmem:v54+s10+$0x0], $0xffff;
	v56 =	vadd.f32 v57, v56;
	_ =	sdelay $0x3  }
.Ltmp119:
0x40a: {  	v55 =	vmul.f32 v55, v53;
	v54 =	vadd.s32 $0x1C00, v52;
	(pc) =	sbr.rel @!p0 .LBB2_199-.Ltmp119, $4  }
0x40b: {  	s20 =	sadd.s32 $0x10, s20  }
0x40c: {  	v57 =	vsub.f32 v55, v58;
	v53 =	vld [tilespmem:s20+$0x0]  }
0x40d: {  	s21 =	sadd.s32 $0x10, s21;
	v55 =	vld.idx.msk [tilespmem:v52+s13+$0x0], $0xffff  }
0x40e: {  	s22 =	sadd.s32 $0xFFFFFFFF, s22;
	v57 =	vand.u32 $0x7FFFFFFF, v57;
	v52 =	vld [tilespmem:s21+$0x0]  }
.LBB2_200:
0x40f: {  	_ =	sdelay $0x4  }
0x410: {  	s0 =	sadd.s32 @p2 $0x10, s20;
	v58 =	vadd.s32 $0x1C00, v52  }
0x411: {  	v54 =	vld.idx.msk @p2 [tilespmem:v54+s10+$0x0], $0xffff;
	s19 =	smov.u32 @p2 s0  }
0x412: {  	v59 =	vld [tilespmem:s19+$0x0]  }
0x413: {  	v61 =	vld.idx.msk [tilespmem:v52+s13+$0x0], $0xffff  }
0x414: {  	v53 =	vmul.f32 @p2 v55, v53  }
0x415: {  	v62 =	vld.idx.msk [tilespmem:v58+s10+$0x0], $0xffff  }
0x416: {  	v53 =	vsub.f32 @p2 v53, v54  }
0x417: {  	v54 =	vadd.f32 @p3 v57, v56  }
0x418: {  	v53 =	vand.u32 @p2 $0x7FFFFFFF, v53;
	v52 =	vmul.f32 v61, v59  }
.Ltmp120:
0x419: {  	v54 =	vpsel p3, v54, v51;
	v53 =	vpsel p2, v53, v0;
	(pc) =	sbr.rel @!p1 .LBB2_201-.Ltmp120, $3  }
0x41a: {  	s30 =	smul.u32 $0x3C0, s17;
	v53 =	vadd.f32 @p2 v53, v54;
	v52 =	vsub.f32 v52, v62;
	_ =	sdelay $0x1  }
0x41b: {  	s31 =	simm.s32 $0x2400;
	s0 =	sshra.s32 s30, $0x2;
	v63 =	vpsel p2, v53, v51;
	v52 =	vand.u32 $0x7FFFFFFF, v52  }
0x41c: {  	p0 =	por $0x0, $0x0;
	s17 =	sadd.s32 $0x4900, s0;
	p2 =	por $0x0, $0x0;
	v51 =	vadd.f32 v52, v63;
	v52 =	vld [tilespmem:s31+$0x0]  }
0x41d: {  	_ =	sdelay $0x3  }
0x41e: {  	p1 =	sne.s32 s18, $0x1  }
.Ltmp121:
0x41f: {  	_ = 	snop;
	(pc) =	sbr.rel @!p1 .LBB2_203-.Ltmp121, $4  }
0x420: {  	_ = 	snop  }
0x421: {  	v53 =	vld [tilespmem:s17+$0x0]  }
0x422: {  	s0 =	simm.s32 $0x2410;
	v55 =	vld.idx.msk [tilespmem:v52+s13+$0x0], $0xffff  }
0x423: {  	s20 =	sadd.s32 $0xFFFFFFFF, s18;
	p0 =	por $0x1, $0x1;
	v54 =	vadd.s32 $0x1E00, v52;
	v52 =	vld [tilespmem:s0+$0x0]  }
0x424: {  	_ =	sdelay $0x3  }
0x425: {  	v54 =	vld.idx.msk [tilespmem:v54+s10+$0x0], $0xffff;
	_ =	sdelay $0x2  }
0x426: {  	v55 =	vmul.f32 v55, v53  }
0x427: {  	p1 =	sne.s32 s20, $0x1  }
.Ltmp122:
0x428: {  	v56 =	vsub.f32 v55, v54;
	v54 =	vadd.s32 $0x1E00, v52;
	(pc) =	sbr.rel @!p1 .LBB2_205-.Ltmp122, $4  }
0x429: {  	s18 =	sadd.s32 $0x10, s17  }
0x42a: {  	v53 =	vld [tilespmem:s18+$0x0]  }
0x42b: {  	s19 =	simm.s32 $0x2420;
	v55 =	vld.idx.msk [tilespmem:v52+s13+$0x0], $0xffff  }
0x42c: {  	s20 =	sadd.s32 $0xFFFFFFFF, s20;
	p2 =	por $0x1, $0x1;
	v52 =	vld [tilespmem:s19+$0x0];
	v57 =	vand.u32 $0x7FFFFFFF, v56;
	v56 =	vmov v51  }
.LBB2_206:
0x42d: {  	p1 =	sne.s32 s20, $0x1;
	v58 =	vld.idx.msk [tilespmem:v54+s10+$0x0], $0xffff;
	v56 =	vadd.f32 v57, v56;
	_ =	sdelay $0x3  }
.Ltmp123:
0x42e: {  	v55 =	vmul.f32 v55, v53;
	v54 =	vadd.s32 $0x1E00, v52;
	(pc) =	sbr.rel @p1 .LBB2_206-.Ltmp123, $4  }
0x42f: {  	s18 =	sadd.s32 $0x10, s18  }
0x430: {  	v57 =	vsub.f32 v55, v58;
	v53 =	vld [tilespmem:s18+$0x0]  }
0x431: {  	s19 =	sadd.s32 $0x10, s19;
	v55 =	vld.idx.msk [tilespmem:v52+s13+$0x0], $0xffff  }
0x432: {  	s20 =	sadd.s32 $0xFFFFFFFF, s20;
	v57 =	vand.u32 $0x7FFFFFFF, v57;
	v52 =	vld [tilespmem:s19+$0x0]  }
.LBB2_207:
0x433: {  	_ =	sdelay $0x4  }
0x434: {  	s0 =	sadd.s32 @p0 $0x10, s18;
	v58 =	vadd.s32 $0x1E00, v52  }
0x435: {  	v54 =	vld.idx.msk @p0 [tilespmem:v54+s10+$0x0], $0xffff;
	s17 =	smov.u32 @p0 s0  }
0x436: {  	v59 =	vld [tilespmem:s17+$0x0]  }
0x437: {  	v61 =	vld.idx.msk [tilespmem:v52+s13+$0x0], $0xffff  }
0x438: {  	v53 =	vmul.f32 @p0 v55, v53  }
0x439: {  	v62 =	vld.idx.msk [tilespmem:v58+s10+$0x0], $0xffff  }
0x43a: {  	v53 =	vsub.f32 @p0 v53, v54  }
0x43b: {  	v54 =	vadd.f32 @p2 v57, v56  }
0x43c: {  	v53 =	vand.u32 @p0 $0x7FFFFFFF, v53;
	v52 =	vmul.f32 v61, v59  }
.Ltmp124:
0x43d: {  	v54 =	vpsel p2, v54, v51;
	v53 =	vpsel p0, v53, v0;
	(pc) =	sbr.rel .LBB2_208-.Ltmp124, $3  }
0x43e: {  	v53 =	vadd.f32 @p0 v53, v54;
	v52 =	vsub.f32 v52, v62;
	_ =	sdelay $0x1  }
0x43f: {  	v63 =	vpsel p0, v53, v51;
	v52 =	vand.u32 $0x7FFFFFFF, v52  }
0x440: {  	v51 =	vadd.f32 v52, v63  }
.LBB2_5:
.Ltmp125:
0x441: {  	(pc) =	sbr.rel .LBB2_9-.Ltmp125, $2  }
0x442: {  	_ =	sdelay $0x2  }
0x443: {  	s26 =	simm.s32 $0x2900;
	p2 =	por $0x0, $0x0  }
.LBB2_10:
.Ltmp126:
0x444: {  	(pc) =	sbr.rel .LBB2_14-.Ltmp126, $2  }
0x445: {  	_ =	sdelay $0x2  }
0x446: {  	s24 =	smov.u32 s25  }
.LBB2_15:
.Ltmp127:
0x447: {  	(pc) =	sbr.rel .LBB2_19-.Ltmp127, $2  }
0x448: {  	_ =	sdelay $0x2  }
0x449: {  	s26 =	smov.u32 s25;
	p2 =	por $0x0, $0x0  }
.LBB2_20:
.Ltmp128:
0x44a: {  	(pc) =	sbr.rel .LBB2_24-.Ltmp128, $2  }
0x44b: {  	_ =	sdelay $0x2  }
0x44c: {  	s24 =	smov.u32 s25  }
.LBB2_25:
.Ltmp129:
0x44d: {  	(pc) =	sbr.rel .LBB2_29-.Ltmp129, $2  }
0x44e: {  	_ =	sdelay $0x2  }
0x44f: {  	s26 =	smov.u32 s25;
	p2 =	por $0x0, $0x0  }
.LBB2_30:
.Ltmp130:
0x450: {  	(pc) =	sbr.rel .LBB2_34-.Ltmp130, $2  }
0x451: {  	_ =	sdelay $0x2  }
0x452: {  	s24 =	smov.u32 s25  }
.LBB2_35:
.Ltmp131:
0x453: {  	(pc) =	sbr.rel .LBB2_39-.Ltmp131, $2  }
0x454: {  	_ =	sdelay $0x2  }
0x455: {  	s26 =	smov.u32 s25;
	p2 =	por $0x0, $0x0  }
.LBB2_40:
.Ltmp132:
0x456: {  	(pc) =	sbr.rel .LBB2_44-.Ltmp132, $2  }
0x457: {  	_ =	sdelay $0x2  }
0x458: {  	s24 =	smov.u32 s25  }
.LBB2_47:
.Ltmp133:
0x459: {  	(pc) =	sbr.rel .LBB2_51-.Ltmp133, $2  }
0x45a: {  	_ =	sdelay $0x2  }
0x45b: {  	s28 =	simm.s32 $0x0;
	p2 =	por $0x0, $0x0  }
.LBB2_52:
.Ltmp134:
0x45c: {  	(pc) =	sbr.rel .LBB2_56-.Ltmp134, $2  }
0x45d: {  	_ =	sdelay $0x2  }
0x45e: {  	s24 =	smov.u32 s25  }
.LBB2_57:
.Ltmp135:
0x45f: {  	(pc) =	sbr.rel .LBB2_61-.Ltmp135, $2  }
0x460: {  	_ =	sdelay $0x2  }
0x461: {  	s26 =	smov.u32 s25;
	p2 =	por $0x0, $0x0  }
.LBB2_62:
.Ltmp136:
0x462: {  	(pc) =	sbr.rel .LBB2_66-.Ltmp136, $2  }
0x463: {  	_ =	sdelay $0x2  }
0x464: {  	s24 =	smov.u32 s25  }
.LBB2_67:
.Ltmp137:
0x465: {  	(pc) =	sbr.rel .LBB2_71-.Ltmp137, $2  }
0x466: {  	_ =	sdelay $0x2  }
0x467: {  	s26 =	smov.u32 s25;
	p2 =	por $0x0, $0x0  }
.LBB2_72:
.Ltmp138:
0x468: {  	(pc) =	sbr.rel .LBB2_76-.Ltmp138, $2  }
0x469: {  	_ =	sdelay $0x2  }
0x46a: {  	s24 =	smov.u32 s25  }
.LBB2_77:
.Ltmp139:
0x46b: {  	(pc) =	sbr.rel .LBB2_81-.Ltmp139, $2  }
0x46c: {  	_ =	sdelay $0x2  }
0x46d: {  	s26 =	smov.u32 s25;
	p2 =	por $0x0, $0x0  }
.LBB2_82:
.Ltmp140:
0x46e: {  	(pc) =	sbr.rel .LBB2_86-.Ltmp140, $2  }
0x46f: {  	_ =	sdelay $0x2  }
0x470: {  	s24 =	smov.u32 s25  }
.LBB2_92:
.Ltmp141:
0x471: {  	_ = 	snop;
	(pc) =	sbr.rel .LBB2_99-.Ltmp141, $2  }
0x472: {  	_ =	sdelay $0x2  }
0x473: {  	v55 =	vimm.f32 $0.0e+00;
	s25 =	simm.s32 $0x4900;
	v53 =	vmov v56  }
.LBB2_100:
.Ltmp142:
0x474: {  	(pc) =	sbr.rel .LBB2_106-.Ltmp142, $2  }
0x475: {  	_ =	sdelay $0x2  }
0x476: {  	s24 =	smov.u32 s22;
	v56 =	vmov v51  }
.LBB2_107:
.Ltmp143:
0x477: {  	(pc) =	sbr.rel .LBB2_113-.Ltmp143, $2  }
0x478: {  	_ =	sdelay $0x2  }
0x479: {  	s22 =	smov.u32 s21;
	v56 =	vmov v51  }
.LBB2_114:
.Ltmp144:
0x47a: {  	(pc) =	sbr.rel .LBB2_120-.Ltmp144, $2  }
0x47b: {  	_ =	sdelay $0x2  }
0x47c: {  	s22 =	smov.u32 s21;
	v56 =	vmov v51  }
.LBB2_121:
.Ltmp145:
0x47d: {  	(pc) =	sbr.rel .LBB2_127-.Ltmp145, $2  }
0x47e: {  	_ =	sdelay $0x2  }
0x47f: {  	s22 =	smov.u32 s21;
	v56 =	vmov v51  }
.LBB2_128:
.Ltmp146:
0x480: {  	(pc) =	sbr.rel .LBB2_134-.Ltmp146, $2  }
0x481: {  	_ =	sdelay $0x2  }
0x482: {  	s22 =	smov.u32 s21;
	v56 =	vmov v51  }
.LBB2_135:
.Ltmp147:
0x483: {  	(pc) =	sbr.rel .LBB2_141-.Ltmp147, $2  }
0x484: {  	_ =	sdelay $0x2  }
0x485: {  	s22 =	smov.u32 s21;
	v56 =	vmov v51  }
.LBB2_142:
.Ltmp148:
0x486: {  	(pc) =	sbr.rel .LBB2_148-.Ltmp148, $2  }
0x487: {  	_ =	sdelay $0x2  }
0x488: {  	s22 =	smov.u32 s21;
	v56 =	vmov v51  }
.LBB2_151:
.Ltmp149:
0x489: {  	_ = 	snop;
	(pc) =	sbr.rel .LBB2_158-.Ltmp149, $2  }
0x48a: {  	_ =	sdelay $0x2  }
0x48b: {  	v52 =	vmov v51;
	s21 =	simm.s32 $0x0;
	v56 =	vmov v55  }
.LBB2_159:
.Ltmp150:
0x48c: {  	(pc) =	sbr.rel .LBB2_165-.Ltmp150, $2  }
0x48d: {  	_ =	sdelay $0x2  }
0x48e: {  	s20 =	smov.u32 s19;
	v56 =	vmov v51  }
.LBB2_166:
.Ltmp151:
0x48f: {  	(pc) =	sbr.rel .LBB2_172-.Ltmp151, $2  }
0x490: {  	_ =	sdelay $0x2  }
0x491: {  	s20 =	smov.u32 s19;
	v56 =	vmov v51  }
.LBB2_173:
.Ltmp152:
0x492: {  	(pc) =	sbr.rel .LBB2_179-.Ltmp152, $2  }
0x493: {  	_ =	sdelay $0x2  }
0x494: {  	s20 =	smov.u32 s19;
	v56 =	vmov v51  }
.LBB2_180:
.Ltmp153:
0x495: {  	(pc) =	sbr.rel .LBB2_186-.Ltmp153, $2  }
0x496: {  	_ =	sdelay $0x2  }
0x497: {  	s20 =	smov.u32 s19;
	v56 =	vmov v51  }
.LBB2_187:
.Ltmp154:
0x498: {  	(pc) =	sbr.rel .LBB2_193-.Ltmp154, $2  }
0x499: {  	_ =	sdelay $0x2  }
0x49a: {  	s20 =	smov.u32 s19;
	v56 =	vmov v51  }
.LBB2_194:
.Ltmp155:
0x49b: {  	(pc) =	sbr.rel .LBB2_200-.Ltmp155, $2  }
0x49c: {  	_ =	sdelay $0x2  }
0x49d: {  	s20 =	smov.u32 s19;
	v56 =	vmov v51  }
.LBB2_201:
.Ltmp156:
0x49e: {  	(pc) =	sbr.rel .LBB2_207-.Ltmp156, $2  }
0x49f: {  	_ =	sdelay $0x2  }
0x4a0: {  	s18 =	smov.u32 s17;
	v56 =	vmov v51  }
.LBB2_7:
.Ltmp157:
0x4a1: {  	(pc) =	sbr.rel .LBB2_9-.Ltmp157, $2  }
0x4a2: {  	_ =	sdelay $0x2  }
0x4a3: {  	s26 =	simm.s32 $0x2900  }
.LBB2_12:
.Ltmp158:
0x4a4: {  	(pc) =	sbr.rel .LBB2_14-.Ltmp158, $2  }
0x4a5: {  	_ =	sdelay $0x2  }
0x4a6: {  	s24 =	smov.u32 s25  }
.LBB2_17:
.Ltmp159:
0x4a7: {  	(pc) =	sbr.rel .LBB2_19-.Ltmp159, $2  }
0x4a8: {  	_ =	sdelay $0x2  }
0x4a9: {  	s26 =	smov.u32 s25  }
.LBB2_22:
.Ltmp160:
0x4aa: {  	(pc) =	sbr.rel .LBB2_24-.Ltmp160, $2  }
0x4ab: {  	_ =	sdelay $0x2  }
0x4ac: {  	s24 =	smov.u32 s25  }
.LBB2_27:
.Ltmp161:
0x4ad: {  	(pc) =	sbr.rel .LBB2_29-.Ltmp161, $2  }
0x4ae: {  	_ =	sdelay $0x2  }
0x4af: {  	s26 =	smov.u32 s25  }
.LBB2_32:
.Ltmp162:
0x4b0: {  	(pc) =	sbr.rel .LBB2_34-.Ltmp162, $2  }
0x4b1: {  	_ =	sdelay $0x2  }
0x4b2: {  	s24 =	smov.u32 s25  }
.LBB2_37:
.Ltmp163:
0x4b3: {  	(pc) =	sbr.rel .LBB2_39-.Ltmp163, $2  }
0x4b4: {  	_ =	sdelay $0x2  }
0x4b5: {  	s26 =	smov.u32 s25  }
.LBB2_42:
.Ltmp164:
0x4b6: {  	(pc) =	sbr.rel .LBB2_44-.Ltmp164, $2  }
0x4b7: {  	_ =	sdelay $0x2  }
0x4b8: {  	s24 =	smov.u32 s25  }
.LBB2_49:
.Ltmp165:
0x4b9: {  	(pc) =	sbr.rel .LBB2_51-.Ltmp165, $2  }
0x4ba: {  	_ =	sdelay $0x2  }
0x4bb: {  	s28 =	simm.s32 $0x0  }
.LBB2_54:
.Ltmp166:
0x4bc: {  	(pc) =	sbr.rel .LBB2_56-.Ltmp166, $2  }
0x4bd: {  	_ =	sdelay $0x2  }
0x4be: {  	s24 =	smov.u32 s25  }
.LBB2_59:
.Ltmp167:
0x4bf: {  	(pc) =	sbr.rel .LBB2_61-.Ltmp167, $2  }
0x4c0: {  	_ =	sdelay $0x2  }
0x4c1: {  	s26 =	smov.u32 s25  }
.LBB2_64:
.Ltmp168:
0x4c2: {  	(pc) =	sbr.rel .LBB2_66-.Ltmp168, $2  }
0x4c3: {  	_ =	sdelay $0x2  }
0x4c4: {  	s24 =	smov.u32 s25  }
.LBB2_69:
.Ltmp169:
0x4c5: {  	(pc) =	sbr.rel .LBB2_71-.Ltmp169, $2  }
0x4c6: {  	_ =	sdelay $0x2  }
0x4c7: {  	s26 =	smov.u32 s25  }
.LBB2_74:
.Ltmp170:
0x4c8: {  	(pc) =	sbr.rel .LBB2_76-.Ltmp170, $2  }
0x4c9: {  	_ =	sdelay $0x2  }
0x4ca: {  	s24 =	smov.u32 s25  }
.LBB2_79:
.Ltmp171:
0x4cb: {  	(pc) =	sbr.rel .LBB2_81-.Ltmp171, $2  }
0x4cc: {  	_ =	sdelay $0x2  }
0x4cd: {  	s26 =	smov.u32 s25  }
.LBB2_84:
.Ltmp172:
0x4ce: {  	(pc) =	sbr.rel .LBB2_86-.Ltmp172, $2  }
0x4cf: {  	_ =	sdelay $0x2  }
0x4d0: {  	s24 =	smov.u32 s25  }
.LBB2_94:
.Ltmp173:
0x4d1: {  	(pc) =	sbr.rel .LBB2_99-.Ltmp173, $2  }
0x4d2: {  	_ =	sdelay $0x2  }
0x4d3: {  	v55 =	vimm.f32 $0.0e+00;
	s25 =	simm.s32 $0x4900  }
.LBB2_102:
.Ltmp174:
0x4d4: {  	(pc) =	sbr.rel .LBB2_106-.Ltmp174, $2  }
0x4d5: {  	_ =	sdelay $0x2  }
0x4d6: {  	v56 =	vmov v51;
	s24 =	smov.u32 s22  }
.LBB2_109:
.Ltmp175:
0x4d7: {  	(pc) =	sbr.rel .LBB2_113-.Ltmp175, $2  }
0x4d8: {  	_ =	sdelay $0x2  }
0x4d9: {  	v56 =	vmov v51;
	s22 =	smov.u32 s21  }
.LBB2_116:
.Ltmp176:
0x4da: {  	(pc) =	sbr.rel .LBB2_120-.Ltmp176, $2  }
0x4db: {  	_ =	sdelay $0x2  }
0x4dc: {  	v56 =	vmov v51;
	s22 =	smov.u32 s21  }
.LBB2_123:
.Ltmp177:
0x4dd: {  	(pc) =	sbr.rel .LBB2_127-.Ltmp177, $2  }
0x4de: {  	_ =	sdelay $0x2  }
0x4df: {  	v56 =	vmov v51;
	s22 =	smov.u32 s21  }
.LBB2_130:
.Ltmp178:
0x4e0: {  	(pc) =	sbr.rel .LBB2_134-.Ltmp178, $2  }
0x4e1: {  	_ =	sdelay $0x2  }
0x4e2: {  	v56 =	vmov v51;
	s22 =	smov.u32 s21  }
.LBB2_137:
.Ltmp179:
0x4e3: {  	(pc) =	sbr.rel .LBB2_141-.Ltmp179, $2  }
0x4e4: {  	_ =	sdelay $0x2  }
0x4e5: {  	v56 =	vmov v51;
	s22 =	smov.u32 s21  }
.LBB2_144:
.Ltmp180:
0x4e6: {  	(pc) =	sbr.rel .LBB2_148-.Ltmp180, $2  }
0x4e7: {  	_ =	sdelay $0x2  }
0x4e8: {  	v56 =	vmov v51;
	s22 =	smov.u32 s21  }
.LBB2_153:
.Ltmp181:
0x4e9: {  	(pc) =	sbr.rel .LBB2_158-.Ltmp181, $2  }
0x4ea: {  	_ =	sdelay $0x2  }
0x4eb: {  	v52 =	vmov v51;
	s21 =	simm.s32 $0x0  }
.LBB2_161:
.Ltmp182:
0x4ec: {  	(pc) =	sbr.rel .LBB2_165-.Ltmp182, $2  }
0x4ed: {  	_ =	sdelay $0x2  }
0x4ee: {  	v56 =	vmov v51;
	s20 =	smov.u32 s19  }
.LBB2_168:
.Ltmp183:
0x4ef: {  	(pc) =	sbr.rel .LBB2_172-.Ltmp183, $2  }
0x4f0: {  	_ =	sdelay $0x2  }
0x4f1: {  	v56 =	vmov v51;
	s20 =	smov.u32 s19  }
.LBB2_175:
.Ltmp184:
0x4f2: {  	(pc) =	sbr.rel .LBB2_179-.Ltmp184, $2  }
0x4f3: {  	_ =	sdelay $0x2  }
0x4f4: {  	v56 =	vmov v51;
	s20 =	smov.u32 s19  }
.LBB2_182:
.Ltmp185:
0x4f5: {  	(pc) =	sbr.rel .LBB2_186-.Ltmp185, $2  }
0x4f6: {  	_ =	sdelay $0x2  }
0x4f7: {  	v56 =	vmov v51;
	s20 =	smov.u32 s19  }
.LBB2_189:
.Ltmp186:
0x4f8: {  	(pc) =	sbr.rel .LBB2_193-.Ltmp186, $2  }
0x4f9: {  	_ =	sdelay $0x2  }
0x4fa: {  	v56 =	vmov v51;
	s20 =	smov.u32 s19  }
.LBB2_196:
.Ltmp187:
0x4fb: {  	(pc) =	sbr.rel .LBB2_200-.Ltmp187, $2  }
0x4fc: {  	_ =	sdelay $0x2  }
0x4fd: {  	v56 =	vmov v51;
	s20 =	smov.u32 s19  }
.LBB2_203:
.Ltmp188:
0x4fe: {  	(pc) =	sbr.rel .LBB2_207-.Ltmp188, $2  }
0x4ff: {  	_ =	sdelay $0x2  }
0x500: {  	v56 =	vmov v51;
	s18 =	smov.u32 s17  }
.LBB2_96:
.Ltmp189:
0x501: {  	(pc) =	sbr.rel .LBB2_99-.Ltmp189, $2  }
0x502: {  	_ =	sdelay $0x2  }
0x503: {  	v56 =	vmov v53;
	v55 =	vimm.f32 $0.0e+00;
	v53 =	vmov v58  }
.LBB2_104:
.Ltmp190:
0x504: {  	(pc) =	sbr.rel .LBB2_106-.Ltmp190, $2  }
0x505: {  	_ =	sdelay $0x2  }
0x506: {  	v56 =	vmov v51  }
.LBB2_111:
.Ltmp191:
0x507: {  	(pc) =	sbr.rel .LBB2_113-.Ltmp191, $2  }
0x508: {  	_ =	sdelay $0x2  }
0x509: {  	v56 =	vmov v51  }
.LBB2_118:
.Ltmp192:
0x50a: {  	(pc) =	sbr.rel .LBB2_120-.Ltmp192, $2  }
0x50b: {  	_ =	sdelay $0x2  }
0x50c: {  	v56 =	vmov v51  }
.LBB2_125:
.Ltmp193:
0x50d: {  	(pc) =	sbr.rel .LBB2_127-.Ltmp193, $2  }
0x50e: {  	_ =	sdelay $0x2  }
0x50f: {  	v56 =	vmov v51  }
.LBB2_132:
.Ltmp194:
0x510: {  	(pc) =	sbr.rel .LBB2_134-.Ltmp194, $2  }
0x511: {  	_ =	sdelay $0x2  }
0x512: {  	v56 =	vmov v51  }
.LBB2_139:
.Ltmp195:
0x513: {  	(pc) =	sbr.rel .LBB2_141-.Ltmp195, $2  }
0x514: {  	_ =	sdelay $0x2  }
0x515: {  	v56 =	vmov v51  }
.LBB2_146:
.Ltmp196:
0x516: {  	(pc) =	sbr.rel .LBB2_148-.Ltmp196, $2  }
0x517: {  	_ =	sdelay $0x2  }
0x518: {  	v56 =	vmov v51  }
.LBB2_155:
.Ltmp197:
0x519: {  	(pc) =	sbr.rel .LBB2_158-.Ltmp197, $2  }
0x51a: {  	_ =	sdelay $0x2  }
0x51b: {  	v52 =	vmov v51;
	v56 =	vmov v58  }
.LBB2_163:
.Ltmp198:
0x51c: {  	(pc) =	sbr.rel .LBB2_165-.Ltmp198, $2  }
0x51d: {  	_ =	sdelay $0x2  }
0x51e: {  	v56 =	vmov v51  }
.LBB2_170:
.Ltmp199:
0x51f: {  	(pc) =	sbr.rel .LBB2_172-.Ltmp199, $2  }
0x520: {  	_ =	sdelay $0x2  }
0x521: {  	v56 =	vmov v51  }
.LBB2_177:
.Ltmp200:
0x522: {  	(pc) =	sbr.rel .LBB2_179-.Ltmp200, $2  }
0x523: {  	_ =	sdelay $0x2  }
0x524: {  	v56 =	vmov v51  }
.LBB2_184:
.Ltmp201:
0x525: {  	(pc) =	sbr.rel .LBB2_186-.Ltmp201, $2  }
0x526: {  	_ =	sdelay $0x2  }
0x527: {  	v56 =	vmov v51  }
.LBB2_191:
.Ltmp202:
0x528: {  	(pc) =	sbr.rel .LBB2_193-.Ltmp202, $2  }
0x529: {  	_ =	sdelay $0x2  }
0x52a: {  	v56 =	vmov v51  }
.LBB2_198:
.Ltmp203:
0x52b: {  	(pc) =	sbr.rel .LBB2_200-.Ltmp203, $2  }
0x52c: {  	_ =	sdelay $0x2  }
0x52d: {  	v56 =	vmov v51  }
.LBB2_205:
.Ltmp204:
0x52e: {  	(pc) =	sbr.rel .LBB2_207-.Ltmp204, $2  }
0x52f: {  	_ =	sdelay $0x2  }
0x530: {  	v56 =	vmov v51  }
.LBB2_209:
0x531: {  	_ =	sfence.sel $0x180000  }
0x532: {  	[bflag:$0x0] =	sbarrier.arrive $0xFFFF  }
0x533: {  	_ =	strace $0x90000047  }
0x534: {  	[bflag:$0x2] =	sbarrier.arrive $0xFFFF  }
0x535: {  	p0 =	sne.s32 s2, $0x0;
	s0 =	rddreg [dreg:$0x2]  }
0x536: {  	s0 =	sadd.s32 @!p0 $0x100000, s0  }
0x537: {  	[sflag:s0] =	ssyncadd.tile.s32 @!p0 $0x1;
	_ =	shalt  }
.Lfunc_end2:
_tile_overlayer_lowered:
.L_overlay_start_2:
0x538: {  	(tag) =	ssettag $0x2  }
0x539: {  	s0 =	rddreg [dreg:$0x0];
	s2 =	stileid.u32  }
0x53a: {  	s1 =	rddreg [dreg:$0x1];
	p0 =	sne.s32 s2, $0x0  }
0x53b: {  	s3 =	rddreg [dreg:$0x2];
	[bflag:$0x3] =	sbarrier.arrive $0xFFFF;
	s2 =	simm.s32 @!p0 $0x1C03  }
0x53c: {  	[timem:s3], [sflag:s2] =	dma.local @!p0 [hbm:s0], s1  }
0x53d: {  	s0 =	simm.s32 @!p0 $0x3  }
0x53e: {  	_ =	swait.ge @!p0 [sflag:s0], s1  }
0x53f: {  	s1 =	ssub.s32 @!p0 $0x0, s1;
	[sflag:s0] =	ssyncset.done @!p0 $0x0  }
0x540: {  	[sflag:s0] =	ssyncadd.s32 @!p0 s1  }
0x541: {  	[bflag:$0x3] =	sbarrier.arrive $0xFFFF  }
0x542: {  	_ =	shalt  }

</sc_bundles>
